<compile_context>
chip_gen: v7x
topology: tpu7x:2x2x1
jax: 0.10.2.dev20260603
libtpu: 0.0.44.dev20260713+nightly
codegen_flags: <defaults>
</compile_context>

<pallas_src>
import functools

import jax
import jax.numpy as jnp
from jax import lax
from jax.experimental import pallas as pl
from jax.experimental.pallas import tpu as pltpu
from jax.experimental.pallas import tpu_sc as plsc

N_AG = 10000
N_AB = 2000
D_IN = 128
D_HID = 128
D_OUT = 64
D = 128

NPG = 10240
NPB = 2048
EPG = 163840
EPB = 32768

NC = 2
NS = 16
NW = NC * NS
K = 128
BLK = 1024
OBLK = 400
CBLK = 2000



def _seg_pass(src_v, dst_v, tab_hbm, zero_hbm, out_hbm, rows_v, acc_sh,
              sem_g, sem_s, n_pad, chunks, c, s):
  rpt = n_pad // NS
  r0 = s * rpt
  pltpu.sync_copy(zero_hbm.at[pl.ds(r0, rpt)], acc_sh.at[pl.ds(r0, rpt)])
  plsc.subcore_barrier()

  pltpu.async_copy(tab_hbm.at[src_v.at[0]], rows_v.at[0], sem_g)

  def body(i, carry):
    b = lax.rem(i, 2)

    @pl.when(i >= 1)
    def _():
      pltpu.make_async_copy(
          rows_v.at[1 - b], acc_sh.at[dst_v.at[i - 1]], sem_s).wait()

    @pl.when(i + 1 < chunks)
    def _():
      pltpu.async_copy(tab_hbm.at[src_v.at[i + 1]], rows_v.at[1 - b], sem_g)

    pltpu.make_async_copy(tab_hbm.at[src_v.at[i]], rows_v.at[b], sem_g).wait()
    pltpu.async_copy(rows_v.at[b], acc_sh.at[dst_v.at[i]], sem_s, add=True)
    return carry

  lax.fori_loop(0, chunks, body, 0)
  pltpu.make_async_copy(
      rows_v.at[(chunks - 1) % 2],
      acc_sh.at[dst_v.at[chunks - 1]], sem_s).wait()
  plsc.subcore_barrier()
  pltpu.sync_copy(acc_sh.at[pl.ds(r0, rpt)], out_hbm.at[c, pl.ds(r0, rpt)])


@functools.lru_cache(maxsize=None)
def _make_segsum(n_pad, e_pad):
  chunks = e_pad // NW // K
  mesh = plsc.VectorSubcoreMesh(core_axis_name="c", subcore_axis_name="s")

  @functools.partial(
      pl.kernel,
      mesh=mesh,
      out_type=jax.ShapeDtypeStruct((NC, n_pad, D), jnp.float32),
      scratch_types=[
          pltpu.VMEM((chunks, K), jnp.int32),
          pltpu.VMEM((chunks, K), jnp.int32),
          pltpu.VMEM((2, K, D), jnp.float32),
          pltpu.VMEM_SHARED((n_pad, D), jnp.float32),
          pltpu.SemaphoreType.DMA,
          pltpu.SemaphoreType.DMA,
      ],
  )
  def seg(src_hbm, dst_hbm, tab_hbm, zero_hbm, out_hbm,
          src_v, dst_v, rows_v, acc_sh, sem_g, sem_s):
    c = lax.axis_index("c")
    s = lax.axis_index("s")
    wid = s * NC + c
    pltpu.sync_copy(src_hbm.at[wid], src_v)
    pltpu.sync_copy(dst_hbm.at[wid], dst_v)
    _seg_pass(src_v, dst_v, tab_hbm, zero_hbm, out_hbm, rows_v, acc_sh,
              sem_g, sem_s, n_pad, chunks, c, s)

  return seg


@functools.lru_cache(maxsize=None)
def _make_deghist(n_pad, e_pad):
  groups = e_pad // NW // 16
  mesh = plsc.VectorSubcoreMesh(core_axis_name="c", subcore_axis_name="s")

  @functools.partial(
      pl.kernel,
      mesh=mesh,
      out_type=jax.ShapeDtypeStruct((NW, n_pad), jnp.float32),
      scratch_types=[
          pltpu.VMEM((groups, 16), jnp.int32),
          pltpu.VMEM((n_pad,), jnp.float32),
      ],
      compiler_params=pltpu.CompilerParams(needs_layout_passes=False),
  )
  def deg(dst_hbm, out_hbm, dst_v, hist):
    c = lax.axis_index("c")
    s = lax.axis_index("s")
    wid = s * NC + c
    pltpu.sync_copy(dst_hbm.at[wid], dst_v)

    def zero(i, carry):
      hist[pl.ds(i * 16, 16)] = jnp.zeros((16,), jnp.float32)
      return carry

    lax.fori_loop(0, n_pad // 16, zero, 0)

    ones = jnp.ones((16,), jnp.float32)

    def body(i, carry):
      plsc.addupdate_scatter(hist, [dst_v[i]], ones)
      return carry

    lax.fori_loop(0, groups, body, 0)
    pltpu.sync_copy(hist, out_hbm.at[wid])

  return deg



def _dis_body(dp_ref, out_ref):
  deg = jnp.sum(dp_ref[...], axis=0) + 1.0
  out_ref[...] = lax.rsqrt(deg)[:, None]


def _dis(dp, n_pad):
  return pl.pallas_call(
      _dis_body,
      grid=(n_pad // BLK,),
      in_specs=[pl.BlockSpec((NW, BLK), lambda i: (0, i))],
      out_specs=pl.BlockSpec((BLK, 1), lambda i: (i, 0)),
      out_shape=jax.ShapeDtypeStruct((n_pad, 1), jnp.float32),
  )(dp)


def _mm_scale_body(x_ref, w_ref, dis_ref, out_ref):
  h = jnp.dot(x_ref[...], w_ref[...], preferred_element_type=jnp.float32)
  out_ref[...] = h * dis_ref[...]


def _mm_scale(x, w, dis, n_pad):
  return pl.pallas_call(
      _mm_scale_body,
      grid=(n_pad // BLK,),
      in_specs=[
          pl.BlockSpec((BLK, D), lambda i: (i, 0)),
          pl.BlockSpec((D, D), lambda i: (0, 0)),
          pl.BlockSpec((BLK, 1), lambda i: (i, 0)),
      ],
      out_specs=pl.BlockSpec((BLK, D), lambda i: (i, 0)),
      out_shape=jax.ShapeDtypeStruct((n_pad, D), jnp.float32),
  )(x, w, dis)


def _combine_mm_body(acc_ref, hs_ref, dis_ref, b_ref, w_ref, out_ref):
  dis = dis_ref[...]
  s = acc_ref[0] + acc_ref[1] + hs_ref[...]
  h = jnp.maximum(s * dis + b_ref[...], 0.0)
  h2 = jnp.dot(h, w_ref[...], preferred_element_type=jnp.float32)
  out_ref[...] = h2 * dis


def _combine_mm(acc, hs, dis, b, w, n_pad):
  return pl.pallas_call(
      _combine_mm_body,
      grid=(n_pad // BLK,),
      in_specs=[
          pl.BlockSpec((NC, BLK, D), lambda i: (0, i, 0)),
          pl.BlockSpec((BLK, D), lambda i: (i, 0)),
          pl.BlockSpec((BLK, 1), lambda i: (i, 0)),
          pl.BlockSpec((1, D), lambda i: (0, 0)),
          pl.BlockSpec((D, D), lambda i: (0, 0)),
      ],
      out_specs=pl.BlockSpec((BLK, D), lambda i: (i, 0)),
      out_shape=jax.ShapeDtypeStruct((n_pad, D), jnp.float32),
  )(acc, hs, dis, b, w)


def _combine_body(acc_ref, hs_ref, dis_ref, b_ref, out_ref):
  s = acc_ref[0] + acc_ref[1] + hs_ref[...]
  out_ref[...] = jnp.maximum(s * dis_ref[...] + b_ref[...], 0.0)[:, :D_OUT]


def _combine(acc, hs, dis, b, n, n_pad):
  return pl.pallas_call(
      _combine_body,
      grid=(n // CBLK,),
      in_specs=[
          pl.BlockSpec((NC, CBLK, D), lambda i: (0, i, 0)),
          pl.BlockSpec((CBLK, D), lambda i: (i, 0)),
          pl.BlockSpec((CBLK, 1), lambda i: (i, 0)),
          pl.BlockSpec((1, D), lambda i: (0, 0)),
      ],
      out_specs=pl.BlockSpec((CBLK, D_OUT), lambda i: (i, 0)),
      out_shape=jax.ShapeDtypeStruct((n, D_OUT), jnp.float32),
  )(acc, hs, dis, b)


def _logits(ag_ref, wint_ref, ab_ref):
  a2 = jnp.dot(ag_ref[...], wint_ref[...], preferred_element_type=jnp.float32)
  return lax.dot_general(
      a2, ab_ref[...],
      dimension_numbers=(((1,), (1,)), ((), ())),
      preferred_element_type=jnp.float32,
  )


def _decoder_body(ag_ref, wint_ref, ab_ref, ip_ref, epi_ref):
  logits = _logits(ag_ref, wint_ref, ab_ref)
  ip_ref[...] = jax.nn.sigmoid(logits)
  epi_ref[...] = jax.nn.sigmoid(jnp.max(logits, axis=1))[:, None]


def _decoder(ag, wint, ab):
  return pl.pallas_call(
      _decoder_body,
      grid=(N_AG // OBLK,),
      in_specs=[
          pl.BlockSpec((OBLK, D_OUT), lambda i: (i, 0)),
          pl.BlockSpec((D_OUT, D_OUT), lambda i: (0, 0)),
          pl.BlockSpec((N_AB, D_OUT), lambda i: (0, 0)),
      ],
      out_specs=[
          pl.BlockSpec((OBLK, N_AB), lambda i: (i, 0)),
          pl.BlockSpec((OBLK, 1), lambda i: (i, 0)),
      ],
      out_shape=[
          jax.ShapeDtypeStruct((N_AG, N_AB), jnp.float32),
          jax.ShapeDtypeStruct((N_AG, 1), jnp.float32),
      ],
  )(ag, wint, ab)



def _pad_edges(edge_index, n, n_pad, e_pad):
  src = edge_index[0].astype(jnp.int32)
  dst = edge_index[1].astype(jnp.int32)
  e = src.shape[0]
  e_per_w = e_pad // NW
  fill = n + (jnp.arange(e_pad - e, dtype=jnp.int32) % (n_pad - n))
  src_p = jnp.concatenate([src, fill])
  dst_p = jnp.concatenate([dst, fill])
  return (src_p.reshape(NW, e_per_w // K, K),
          dst_p.reshape(NW, e_per_w // K, K),
          dst_p.reshape(NW, e_per_w // 16, 16))


def _pad128(w):
  return jnp.zeros((D, D), jnp.float32).at[:w.shape[0], :w.shape[1]].set(w)


def _padb(b):
  return jnp.zeros((1, D), jnp.float32).at[0, :b.shape[0]].set(b)


@jax.jit
def kernel(x_g, edge_index_g, x_b, edge_index_b,
           W1g, b1g, W2g, b2g, W1b, b1b, W2b, b2b, Wint):
  src_g, dst_g, dst16_g = _pad_edges(edge_index_g, N_AG, NPG, EPG)
  src_b, dst_b, dst16_b = _pad_edges(edge_index_b, N_AB, NPB, EPB)
  xg_p = jnp.zeros((NPG, D_IN), jnp.float32).at[:N_AG].set(x_g)
  xb_p = jnp.zeros((NPB, D_IN), jnp.float32).at[:N_AB].set(x_b)
  z = jnp.zeros((NPG, D), jnp.float32)

  seg_g = _make_segsum(NPG, EPG)
  seg_b = _make_segsum(NPB, EPB)
  dpg = _make_deghist(NPG, EPG)(dst16_g)
  dpb = _make_deghist(NPB, EPB)(dst16_b)
  disg = _dis(dpg, NPG)
  disb = _dis(dpb, NPB)
  hs1g = _mm_scale(xg_p, W1g, disg, NPG)
  hs1b = _mm_scale(xb_p, W1b, disb, NPB)
  acc1g = seg_g(src_g, dst_g, hs1g, z)
  acc1b = seg_b(src_b, dst_b, hs1b, z[:NPB])
  hs2g = _combine_mm(acc1g, hs1g, disg, _padb(b1g), _pad128(W2g), NPG)
  hs2b = _combine_mm(acc1b, hs1b, disb, _padb(b1b), _pad128(W2b), NPB)
  acc2g = seg_g(src_g, dst_g, hs2g, z)
  acc2b = seg_b(src_b, dst_b, hs2b, z[:NPB])
  ag_emb = _combine(acc2g, hs2g, disg, _padb(b2g), N_AG, NPG)
  ab_emb = _combine(acc2b, hs2b, disb, _padb(b2b), N_AB, NPB)

  ip, epi_p = _decoder(ag_emb, Wint, ab_emb)

  return (ag_emb, ab_emb, ip, epi_p[:, 0])

# --- scband reference (transcript-rebuilt; emitter-appended) ---
"""Pipeline reference for scband-m3-epi-52802327937712 (READ-ONLY COPY).

The authoritative reference and input builder live on the scoring server;
editing this copy changes nothing except your own understanding.
"""

import jax, jax.numpy as jnp
import numpy as np

N_AG = 10000
N_AB = 2000
D_IN = 128
D_HID = 128
D_OUT = 64
E_AG = 160000
E_AB = 32000


def gcn_conv(x, edge_index, W, b, n):
    # PyG GCNConv: add self loops, symmetric normalization
    src = jnp.concatenate([edge_index[0], jnp.arange(n, dtype=edge_index.dtype)])
    dst = jnp.concatenate([edge_index[1], jnp.arange(n, dtype=edge_index.dtype)])
    deg = jnp.zeros((n,), dtype=x.dtype).at[dst].add(1.0)
    dis = jnp.where(deg > 0, 1.0 / jnp.sqrt(deg), 0.0)
    norm = dis[src] * dis[dst]
    h = x @ W
    msg = h[src] * norm[:, None]
    out = jnp.zeros((n, W.shape[1]), dtype=x.dtype).at[dst].add(msg)
    return out + b


def encode(x, edge_index, W1, b1, W2, b2):
    n = x.shape[0]
    h = jax.nn.relu(gcn_conv(x, edge_index, W1, b1, n))
    # dropout is a no-op in eval mode
    h = jax.nn.relu(gcn_conv(h, edge_index, W2, b2, n))
    return h


def setup_inputs(seed: int = 0) -> dict:
    key = jax.random.key(seed)
    ks = jax.random.split(key, 16)
    inp = {}
    inp['x_g'] = jax.random.normal(ks[0], (N_AG, D_IN), dtype=jnp.float32)
    inp['edge_index_g'] = jax.random.randint(ks[1], (2, E_AG), 0, N_AG, dtype=jnp.int64)
    inp['x_b'] = jax.random.normal(ks[2], (N_AB, D_IN), dtype=jnp.float32)
    inp['edge_index_b'] = jax.random.randint(ks[3], (2, E_AB), 0, N_AB, dtype=jnp.int64)
    # antigen encoder params
    inp['W1g'] = jax.random.normal(ks[4], (D_IN, D_HID), dtype=jnp.float32) * (1.0 / np.sqrt(D_IN))
    inp['b1g'] = jnp.zeros((D_HID,), dtype=jnp.float32)
    inp['W2g'] = jax.random.normal(ks[5], (D_HID, D_OUT), dtype=jnp.float32) * (1.0 / np.sqrt(D_HID))
    inp['b2g'] = jnp.zeros((D_OUT,), dtype=jnp.float32)
    # antibody encoder params
    inp['W1b'] = jax.random.normal(ks[6], (D_IN, D_HID), dtype=jnp.float32) * (1.0 / np.sqrt(D_IN))
    inp['b1b'] = jnp.zeros((D_HID,), dtype=jnp.float32)
    inp['W2b'] = jax.random.normal(ks[7], (D_HID, D_OUT), dtype=jnp.float32) * (1.0 / np.sqrt(D_HID))
    inp['b2b'] = jnp.zeros((D_OUT,), dtype=jnp.float32)
    # dot decoder interaction matrix (xavier uniform)
    lim = float(np.sqrt(6.0 / (D_OUT + D_OUT)))
    inp['Wint'] = jax.random.uniform(ks[8], (D_OUT, D_OUT), dtype=jnp.float32, minval=-lim, maxval=lim)
    return inp


def reference(x_g, edge_index_g, x_b, edge_index_b, W1g, b1g, W2g, b2g, W1b, b1b, W2b, b2b, Wint):
    ag_emb = encode(x_g, edge_index_g, W1g, b1g, W2g, b2g)
    ab_emb = encode(x_b, edge_index_b, W1b, b1b, W2b, b2b)
    logits = ag_emb @ Wint @ ab_emb.T
    ip = jax.nn.sigmoid(logits)
    epi_prob = jnp.max(ip, axis=1)
    return (ag_emb, ab_emb, ip, epi_prob)

if __name__ == "__main__":
    import jax
    _d = setup_inputs()
    print(jax.jit(kernel)(*tuple(_d.values())))

</pallas_src>

<mosaic_0001>
#map = affine_map<(d0, d1) -> (0, 0, 0)>
#map1 = affine_map<(d0, d1) -> (0, 0)>
module attributes {stable_mosaic.version = 14 : i64} {
  func.func @deg(%arg0: i32, %arg1: i32, %arg2: memref<32x64x16xi32, #tpu.memory_space<hbm>>, %arg3: memref<32x2048xf32, #tpu.memory_space<hbm>>, %arg4: memref<64x16xi32, #tpu.memory_space<vmem>>, %arg5: memref<2048xf32, #tpu.memory_space<vmem>>) attributes {dimension_semantics = [#tpu.dimension_semantics<core_parallel>, #tpu.dimension_semantics<subcore_parallel>], iteration_bounds = array<i64: 2, 16>, scalar_prefetch = 0 : i64, scratch_operands = 2 : i64, tpu.core_type = #tpu.core_type<sc_vector_subcore>, window_params = [{transform_indices = #map}, {transform_indices = #map1}]} {
    %mul3A = arith.constant 2 : i32
    %mul3A_0 = arith.muli %arg1, %mul3A : i32
    %add3A = arith.addi %mul3A_0, %arg0 : i32
    "tpu.region"() ({
      %run_scoped3A = tpu.sem_alloc : memref<!tpu.dma_semaphore, #tpu.memory_space<semaphore_mem>>
      %dma_start3A = arith.constant 0 : i32
      %dma_start3A_13 = arith.constant 0 : i32
      %dma_start3A_14 = tpu.memref_slice %arg2[%add3A, %dma_start3A, %dma_start3A_13] : memref<32x64x16xi32, #tpu.memory_space<hbm>> -> memref<1x64x16xi32, #tpu.memory_space<hbm>>
      %dma_start3A_15 = tpu.memref_squeeze %dma_start3A_14 : memref<1x64x16xi32, #tpu.memory_space<hbm>> -> memref<64x16xi32, #tpu.memory_space<hbm>>
      %dma_start3A_16 = arith.constant 0 : i32
      %dma_start3A_17 = arith.constant 0 : i32
      %dma_start3A_18 = tpu.memref_slice %arg2[%add3A, %dma_start3A_16, %dma_start3A_17] : memref<32x64x16xi32, #tpu.memory_space<hbm>> -> memref<1x64x16xi32, #tpu.memory_space<hbm>>
      %dma_start3A_19 = tpu.memref_squeeze %dma_start3A_18 : memref<1x64x16xi32, #tpu.memory_space<hbm>> -> memref<64x16xi32, #tpu.memory_space<hbm>>
      tpu.enqueue_dma source(%dma_start3A_19 : memref<64x16xi32, #tpu.memory_space<hbm>>) target(%arg4 : memref<64x16xi32, #tpu.memory_space<vmem>>) target_semaphore(%run_scoped3A : memref<!tpu.dma_semaphore, #tpu.memory_space<semaphore_mem>>)
      %dma_wait3A = arith.constant 0 : i32
      %dma_wait3A_20 = arith.constant 0 : i32
      %dma_wait3A_21 = tpu.memref_slice %arg2[%add3A, %dma_wait3A, %dma_wait3A_20] : memref<32x64x16xi32, #tpu.memory_space<hbm>> -> memref<1x64x16xi32, #tpu.memory_space<hbm>>
      %dma_wait3A_22 = tpu.memref_squeeze %dma_wait3A_21 : memref<1x64x16xi32, #tpu.memory_space<hbm>> -> memref<64x16xi32, #tpu.memory_space<hbm>>
      %dma_wait3A_23 = arith.constant 0 : i32
      %dma_wait3A_24 = arith.constant 0 : i32
      %dma_wait3A_25 = tpu.memref_slice %arg2[%add3A, %dma_wait3A_23, %dma_wait3A_24] : memref<32x64x16xi32, #tpu.memory_space<hbm>> -> memref<1x64x16xi32, #tpu.memory_space<hbm>>
      %dma_wait3A_26 = tpu.memref_squeeze %dma_wait3A_25 : memref<1x64x16xi32, #tpu.memory_space<hbm>> -> memref<64x16xi32, #tpu.memory_space<hbm>>
      tpu.wait_dma2 semaphore(%run_scoped3A : memref<!tpu.dma_semaphore, #tpu.memory_space<semaphore_mem>>) src(%dma_wait3A_26 : memref<64x16xi32, #tpu.memory_space<hbm>>) dst(%arg4 : memref<64x16xi32, #tpu.memory_space<vmem>>)
      tpu.yield
    }) : () -> ()
    %scan3A = arith.constant 0 : i32
    %scan3A_1 = arith.constant 0 : i32
    %scan3A_2 = arith.constant 128 : i32
    %scan3A_3 = arith.addi %scan3A_1, %scan3A_2 : i32
    %scan3A_4 = arith.constant 1 : i32
    scf.for %scan3A_13 = %scan3A_1 to %scan3A_3 step %scan3A_4  : i32 {
      %broadcast_in_dim3A_14 = arith.constant 0.000000e+00 : f32
      %broadcast_in_dim3A_15 = vector.broadcast %broadcast_in_dim3A_14 : f32 to vector<16xf32>
      %mul3A_16 = arith.constant 16 : i32
      %mul3A_17 = arith.muli %scan3A_13, %mul3A_16 : i32
      %swap3A = arith.index_cast %mul3A_17 : i32 to index
      %swap3A_18 = tpu.vector_load %arg5[%swap3A] {strides = array<i32>} : memref<2048xf32, #tpu.memory_space<vmem>>, vector<16xf32>,
      tpu.vector_store %arg5[%swap3A], %broadcast_in_dim3A_15 {strides = array<i32>} : memref<2048xf32, #tpu.memory_space<vmem>>, vector<16xf32>,
    }
    %scan3A_5 = arith.constant 128 : i32
    %broadcast_in_dim3A = arith.constant 1.000000e+00 : f32
    %broadcast_in_dim3A_6 = vector.broadcast %broadcast_in_dim3A : f32 to vector<16xf32>
    %scan3A_7 = arith.constant 0 : i32
    %scan3A_8 = arith.constant 0 : i32
    %scan3A_9 = arith.constant 64 : i32
    %scan3A_10 = arith.addi %scan3A_8, %scan3A_9 : i32
    %scan3A_11 = arith.constant 1 : i32
    scf.for %scan3A_13 = %scan3A_8 to %scan3A_10 step %scan3A_11  : i32 {
      %get3A = arith.index_cast %scan3A_13 : i32 to index
      %get3A_14 = arith.constant 0 : index
      %get3A_15 = tpu.vector_load %arg4[%get3A, %get3A_14] {strides = array<i32>} : memref<64x16xi32, #tpu.memory_space<vmem>>, vector<16xi32>,
      tpu.vector_store_idx %arg5[%get3A_15], %broadcast_in_dim3A_6 {add = true} : memref<2048xf32, #tpu.memory_space<vmem>>[vector<16xi32>], vector<16xf32>,
    }
    %scan3A_12 = arith.constant 64 : i32
    "tpu.region"() ({
      %run_scoped3A = tpu.sem_alloc : memref<!tpu.dma_semaphore, #tpu.memory_space<semaphore_mem>>
      %dma_start3A = arith.constant 0 : i32
      %dma_start3A_13 = tpu.memref_slice %arg3[%add3A, %dma_start3A] : memref<32x2048xf32, #tpu.memory_space<hbm>> -> memref<1x2048xf32, #tpu.memory_space<hbm>>
      %dma_start3A_14 = tpu.memref_squeeze %dma_start3A_13 : memref<1x2048xf32, #tpu.memory_space<hbm>> -> memref<2048xf32, #tpu.memory_space<hbm>>
      %dma_start3A_15 = arith.constant 0 : i32
      %dma_start3A_16 = tpu.memref_slice %arg3[%add3A, %dma_start3A_15] : memref<32x2048xf32, #tpu.memory_space<hbm>> -> memref<1x2048xf32, #tpu.memory_space<hbm>>
      %dma_start3A_17 = tpu.memref_squeeze %dma_start3A_16 : memref<1x2048xf32, #tpu.memory_space<hbm>> -> memref<2048xf32, #tpu.memory_space<hbm>>
      tpu.enqueue_dma source(%arg5 : memref<2048xf32, #tpu.memory_space<vmem>>) target(%dma_start3A_17 : memref<2048xf32, #tpu.memory_space<hbm>>) target_semaphore(%run_scoped3A : memref<!tpu.dma_semaphore, #tpu.memory_space<semaphore_mem>>)
      %dma_wait3A = arith.constant 0 : i32
      %dma_wait3A_18 = tpu.memref_slice %arg3[%add3A, %dma_wait3A] : memref<32x2048xf32, #tpu.memory_space<hbm>> -> memref<1x2048xf32, #tpu.memory_space<hbm>>
      %dma_wait3A_19 = tpu.memref_squeeze %dma_wait3A_18 : memref<1x2048xf32, #tpu.memory_space<hbm>> -> memref<2048xf32, #tpu.memory_space<hbm>>
      %dma_wait3A_20 = arith.constant 0 : i32
      %dma_wait3A_21 = tpu.memref_slice %arg3[%add3A, %dma_wait3A_20] : memref<32x2048xf32, #tpu.memory_space<hbm>> -> memref<1x2048xf32, #tpu.memory_space<hbm>>
      %dma_wait3A_22 = tpu.memref_squeeze %dma_wait3A_21 : memref<1x2048xf32, #tpu.memory_space<hbm>> -> memref<2048xf32, #tpu.memory_space<hbm>>
      tpu.wait_dma2 semaphore(%run_scoped3A : memref<!tpu.dma_semaphore, #tpu.memory_space<semaphore_mem>>) src(%arg5 : memref<2048xf32, #tpu.memory_space<vmem>>) dst(%dma_wait3A_22 : memref<2048xf32, #tpu.memory_space<hbm>>)
      tpu.yield
    }) : () -> ()
    return
  }
}

#map = affine_map<(d0, d1) -> (0, 0, 0)>
#map1 = affine_map<(d0, d1) -> (0, 0)>
module attributes {stable_mosaic.version = 14 : i64} {
  func.func @seg(%arg0: i32, %arg1: i32, %arg2: memref<32x8x128xi32, #tpu.memory_space<hbm>>, %arg3: memref<32x8x128xi32, #tpu.memory_space<hbm>>, %arg4: memref<2048x128xf32, #tpu.memory_space<hbm>>, %arg5: memref<2048x128xf32, #tpu.memory_space<hbm>>, %arg6: memref<2x2048x128xf32, #tpu.memory_space<hbm>>, %arg7: memref<8x128xi32, #tpu.memory_space<vmem>>, %arg8: memref<8x128xi32, #tpu.memory_space<vmem>>, %arg9: memref<2x128x128xf32, #tpu.memory_space<vmem>>, %arg10: memref<2048x128xf32, #tpu.memory_space<vmem_shared>>, %arg11: memref<!tpu.dma_semaphore, #tpu.memory_space<semaphore_mem>>, %arg12: memref<!tpu.dma_semaphore, #tpu.memory_space<semaphore_mem>>) attributes {dimension_semantics = [#tpu.dimension_semantics<core_parallel>, #tpu.dimension_semantics<subcore_parallel>], iteration_bounds = array<i64: 2, 16>, scalar_prefetch = 0 : i64, scratch_operands = 6 : i64, tpu.core_type = #tpu.core_type<sc_vector_subcore>, window_params = [{transform_indices = #map}, {transform_indices = #map}, {transform_indices = #map1}, {transform_indices = #map1}, {transform_indices = #map}]} {
    %mul3A = arith.constant 2 : i32
    %mul3A_0 = arith.muli %arg1, %mul3A : i32
    %add3A = arith.addi %mul3A_0, %arg0 : i32
    "tpu.region"() ({
      %run_scoped3A = tpu.sem_alloc : memref<!tpu.dma_semaphore, #tpu.memory_space<semaphore_mem>>
      %dma_start3A_31 = arith.constant 0 : i32
      %dma_start3A_32 = arith.constant 0 : i32
      %dma_start3A_33 = tpu.memref_slice %arg2[%add3A, %dma_start3A_31, %dma_start3A_32] : memref<32x8x128xi32, #tpu.memory_space<hbm>> -> memref<1x8x128xi32, #tpu.memory_space<hbm>>
      %dma_start3A_34 = tpu.memref_squeeze %dma_start3A_33 : memref<1x8x128xi32, #tpu.memory_space<hbm>> -> memref<8x128xi32, #tpu.memory_space<hbm>>
      %dma_start3A_35 = arith.constant 0 : i32
      %dma_start3A_36 = arith.constant 0 : i32
      %dma_start3A_37 = tpu.memref_slice %arg2[%add3A, %dma_start3A_35, %dma_start3A_36] : memref<32x8x128xi32, #tpu.memory_space<hbm>> -> memref<1x8x128xi32, #tpu.memory_space<hbm>>
      %dma_start3A_38 = tpu.memref_squeeze %dma_start3A_37 : memref<1x8x128xi32, #tpu.memory_space<hbm>> -> memref<8x128xi32, #tpu.memory_space<hbm>>
      tpu.enqueue_dma source(%dma_start3A_38 : memref<8x128xi32, #tpu.memory_space<hbm>>) target(%arg7 : memref<8x128xi32, #tpu.memory_space<vmem>>) target_semaphore(%run_scoped3A : memref<!tpu.dma_semaphore, #tpu.memory_space<semaphore_mem>>)
      %dma_wait3A_39 = arith.constant 0 : i32
      %dma_wait3A_40 = arith.constant 0 : i32
      %dma_wait3A_41 = tpu.memref_slice %arg2[%add3A, %dma_wait3A_39, %dma_wait3A_40] : memref<32x8x128xi32, #tpu.memory_space<hbm>> -> memref<1x8x128xi32, #tpu.memory_space<hbm>>
      %dma_wait3A_42 = tpu.memref_squeeze %dma_wait3A_41 : memref<1x8x128xi32, #tpu.memory_space<hbm>> -> memref<8x128xi32, #tpu.memory_space<hbm>>
      %dma_wait3A_43 = arith.constant 0 : i32
      %dma_wait3A_44 = arith.constant 0 : i32
      %dma_wait3A_45 = tpu.memref_slice %arg2[%add3A, %dma_wait3A_43, %dma_wait3A_44] : memref<32x8x128xi32, #tpu.memory_space<hbm>> -> memref<1x8x128xi32, #tpu.memory_space<hbm>>
      %dma_wait3A_46 = tpu.memref_squeeze %dma_wait3A_45 : memref<1x8x128xi32, #tpu.memory_space<hbm>> -> memref<8x128xi32, #tpu.memory_space<hbm>>
      tpu.wait_dma2 semaphore(%run_scoped3A : memref<!tpu.dma_semaphore, #tpu.memory_space<semaphore_mem>>) src(%dma_wait3A_46 : memref<8x128xi32, #tpu.memory_space<hbm>>) dst(%arg7 : memref<8x128xi32, #tpu.memory_space<vmem>>)
      tpu.yield
    }) : () -> ()
    "tpu.region"() ({
      %run_scoped3A = tpu.sem_alloc : memref<!tpu.dma_semaphore, #tpu.memory_space<semaphore_mem>>
      %dma_start3A_31 = arith.constant 0 : i32
      %dma_start3A_32 = arith.constant 0 : i32
      %dma_start3A_33 = tpu.memref_slice %arg3[%add3A, %dma_start3A_31, %dma_start3A_32] : memref<32x8x128xi32, #tpu.memory_space<hbm>> -> memref<1x8x128xi32, #tpu.memory_space<hbm>>
      %dma_start3A_34 = tpu.memref_squeeze %dma_start3A_33 : memref<1x8x128xi32, #tpu.memory_space<hbm>> -> memref<8x128xi32, #tpu.memory_space<hbm>>
      %dma_start3A_35 = arith.constant 0 : i32
      %dma_start3A_36 = arith.constant 0 : i32
      %dma_start3A_37 = tpu.memref_slice %arg3[%add3A, %dma_start3A_35, %dma_start3A_36] : memref<32x8x128xi32, #tpu.memory_space<hbm>> -> memref<1x8x128xi32, #tpu.memory_space<hbm>>
      %dma_start3A_38 = tpu.memref_squeeze %dma_start3A_37 : memref<1x8x128xi32, #tpu.memory_space<hbm>> -> memref<8x128xi32, #tpu.memory_space<hbm>>
      tpu.enqueue_dma source(%dma_start3A_38 : memref<8x128xi32, #tpu.memory_space<hbm>>) target(%arg8 : memref<8x128xi32, #tpu.memory_space<vmem>>) target_semaphore(%run_scoped3A : memref<!tpu.dma_semaphore, #tpu.memory_space<semaphore_mem>>)
      %dma_wait3A_39 = arith.constant 0 : i32
      %dma_wait3A_40 = arith.constant 0 : i32
      %dma_wait3A_41 = tpu.memref_slice %arg3[%add3A, %dma_wait3A_39, %dma_wait3A_40] : memref<32x8x128xi32, #tpu.memory_space<hbm>> -> memref<1x8x128xi32, #tpu.memory_space<hbm>>
      %dma_wait3A_42 = tpu.memref_squeeze %dma_wait3A_41 : memref<1x8x128xi32, #tpu.memory_space<hbm>> -> memref<8x128xi32, #tpu.memory_space<hbm>>
      %dma_wait3A_43 = arith.constant 0 : i32
      %dma_wait3A_44 = arith.constant 0 : i32
      %dma_wait3A_45 = tpu.memref_slice %arg3[%add3A, %dma_wait3A_43, %dma_wait3A_44] : memref<32x8x128xi32, #tpu.memory_space<hbm>> -> memref<1x8x128xi32, #tpu.memory_space<hbm>>
      %dma_wait3A_46 = tpu.memref_squeeze %dma_wait3A_45 : memref<1x8x128xi32, #tpu.memory_space<hbm>> -> memref<8x128xi32, #tpu.memory_space<hbm>>
      tpu.wait_dma2 semaphore(%run_scoped3A : memref<!tpu.dma_semaphore, #tpu.memory_space<semaphore_mem>>) src(%dma_wait3A_46 : memref<8x128xi32, #tpu.memory_space<hbm>>) dst(%arg8 : memref<8x128xi32, #tpu.memory_space<vmem>>)
      tpu.yield
    }) : () -> ()
    %mul3A_1 = arith.constant 128 : i32
    %mul3A_2 = arith.muli %arg1, %mul3A_1 : i32
    "tpu.region"() ({
      %run_scoped3A = tpu.sem_alloc : memref<!tpu.dma_semaphore, #tpu.memory_space<semaphore_mem>>
      %dma_start3A_31 = arith.constant 0 : i32
      %dma_start3A_32 = tpu.memref_slice %arg10[%mul3A_2, %dma_start3A_31] : memref<2048x128xf32, #tpu.memory_space<vmem_shared>> -> memref<128x128xf32, #tpu.memory_space<vmem_shared>>
      %dma_start3A_33 = arith.constant 0 : i32
      %dma_start3A_34 = tpu.memref_slice %arg5[%mul3A_2, %dma_start3A_33] : memref<2048x128xf32, #tpu.memory_space<hbm>> -> memref<128x128xf32, #tpu.memory_space<hbm>>
      tpu.enqueue_dma source(%dma_start3A_34 : memref<128x128xf32, #tpu.memory_space<hbm>>) target(%dma_start3A_32 : memref<128x128xf32, #tpu.memory_space<vmem_shared>>) target_semaphore(%run_scoped3A : memref<!tpu.dma_semaphore, #tpu.memory_space<semaphore_mem>>)
      %dma_wait3A_35 = arith.constant 0 : i32
      %dma_wait3A_36 = tpu.memref_slice %arg10[%mul3A_2, %dma_wait3A_35] : memref<2048x128xf32, #tpu.memory_space<vmem_shared>> -> memref<128x128xf32, #tpu.memory_space<vmem_shared>>
      %dma_wait3A_37 = arith.constant 0 : i32
      %dma_wait3A_38 = tpu.memref_slice %arg5[%mul3A_2, %dma_wait3A_37] : memref<2048x128xf32, #tpu.memory_space<hbm>> -> memref<128x128xf32, #tpu.memory_space<hbm>>
      tpu.wait_dma2 semaphore(%run_scoped3A : memref<!tpu.dma_semaphore, #tpu.memory_space<semaphore_mem>>) src(%dma_wait3A_38 : memref<128x128xf32, #tpu.memory_space<hbm>>) dst(%dma_wait3A_36 : memref<128x128xf32, #tpu.memory_space<vmem_shared>>)
      tpu.yield
    }) : () -> ()
    %barrier3A = arith.constant 0 : index
    tpu.barrier barrier_id(%barrier3A)
    %dma_start3A = arith.constant 0 : i32
    %dma_start3A_3 = arith.constant 0 : i32
    %dma_start3A_4 = arith.constant 0 : i32
    %dma_start3A_5 = arith.constant 0 : i32
    %dma_start3A_6 = tpu.memref_slice %arg9[%dma_start3A_3, %dma_start3A_4, %dma_start3A_5] : memref<2x128x128xf32, #tpu.memory_space<vmem>> -> memref<1x128x128xf32, #tpu.memory_space<vmem>>
    %dma_start3A_7 = tpu.memref_squeeze %dma_start3A_6 : memref<1x128x128xf32, #tpu.memory_space<vmem>> -> memref<128x128xf32, #tpu.memory_space<vmem>>
    %dma_start3A_8 = arith.constant 0 : i32
    %dma_start3A_9 = tpu.memref_slice %arg7[%dma_start3A, %dma_start3A_8] : memref<8x128xi32, #tpu.memory_space<vmem>> -> memref<1x128xi32, #tpu.memory_space<vmem>>
    %dma_start3A_10 = tpu.memref_squeeze %dma_start3A_9 : memref<1x128xi32, #tpu.memory_space<vmem>> -> memref<128xi32, #tpu.memory_space<vmem>>
    %dma_start3A_11 = arith.constant 0 : i32
    %dma_start3A_12 = arith.constant 0 : i32
    %dma_start3A_13 = tpu.memref_slice %arg4[%dma_start3A_11, %dma_start3A_12] : memref<2048x128xf32, #tpu.memory_space<hbm>> -> memref<2048x128xf32, #tpu.memory_space<hbm>>
    tpu.enqueue_indirect_dma source(%dma_start3A_13 : memref<2048x128xf32, #tpu.memory_space<hbm>>) target(%dma_start3A_7 : memref<128x128xf32, #tpu.memory_space<vmem>>) offsets(%dma_start3A_10 : memref<128xi32, #tpu.memory_space<vmem>>) semaphore(%arg11 : memref<!tpu.dma_semaphore, #tpu.memory_space<semaphore_mem>>)
    %scan3A = arith.constant 0 : i32
    %scan3A_14 = arith.constant 0 : i32
    %scan3A_15 = arith.constant 8 : i32
    %scan3A_16 = arith.addi %scan3A_14, %scan3A_15 : i32
    %scan3A_17 = arith.constant 1 : i32
    scf.for %scan3A_31 = %scan3A_14 to %scan3A_16 step %scan3A_17  : i32 {
      %rem3A = arith.constant 2 : i32
      %rem3A_32 = arith.remsi %scan3A_31, %rem3A : i32
      %ge3A = arith.constant 1 : i32
      %ge3A_33 = arith.cmpi sge, %scan3A_31, %ge3A : i32
      %convert_element_type3A = arith.extui %ge3A_33 : i1 to i32
      %cond3A = arith.constant 0 : i32
      %cond3A_34 = arith.cmpi ne, %convert_element_type3A, %cond3A : i32
      scf.if %cond3A_34 {
        %sub3A = arith.constant 1 : i32
        %sub3A_61 = arith.subi %sub3A, %rem3A_32 : i32
        %sub3A_62 = arith.constant 1 : i32
        %sub3A_63 = arith.subi %scan3A_31, %sub3A_62 : i32
        %dma_wait3A_64 = arith.constant 0 : i32
        %dma_wait3A_65 = arith.constant 0 : i32
        %dma_wait3A_66 = tpu.memref_slice %arg9[%sub3A_61, %dma_wait3A_64, %dma_wait3A_65] : memref<2x128x128xf32, #tpu.memory_space<vmem>> -> memref<1x128x128xf32, #tpu.memory_space<vmem>>
        %dma_wait3A_67 = tpu.memref_squeeze %dma_wait3A_66 : memref<1x128x128xf32, #tpu.memory_space<vmem>> -> memref<128x128xf32, #tpu.memory_space<vmem>>
        %dma_wait3A_68 = arith.constant 0 : i32
        %dma_wait3A_69 = tpu.memref_slice %arg8[%sub3A_63, %dma_wait3A_68] : memref<8x128xi32, #tpu.memory_space<vmem>> -> memref<1x128xi32, #tpu.memory_space<vmem>>
        %dma_wait3A_70 = tpu.memref_squeeze %dma_wait3A_69 : memref<1x128xi32, #tpu.memory_space<vmem>> -> memref<128xi32, #tpu.memory_space<vmem>>
        %dma_wait3A_71 = arith.constant 0 : i32
        %dma_wait3A_72 = arith.constant 0 : i32
        %dma_wait3A_73 = tpu.memref_slice %arg10[%dma_wait3A_71, %dma_wait3A_72] : memref<2048x128xf32, #tpu.memory_space<vmem_shared>> -> memref<2048x128xf32, #tpu.memory_space<vmem_shared>>
        tpu.wait_indirect_dma semaphore(%arg12 : memref<!tpu.dma_semaphore, #tpu.memory_space<semaphore_mem>>) src(%dma_wait3A_67 : memref<128x128xf32, #tpu.memory_space<vmem>>) dst(%dma_wait3A_73 : memref<2048x128xf32, #tpu.memory_space<vmem_shared>>)
      } else {
      }
      %add3A_35 = arith.constant 1 : i32
      %add3A_36 = arith.addi %scan3A_31, %add3A_35 : i32
      %lt3A = arith.constant 8 : i32
      %lt3A_37 = arith.cmpi slt, %add3A_36, %lt3A : i32
      %convert_element_type3A_38 = arith.extui %lt3A_37 : i1 to i32
      %cond3A_39 = arith.constant 0 : i32
      %cond3A_40 = arith.cmpi ne, %convert_element_type3A_38, %cond3A_39 : i32
      scf.if %cond3A_40 {
        %add3A_61 = arith.constant 1 : i32
        %add3A_62 = arith.addi %scan3A_31, %add3A_61 : i32
        %sub3A = arith.constant 1 : i32
        %sub3A_63 = arith.subi %sub3A, %rem3A_32 : i32
        %dma_start3A_64 = arith.constant 0 : i32
        %dma_start3A_65 = arith.constant 0 : i32
        %dma_start3A_66 = tpu.memref_slice %arg9[%sub3A_63, %dma_start3A_64, %dma_start3A_65] : memref<2x128x128xf32, #tpu.memory_space<vmem>> -> memref<1x128x128xf32, #tpu.memory_space<vmem>>
        %dma_start3A_67 = tpu.memref_squeeze %dma_start3A_66 : memref<1x128x128xf32, #tpu.memory_space<vmem>> -> memref<128x128xf32, #tpu.memory_space<vmem>>
        %dma_start3A_68 = arith.constant 0 : i32
        %dma_start3A_69 = tpu.memref_slice %arg7[%add3A_62, %dma_start3A_68] : memref<8x128xi32, #tpu.memory_space<vmem>> -> memref<1x128xi32, #tpu.memory_space<vmem>>
        %dma_start3A_70 = tpu.memref_squeeze %dma_start3A_69 : memref<1x128xi32, #tpu.memory_space<vmem>> -> memref<128xi32, #tpu.memory_space<vmem>>
        %dma_start3A_71 = arith.constant 0 : i32
        %dma_start3A_72 = arith.constant 0 : i32
        %dma_start3A_73 = tpu.memref_slice %arg4[%dma_start3A_71, %dma_start3A_72] : memref<2048x128xf32, #tpu.memory_space<hbm>> -> memref<2048x128xf32, #tpu.memory_space<hbm>>
        tpu.enqueue_indirect_dma source(%dma_start3A_73 : memref<2048x128xf32, #tpu.memory_space<hbm>>) target(%dma_start3A_67 : memref<128x128xf32, #tpu.memory_space<vmem>>) offsets(%dma_start3A_70 : memref<128xi32, #tpu.memory_space<vmem>>) semaphore(%arg11 : memref<!tpu.dma_semaphore, #tpu.memory_space<semaphore_mem>>)
      } else {
      }
      %dma_wait3A_41 = arith.constant 0 : i32
      %dma_wait3A_42 = arith.constant 0 : i32
      %dma_wait3A_43 = tpu.memref_slice %arg9[%rem3A_32, %dma_wait3A_41, %dma_wait3A_42] : memref<2x128x128xf32, #tpu.memory_space<vmem>> -> memref<1x128x128xf32, #tpu.memory_space<vmem>>
      %dma_wait3A_44 = tpu.memref_squeeze %dma_wait3A_43 : memref<1x128x128xf32, #tpu.memory_space<vmem>> -> memref<128x128xf32, #tpu.memory_space<vmem>>
      %dma_wait3A_45 = arith.constant 0 : i32
      %dma_wait3A_46 = tpu.memref_slice %arg7[%scan3A_31, %dma_wait3A_45] : memref<8x128xi32, #tpu.memory_space<vmem>> -> memref<1x128xi32, #tpu.memory_space<vmem>>
      %dma_wait3A_47 = tpu.memref_squeeze %dma_wait3A_46 : memref<1x128xi32, #tpu.memory_space<vmem>> -> memref<128xi32, #tpu.memory_space<vmem>>
      %dma_wait3A_48 = arith.constant 0 : i32
      %dma_wait3A_49 = arith.constant 0 : i32
      %dma_wait3A_50 = tpu.memref_slice %arg4[%dma_wait3A_48, %dma_wait3A_49] : memref<2048x128xf32, #tpu.memory_space<hbm>> -> memref<2048x128xf32, #tpu.memory_space<hbm>>
      tpu.wait_indirect_dma semaphore(%arg11 : memref<!tpu.dma_semaphore, #tpu.memory_space<semaphore_mem>>) src(%dma_wait3A_50 : memref<2048x128xf32, #tpu.memory_space<hbm>>) dst(%dma_wait3A_44 : memref<128x128xf32, #tpu.memory_space<vmem>>)
      %dma_start3A_51 = arith.constant 0 : i32
      %dma_start3A_52 = arith.constant 0 : i32
      %dma_start3A_53 = tpu.memref_slice %arg9[%rem3A_32, %dma_start3A_51, %dma_start3A_52] : memref<2x128x128xf32, #tpu.memory_space<vmem>> -> memref<1x128x128xf32, #tpu.memory_space<vmem>>
      %dma_start3A_54 = tpu.memref_squeeze %dma_start3A_53 : memref<1x128x128xf32, #tpu.memory_space<vmem>> -> memref<128x128xf32, #tpu.memory_space<vmem>>
      %dma_start3A_55 = arith.constant 0 : i32
      %dma_start3A_56 = tpu.memref_slice %arg8[%scan3A_31, %dma_start3A_55] : memref<8x128xi32, #tpu.memory_space<vmem>> -> memref<1x128xi32, #tpu.memory_space<vmem>>
      %dma_start3A_57 = tpu.memref_squeeze %dma_start3A_56 : memref<1x128xi32, #tpu.memory_space<vmem>> -> memref<128xi32, #tpu.memory_space<vmem>>
      %dma_start3A_58 = arith.constant 0 : i32
      %dma_start3A_59 = arith.constant 0 : i32
      %dma_start3A_60 = tpu.memref_slice %arg10[%dma_start3A_58, %dma_start3A_59] : memref<2048x128xf32, #tpu.memory_space<vmem_shared>> -> memref<2048x128xf32, #tpu.memory_space<vmem_shared>>
      tpu.enqueue_indirect_dma source(%dma_start3A_54 : memref<128x128xf32, #tpu.memory_space<vmem>>) target(%dma_start3A_60 : memref<2048x128xf32, #tpu.memory_space<vmem_shared>>) offsets(%dma_start3A_57 : memref<128xi32, #tpu.memory_space<vmem>>) semaphore(%arg12 : memref<!tpu.dma_semaphore, #tpu.memory_space<semaphore_mem>>) {add = true}
    }
    %scan3A_18 = arith.constant 8 : i32
    %dma_wait3A = arith.constant 1 : i32
    %dma_wait3A_19 = arith.constant 7 : i32
    %dma_wait3A_20 = arith.constant 0 : i32
    %dma_wait3A_21 = arith.constant 0 : i32
    %dma_wait3A_22 = tpu.memref_slice %arg9[%dma_wait3A, %dma_wait3A_20, %dma_wait3A_21] : memref<2x128x128xf32, #tpu.memory_space<vmem>> -> memref<1x128x128xf32, #tpu.memory_space<vmem>>
    %dma_wait3A_23 = tpu.memref_squeeze %dma_wait3A_22 : memref<1x128x128xf32, #tpu.memory_space<vmem>> -> memref<128x128xf32, #tpu.memory_space<vmem>>
    %dma_wait3A_24 = arith.constant 0 : i32
    %dma_wait3A_25 = tpu.memref_slice %arg8[%dma_wait3A_19, %dma_wait3A_24] : memref<8x128xi32, #tpu.memory_space<vmem>> -> memref<1x128xi32, #tpu.memory_space<vmem>>
    %dma_wait3A_26 = tpu.memref_squeeze %dma_wait3A_25 : memref<1x128xi32, #tpu.memory_space<vmem>> -> memref<128xi32, #tpu.memory_space<vmem>>
    %dma_wait3A_27 = arith.constant 0 : i32
    %dma_wait3A_28 = arith.constant 0 : i32
    %dma_wait3A_29 = tpu.memref_slice %arg10[%dma_wait3A_27, %dma_wait3A_28] : memref<2048x128xf32, #tpu.memory_space<vmem_shared>> -> memref<2048x128xf32, #tpu.memory_space<vmem_shared>>
    tpu.wait_indirect_dma semaphore(%arg12 : memref<!tpu.dma_semaphore, #tpu.memory_space<semaphore_mem>>) src(%dma_wait3A_23 : memref<128x128xf32, #tpu.memory_space<vmem>>) dst(%dma_wait3A_29 : memref<2048x128xf32, #tpu.memory_space<vmem_shared>>)
    %barrier3A_30 = arith.constant 0 : index
    tpu.barrier barrier_id(%barrier3A_30)
    "tpu.region"() ({
      %run_scoped3A = tpu.sem_alloc : memref<!tpu.dma_semaphore, #tpu.memory_space<semaphore_mem>>
      %dma_start3A_31 = arith.constant 0 : i32
      %dma_start3A_32 = tpu.memref_slice %arg6[%arg0, %mul3A_2, %dma_start3A_31] : memref<2x2048x128xf32, #tpu.memory_space<hbm>> -> memref<1x128x128xf32, #tpu.memory_space<hbm>>
      %dma_start3A_33 = tpu.memref_squeeze %dma_start3A_32 : memref<1x128x128xf32, #tpu.memory_space<hbm>> -> memref<128x128xf32, #tpu.memory_space<hbm>>
      %dma_start3A_34 = arith.constant 0 : i32
      %dma_start3A_35 = tpu.memref_slice %arg10[%mul3A_2, %dma_start3A_34] : memref<2048x128xf32, #tpu.memory_space<vmem_shared>> -> memref<128x128xf32, #tpu.memory_space<vmem_shared>>
      tpu.enqueue_dma source(%dma_start3A_35 : memref<128x128xf32, #tpu.memory_space<vmem_shared>>) target(%dma_start3A_33 : memref<128x128xf32, #tpu.memory_space<hbm>>) target_semaphore(%run_scoped3A : memref<!tpu.dma_semaphore, #tpu.memory_space<semaphore_mem>>)
      %dma_wait3A_36 = arith.constant 0 : i32
      %dma_wait3A_37 = tpu.memref_slice %arg6[%arg0, %mul3A_2, %dma_wait3A_36] : memref<2x2048x128xf32, #tpu.memory_space<hbm>> -> memref<1x128x128xf32, #tpu.memory_space<hbm>>
      %dma_wait3A_38 = tpu.memref_squeeze %dma_wait3A_37 : memref<1x128x128xf32, #tpu.memory_space<hbm>> -> memref<128x128xf32, #tpu.memory_space<hbm>>
      %dma_wait3A_39 = arith.constant 0 : i32
      %dma_wait3A_40 = tpu.memref_slice %arg10[%mul3A_2, %dma_wait3A_39] : memref<2048x128xf32, #tpu.memory_space<vmem_shared>> -> memref<128x128xf32, #tpu.memory_space<vmem_shared>>
      tpu.wait_dma2 semaphore(%run_scoped3A : memref<!tpu.dma_semaphore, #tpu.memory_space<semaphore_mem>>) src(%dma_wait3A_40 : memref<128x128xf32, #tpu.memory_space<vmem_shared>>) dst(%dma_wait3A_38 : memref<128x128xf32, #tpu.memory_space<hbm>>)
      tpu.yield
    }) : () -> ()
    return
  }
}

#map = affine_map<(d0, d1) -> (0, 0, 0)>
#map1 = affine_map<(d0, d1) -> (0, 0)>
module attributes {stable_mosaic.version = 14 : i64} {
  func.func @deg(%arg0: i32, %arg1: i32, %arg2: memref<32x320x16xi32, #tpu.memory_space<hbm>>, %arg3: memref<32x10240xf32, #tpu.memory_space<hbm>>, %arg4: memref<320x16xi32, #tpu.memory_space<vmem>>, %arg5: memref<10240xf32, #tpu.memory_space<vmem>>) attributes {dimension_semantics = [#tpu.dimension_semantics<core_parallel>, #tpu.dimension_semantics<subcore_parallel>], iteration_bounds = array<i64: 2, 16>, scalar_prefetch = 0 : i64, scratch_operands = 2 : i64, tpu.core_type = #tpu.core_type<sc_vector_subcore>, window_params = [{transform_indices = #map}, {transform_indices = #map1}]} {
    %mul3A = arith.constant 2 : i32
    %mul3A_0 = arith.muli %arg1, %mul3A : i32
    %add3A = arith.addi %mul3A_0, %arg0 : i32
    "tpu.region"() ({
      %run_scoped3A = tpu.sem_alloc : memref<!tpu.dma_semaphore, #tpu.memory_space<semaphore_mem>>
      %dma_start3A = arith.constant 0 : i32
      %dma_start3A_13 = arith.constant 0 : i32
      %dma_start3A_14 = tpu.memref_slice %arg2[%add3A, %dma_start3A, %dma_start3A_13] : memref<32x320x16xi32, #tpu.memory_space<hbm>> -> memref<1x320x16xi32, #tpu.memory_space<hbm>>
      %dma_start3A_15 = tpu.memref_squeeze %dma_start3A_14 : memref<1x320x16xi32, #tpu.memory_space<hbm>> -> memref<320x16xi32, #tpu.memory_space<hbm>>
      %dma_start3A_16 = arith.constant 0 : i32
      %dma_start3A_17 = arith.constant 0 : i32
      %dma_start3A_18 = tpu.memref_slice %arg2[%add3A, %dma_start3A_16, %dma_start3A_17] : memref<32x320x16xi32, #tpu.memory_space<hbm>> -> memref<1x320x16xi32, #tpu.memory_space<hbm>>
      %dma_start3A_19 = tpu.memref_squeeze %dma_start3A_18 : memref<1x320x16xi32, #tpu.memory_space<hbm>> -> memref<320x16xi32, #tpu.memory_space<hbm>>
      tpu.enqueue_dma source(%dma_start3A_19 : memref<320x16xi32, #tpu.memory_space<hbm>>) target(%arg4 : memref<320x16xi32, #tpu.memory_space<vmem>>) target_semaphore(%run_scoped3A : memref<!tpu.dma_semaphore, #tpu.memory_space<semaphore_mem>>)
      %dma_wait3A = arith.constant 0 : i32
      %dma_wait3A_20 = arith.constant 0 : i32
      %dma_wait3A_21 = tpu.memref_slice %arg2[%add3A, %dma_wait3A, %dma_wait3A_20] : memref<32x320x16xi32, #tpu.memory_space<hbm>> -> memref<1x320x16xi32, #tpu.memory_space<hbm>>
      %dma_wait3A_22 = tpu.memref_squeeze %dma_wait3A_21 : memref<1x320x16xi32, #tpu.memory_space<hbm>> -> memref<320x16xi32, #tpu.memory_space<hbm>>
      %dma_wait3A_23 = arith.constant 0 : i32
      %dma_wait3A_24 = arith.constant 0 : i32
      %dma_wait3A_25 = tpu.memref_slice %arg2[%add3A, %dma_wait3A_23, %dma_wait3A_24] : memref<32x320x16xi32, #tpu.memory_space<hbm>> -> memref<1x320x16xi32, #tpu.memory_space<hbm>>
      %dma_wait3A_26 = tpu.memref_squeeze %dma_wait3A_25 : memref<1x320x16xi32, #tpu.memory_space<hbm>> -> memref<320x16xi32, #tpu.memory_space<hbm>>
      tpu.wait_dma2 semaphore(%run_scoped3A : memref<!tpu.dma_semaphore, #tpu.memory_space<semaphore_mem>>) src(%dma_wait3A_26 : memref<320x16xi32, #tpu.memory_space<hbm>>) dst(%arg4 : memref<320x16xi32, #tpu.memory_space<vmem>>)
      tpu.yield
    }) : () -> ()
    %scan3A = arith.constant 0 : i32
    %scan3A_1 = arith.constant 0 : i32
    %scan3A_2 = arith.constant 640 : i32
    %scan3A_3 = arith.addi %scan3A_1, %scan3A_2 : i32
    %scan3A_4 = arith.constant 1 : i32
    scf.for %scan3A_13 = %scan3A_1 to %scan3A_3 step %scan3A_4  : i32 {
      %broadcast_in_dim3A_14 = arith.constant 0.000000e+00 : f32
      %broadcast_in_dim3A_15 = vector.broadcast %broadcast_in_dim3A_14 : f32 to vector<16xf32>
      %mul3A_16 = arith.constant 16 : i32
      %mul3A_17 = arith.muli %scan3A_13, %mul3A_16 : i32
      %swap3A = arith.index_cast %mul3A_17 : i32 to index
      %swap3A_18 = tpu.vector_load %arg5[%swap3A] {strides = array<i32>} : memref<10240xf32, #tpu.memory_space<vmem>>, vector<16xf32>,
      tpu.vector_store %arg5[%swap3A], %broadcast_in_dim3A_15 {strides = array<i32>} : memref<10240xf32, #tpu.memory_space<vmem>>, vector<16xf32>,
    }
    %scan3A_5 = arith.constant 640 : i32
    %broadcast_in_dim3A = arith.constant 1.000000e+00 : f32
    %broadcast_in_dim3A_6 = vector.broadcast %broadcast_in_dim3A : f32 to vector<16xf32>
    %scan3A_7 = arith.constant 0 : i32
    %scan3A_8 = arith.constant 0 : i32
    %scan3A_9 = arith.constant 320 : i32
    %scan3A_10 = arith.addi %scan3A_8, %scan3A_9 : i32
    %scan3A_11 = arith.constant 1 : i32
    scf.for %scan3A_13 = %scan3A_8 to %scan3A_10 step %scan3A_11  : i32 {
      %get3A = arith.index_cast %scan3A_13 : i32 to index
      %get3A_14 = arith.constant 0 : index
      %get3A_15 = tpu.vector_load %arg4[%get3A, %get3A_14] {strides = array<i32>} : memref<320x16xi32, #tpu.memory_space<vmem>>, vector<16xi32>,
      tpu.vector_store_idx %arg5[%get3A_15], %broadcast_in_dim3A_6 {add = true} : memref<10240xf32, #tpu.memory_space<vmem>>[vector<16xi32>], vector<16xf32>,
    }
    %scan3A_12 = arith.constant 320 : i32
    "tpu.region"() ({
      %run_scoped3A = tpu.sem_alloc : memref<!tpu.dma_semaphore, #tpu.memory_space<semaphore_mem>>
      %dma_start3A = arith.constant 0 : i32
      %dma_start3A_13 = tpu.memref_slice %arg3[%add3A, %dma_start3A] : memref<32x10240xf32, #tpu.memory_space<hbm>> -> memref<1x10240xf32, #tpu.memory_space<hbm>>
      %dma_start3A_14 = tpu.memref_squeeze %dma_start3A_13 : memref<1x10240xf32, #tpu.memory_space<hbm>> -> memref<10240xf32, #tpu.memory_space<hbm>>
      %dma_start3A_15 = arith.constant 0 : i32
      %dma_start3A_16 = tpu.memref_slice %arg3[%add3A, %dma_start3A_15] : memref<32x10240xf32, #tpu.memory_space<hbm>> -> memref<1x10240xf32, #tpu.memory_space<hbm>>
      %dma_start3A_17 = tpu.memref_squeeze %dma_start3A_16 : memref<1x10240xf32, #tpu.memory_space<hbm>> -> memref<10240xf32, #tpu.memory_space<hbm>>
      tpu.enqueue_dma source(%arg5 : memref<10240xf32, #tpu.memory_space<vmem>>) target(%dma_start3A_17 : memref<10240xf32, #tpu.memory_space<hbm>>) target_semaphore(%run_scoped3A : memref<!tpu.dma_semaphore, #tpu.memory_space<semaphore_mem>>)
      %dma_wait3A = arith.constant 0 : i32
      %dma_wait3A_18 = tpu.memref_slice %arg3[%add3A, %dma_wait3A] : memref<32x10240xf32, #tpu.memory_space<hbm>> -> memref<1x10240xf32, #tpu.memory_space<hbm>>
      %dma_wait3A_19 = tpu.memref_squeeze %dma_wait3A_18 : memref<1x10240xf32, #tpu.memory_space<hbm>> -> memref<10240xf32, #tpu.memory_space<hbm>>
      %dma_wait3A_20 = arith.constant 0 : i32
      %dma_wait3A_21 = tpu.memref_slice %arg3[%add3A, %dma_wait3A_20] : memref<32x10240xf32, #tpu.memory_space<hbm>> -> memref<1x10240xf32, #tpu.memory_space<hbm>>
      %dma_wait3A_22 = tpu.memref_squeeze %dma_wait3A_21 : memref<1x10240xf32, #tpu.memory_space<hbm>> -> memref<10240xf32, #tpu.memory_space<hbm>>
      tpu.wait_dma2 semaphore(%run_scoped3A : memref<!tpu.dma_semaphore, #tpu.memory_space<semaphore_mem>>) src(%arg5 : memref<10240xf32, #tpu.memory_space<vmem>>) dst(%dma_wait3A_22 : memref<10240xf32, #tpu.memory_space<hbm>>)
      tpu.yield
    }) : () -> ()
    return
  }
}

#map = affine_map<(d0, d1) -> (0, 0, 0)>
#map1 = affine_map<(d0, d1) -> (0, 0)>
module attributes {stable_mosaic.version = 14 : i64} {
  func.func @seg(%arg0: i32, %arg1: i32, %arg2: memref<32x40x128xi32, #tpu.memory_space<hbm>>, %arg3: memref<32x40x128xi32, #tpu.memory_space<hbm>>, %arg4: memref<10240x128xf32, #tpu.memory_space<hbm>>, %arg5: memref<10240x128xf32, #tpu.memory_space<hbm>>, %arg6: memref<2x10240x128xf32, #tpu.memory_space<hbm>>, %arg7: memref<40x128xi32, #tpu.memory_space<vmem>>, %arg8: memref<40x128xi32, #tpu.memory_space<vmem>>, %arg9: memref<2x128x128xf32, #tpu.memory_space<vmem>>, %arg10: memref<10240x128xf32, #tpu.memory_space<vmem_shared>>, %arg11: memref<!tpu.dma_semaphore, #tpu.memory_space<semaphore_mem>>, %arg12: memref<!tpu.dma_semaphore, #tpu.memory_space<semaphore_mem>>) attributes {dimension_semantics = [#tpu.dimension_semantics<core_parallel>, #tpu.dimension_semantics<subcore_parallel>], iteration_bounds = array<i64: 2, 16>, scalar_prefetch = 0 : i64, scratch_operands = 6 : i64, tpu.core_type = #tpu.core_type<sc_vector_subcore>, window_params = [{transform_indices = #map}, {transform_indices = #map}, {transform_indices = #map1}, {transform_indices = #map1}, {transform_indices = #map}]} {
    %mul3A = arith.constant 2 : i32
    %mul3A_0 = arith.muli %arg1, %mul3A : i32
    %add3A = arith.addi %mul3A_0, %arg0 : i32
    "tpu.region"() ({
      %run_scoped3A = tpu.sem_alloc : memref<!tpu.dma_semaphore, #tpu.memory_space<semaphore_mem>>
      %dma_start3A_31 = arith.constant 0 : i32
      %dma_start3A_32 = arith.constant 0 : i32
      %dma_start3A_33 = tpu.memref_slice %arg2[%add3A, %dma_start3A_31, %dma_start3A_32] : memref<32x40x128xi32, #tpu.memory_space<hbm>> -> memref<1x40x128xi32, #tpu.memory_space<hbm>>
      %dma_start3A_34 = tpu.memref_squeeze %dma_start3A_33 : memref<1x40x128xi32, #tpu.memory_space<hbm>> -> memref<40x128xi32, #tpu.memory_space<hbm>>
      %dma_start3A_35 = arith.constant 0 : i32
      %dma_start3A_36 = arith.constant 0 : i32
      %dma_start3A_37 = tpu.memref_slice %arg2[%add3A, %dma_start3A_35, %dma_start3A_36] : memref<32x40x128xi32, #tpu.memory_space<hbm>> -> memref<1x40x128xi32, #tpu.memory_space<hbm>>
      %dma_start3A_38 = tpu.memref_squeeze %dma_start3A_37 : memref<1x40x128xi32, #tpu.memory_space<hbm>> -> memref<40x128xi32, #tpu.memory_space<hbm>>
      tpu.enqueue_dma source(%dma_start3A_38 : memref<40x128xi32, #tpu.memory_space<hbm>>) target(%arg7 : memref<40x128xi32, #tpu.memory_space<vmem>>) target_semaphore(%run_scoped3A : memref<!tpu.dma_semaphore, #tpu.memory_space<semaphore_mem>>)
      %dma_wait3A_39 = arith.constant 0 : i32
      %dma_wait3A_40 = arith.constant 0 : i32
      %dma_wait3A_41 = tpu.memref_slice %arg2[%add3A, %dma_wait3A_39, %dma_wait3A_40] : memref<32x40x128xi32, #tpu.memory_space<hbm>> -> memref<1x40x128xi32, #tpu.memory_space<hbm>>
      %dma_wait3A_42 = tpu.memref_squeeze %dma_wait3A_41 : memref<1x40x128xi32, #tpu.memory_space<hbm>> -> memref<40x128xi32, #tpu.memory_space<hbm>>
      %dma_wait3A_43 = arith.constant 0 : i32
      %dma_wait3A_44 = arith.constant 0 : i32
      %dma_wait3A_45 = tpu.memref_slice %arg2[%add3A, %dma_wait3A_43, %dma_wait3A_44] : memref<32x40x128xi32, #tpu.memory_space<hbm>> -> memref<1x40x128xi32, #tpu.memory_space<hbm>>
      %dma_wait3A_46 = tpu.memref_squeeze %dma_wait3A_45 : memref<1x40x128xi32, #tpu.memory_space<hbm>> -> memref<40x128xi32, #tpu.memory_space<hbm>>
      tpu.wait_dma2 semaphore(%run_scoped3A : memref<!tpu.dma_semaphore, #tpu.memory_space<semaphore_mem>>) src(%dma_wait3A_46 : memref<40x128xi32, #tpu.memory_space<hbm>>) dst(%arg7 : memref<40x128xi32, #tpu.memory_space<vmem>>)
      tpu.yield
    }) : () -> ()
    "tpu.region"() ({
      %run_scoped3A = tpu.sem_alloc : memref<!tpu.dma_semaphore, #tpu.memory_space<semaphore_mem>>
      %dma_start3A_31 = arith.constant 0 : i32
      %dma_start3A_32 = arith.constant 0 : i32
      %dma_start3A_33 = tpu.memref_slice %arg3[%add3A, %dma_start3A_31, %dma_start3A_32] : memref<32x40x128xi32, #tpu.memory_space<hbm>> -> memref<1x40x128xi32, #tpu.memory_space<hbm>>
      %dma_start3A_34 = tpu.memref_squeeze %dma_start3A_33 : memref<1x40x128xi32, #tpu.memory_space<hbm>> -> memref<40x128xi32, #tpu.memory_space<hbm>>
      %dma_start3A_35 = arith.constant 0 : i32
      %dma_start3A_36 = arith.constant 0 : i32
      %dma_start3A_37 = tpu.memref_slice %arg3[%add3A, %dma_start3A_35, %dma_start3A_36] : memref<32x40x128xi32, #tpu.memory_space<hbm>> -> memref<1x40x128xi32, #tpu.memory_space<hbm>>
      %dma_start3A_38 = tpu.memref_squeeze %dma_start3A_37 : memref<1x40x128xi32, #tpu.memory_space<hbm>> -> memref<40x128xi32, #tpu.memory_space<hbm>>
      tpu.enqueue_dma source(%dma_start3A_38 : memref<40x128xi32, #tpu.memory_space<hbm>>) target(%arg8 : memref<40x128xi32, #tpu.memory_space<vmem>>) target_semaphore(%run_scoped3A : memref<!tpu.dma_semaphore, #tpu.memory_space<semaphore_mem>>)
      %dma_wait3A_39 = arith.constant 0 : i32
      %dma_wait3A_40 = arith.constant 0 : i32
      %dma_wait3A_41 = tpu.memref_slice %arg3[%add3A, %dma_wait3A_39, %dma_wait3A_40] : memref<32x40x128xi32, #tpu.memory_space<hbm>> -> memref<1x40x128xi32, #tpu.memory_space<hbm>>
      %dma_wait3A_42 = tpu.memref_squeeze %dma_wait3A_41 : memref<1x40x128xi32, #tpu.memory_space<hbm>> -> memref<40x128xi32, #tpu.memory_space<hbm>>
      %dma_wait3A_43 = arith.constant 0 : i32
      %dma_wait3A_44 = arith.constant 0 : i32
      %dma_wait3A_45 = tpu.memref_slice %arg3[%add3A, %dma_wait3A_43, %dma_wait3A_44] : memref<32x40x128xi32, #tpu.memory_space<hbm>> -> memref<1x40x128xi32, #tpu.memory_space<hbm>>
      %dma_wait3A_46 = tpu.memref_squeeze %dma_wait3A_45 : memref<1x40x128xi32, #tpu.memory_space<hbm>> -> memref<40x128xi32, #tpu.memory_space<hbm>>
      tpu.wait_dma2 semaphore(%run_scoped3A : memref<!tpu.dma_semaphore, #tpu.memory_space<semaphore_mem>>) src(%dma_wait3A_46 : memref<40x128xi32, #tpu.memory_space<hbm>>) dst(%arg8 : memref<40x128xi32, #tpu.memory_space<vmem>>)
      tpu.yield
    }) : () -> ()
    %mul3A_1 = arith.constant 640 : i32
    %mul3A_2 = arith.muli %arg1, %mul3A_1 : i32
    "tpu.region"() ({
      %run_scoped3A = tpu.sem_alloc : memref<!tpu.dma_semaphore, #tpu.memory_space<semaphore_mem>>
      %dma_start3A_31 = arith.constant 0 : i32
      %dma_start3A_32 = tpu.memref_slice %arg10[%mul3A_2, %dma_start3A_31] : memref<10240x128xf32, #tpu.memory_space<vmem_shared>> -> memref<640x128xf32, #tpu.memory_space<vmem_shared>>
      %dma_start3A_33 = arith.constant 0 : i32
      %dma_start3A_34 = tpu.memref_slice %arg5[%mul3A_2, %dma_start3A_33] : memref<10240x128xf32, #tpu.memory_space<hbm>> -> memref<640x128xf32, #tpu.memory_space<hbm>>
      tpu.enqueue_dma source(%dma_start3A_34 : memref<640x128xf32, #tpu.memory_space<hbm>>) target(%dma_start3A_32 : memref<640x128xf32, #tpu.memory_space<vmem_shared>>) target_semaphore(%run_scoped3A : memref<!tpu.dma_semaphore, #tpu.memory_space<semaphore_mem>>)
      %dma_wait3A_35 = arith.constant 0 : i32
      %dma_wait3A_36 = tpu.memref_slice %arg10[%mul3A_2, %dma_wait3A_35] : memref<10240x128xf32, #tpu.memory_space<vmem_shared>> -> memref<640x128xf32, #tpu.memory_space<vmem_shared>>
      %dma_wait3A_37 = arith.constant 0 : i32
      %dma_wait3A_38 = tpu.memref_slice %arg5[%mul3A_2, %dma_wait3A_37] : memref<10240x128xf32, #tpu.memory_space<hbm>> -> memref<640x128xf32, #tpu.memory_space<hbm>>
      tpu.wait_dma2 semaphore(%run_scoped3A : memref<!tpu.dma_semaphore, #tpu.memory_space<semaphore_mem>>) src(%dma_wait3A_38 : memref<640x128xf32, #tpu.memory_space<hbm>>) dst(%dma_wait3A_36 : memref<640x128xf32, #tpu.memory_space<vmem_shared>>)
      tpu.yield
    }) : () -> ()
    %barrier3A = arith.constant 0 : index
    tpu.barrier barrier_id(%barrier3A)
    %dma_start3A = arith.constant 0 : i32
    %dma_start3A_3 = arith.constant 0 : i32
    %dma_start3A_4 = arith.constant 0 : i32
    %dma_start3A_5 = arith.constant 0 : i32
    %dma_start3A_6 = tpu.memref_slice %arg9[%dma_start3A_3, %dma_start3A_4, %dma_start3A_5] : memref<2x128x128xf32, #tpu.memory_space<vmem>> -> memref<1x128x128xf32, #tpu.memory_space<vmem>>
    %dma_start3A_7 = tpu.memref_squeeze %dma_start3A_6 : memref<1x128x128xf32, #tpu.memory_space<vmem>> -> memref<128x128xf32, #tpu.memory_space<vmem>>
    %dma_start3A_8 = arith.constant 0 : i32
    %dma_start3A_9 = tpu.memref_slice %arg7[%dma_start3A, %dma_start3A_8] : memref<40x128xi32, #tpu.memory_space<vmem>> -> memref<1x128xi32, #tpu.memory_space<vmem>>
    %dma_start3A_10 = tpu.memref_squeeze %dma_start3A_9 : memref<1x128xi32, #tpu.memory_space<vmem>> -> memref<128xi32, #tpu.memory_space<vmem>>
    %dma_start3A_11 = arith.constant 0 : i32
    %dma_start3A_12 = arith.constant 0 : i32
    %dma_start3A_13 = tpu.memref_slice %arg4[%dma_start3A_11, %dma_start3A_12] : memref<10240x128xf32, #tpu.memory_space<hbm>> -> memref<10240x128xf32, #tpu.memory_space<hbm>>
    tpu.enqueue_indirect_dma source(%dma_start3A_13 : memref<10240x128xf32, #tpu.memory_space<hbm>>) target(%dma_start3A_7 : memref<128x128xf32, #tpu.memory_space<vmem>>) offsets(%dma_start3A_10 : memref<128xi32, #tpu.memory_space<vmem>>) semaphore(%arg11 : memref<!tpu.dma_semaphore, #tpu.memory_space<semaphore_mem>>)
    %scan3A = arith.constant 0 : i32
    %scan3A_14 = arith.constant 0 : i32
    %scan3A_15 = arith.constant 40 : i32
    %scan3A_16 = arith.addi %scan3A_14, %scan3A_15 : i32
    %scan3A_17 = arith.constant 1 : i32
    scf.for %scan3A_31 = %scan3A_14 to %scan3A_16 step %scan3A_17  : i32 {
      %rem3A = arith.constant 2 : i32
      %rem3A_32 = arith.remsi %scan3A_31, %rem3A : i32
      %ge3A = arith.constant 1 : i32
      %ge3A_33 = arith.cmpi sge, %scan3A_31, %ge3A : i32
      %convert_element_type3A = arith.extui %ge3A_33 : i1 to i32
      %cond3A = arith.constant 0 : i32
      %cond3A_34 = arith.cmpi ne, %convert_element_type3A, %cond3A : i32
      scf.if %cond3A_34 {
        %sub3A = arith.constant 1 : i32
        %sub3A_61 = arith.subi %sub3A, %rem3A_32 : i32
        %sub3A_62 = arith.constant 1 : i32
        %sub3A_63 = arith.subi %scan3A_31, %sub3A_62 : i32
        %dma_wait3A_64 = arith.constant 0 : i32
        %dma_wait3A_65 = arith.constant 0 : i32
        %dma_wait3A_66 = tpu.memref_slice %arg9[%sub3A_61, %dma_wait3A_64, %dma_wait3A_65] : memref<2x128x128xf32, #tpu.memory_space<vmem>> -> memref<1x128x128xf32, #tpu.memory_space<vmem>>
        %dma_wait3A_67 = tpu.memref_squeeze %dma_wait3A_66 : memref<1x128x128xf32, #tpu.memory_space<vmem>> -> memref<128x128xf32, #tpu.memory_space<vmem>>
        %dma_wait3A_68 = arith.constant 0 : i32
        %dma_wait3A_69 = tpu.memref_slice %arg8[%sub3A_63, %dma_wait3A_68] : memref<40x128xi32, #tpu.memory_space<vmem>> -> memref<1x128xi32, #tpu.memory_space<vmem>>
        %dma_wait3A_70 = tpu.memref_squeeze %dma_wait3A_69 : memref<1x128xi32, #tpu.memory_space<vmem>> -> memref<128xi32, #tpu.memory_space<vmem>>
        %dma_wait3A_71 = arith.constant 0 : i32
        %dma_wait3A_72 = arith.constant 0 : i32
        %dma_wait3A_73 = tpu.memref_slice %arg10[%dma_wait3A_71, %dma_wait3A_72] : memref<10240x128xf32, #tpu.memory_space<vmem_shared>> -> memref<10240x128xf32, #tpu.memory_space<vmem_shared>>
        tpu.wait_indirect_dma semaphore(%arg12 : memref<!tpu.dma_semaphore, #tpu.memory_space<semaphore_mem>>) src(%dma_wait3A_67 : memref<128x128xf32, #tpu.memory_space<vmem>>) dst(%dma_wait3A_73 : memref<10240x128xf32, #tpu.memory_space<vmem_shared>>)
      } else {
      }
      %add3A_35 = arith.constant 1 : i32
      %add3A_36 = arith.addi %scan3A_31, %add3A_35 : i32
      %lt3A = arith.constant 40 : i32
      %lt3A_37 = arith.cmpi slt, %add3A_36, %lt3A : i32
      %convert_element_type3A_38 = arith.extui %lt3A_37 : i1 to i32
      %cond3A_39 = arith.constant 0 : i32
      %cond3A_40 = arith.cmpi ne, %convert_element_type3A_38, %cond3A_39 : i32
      scf.if %cond3A_40 {
        %add3A_61 = arith.constant 1 : i32
        %add3A_62 = arith.addi %scan3A_31, %add3A_61 : i32
        %sub3A = arith.constant 1 : i32
        %sub3A_63 = arith.subi %sub3A, %rem3A_32 : i32
        %dma_start3A_64 = arith.constant 0 : i32
        %dma_start3A_65 = arith.constant 0 : i32
        %dma_start3A_66 = tpu.memref_slice %arg9[%sub3A_63, %dma_start3A_64, %dma_start3A_65] : memref<2x128x128xf32, #tpu.memory_space<vmem>> -> memref<1x128x128xf32, #tpu.memory_space<vmem>>
        %dma_start3A_67 = tpu.memref_squeeze %dma_start3A_66 : memref<1x128x128xf32, #tpu.memory_space<vmem>> -> memref<128x128xf32, #tpu.memory_space<vmem>>
        %dma_start3A_68 = arith.constant 0 : i32
        %dma_start3A_69 = tpu.memref_slice %arg7[%add3A_62, %dma_start3A_68] : memref<40x128xi32, #tpu.memory_space<vmem>> -> memref<1x128xi32, #tpu.memory_space<vmem>>
        %dma_start3A_70 = tpu.memref_squeeze %dma_start3A_69 : memref<1x128xi32, #tpu.memory_space<vmem>> -> memref<128xi32, #tpu.memory_space<vmem>>
        %dma_start3A_71 = arith.constant 0 : i32
        %dma_start3A_72 = arith.constant 0 : i32
        %dma_start3A_73 = tpu.memref_slice %arg4[%dma_start3A_71, %dma_start3A_72] : memref<10240x128xf32, #tpu.memory_space<hbm>> -> memref<10240x128xf32, #tpu.memory_space<hbm>>
        tpu.enqueue_indirect_dma source(%dma_start3A_73 : memref<10240x128xf32, #tpu.memory_space<hbm>>) target(%dma_start3A_67 : memref<128x128xf32, #tpu.memory_space<vmem>>) offsets(%dma_start3A_70 : memref<128xi32, #tpu.memory_space<vmem>>) semaphore(%arg11 : memref<!tpu.dma_semaphore, #tpu.memory_space<semaphore_mem>>)
      } else {
      }
      %dma_wait3A_41 = arith.constant 0 : i32
      %dma_wait3A_42 = arith.constant 0 : i32
      %dma_wait3A_43 = tpu.memref_slice %arg9[%rem3A_32, %dma_wait3A_41, %dma_wait3A_42] : memref<2x128x128xf32, #tpu.memory_space<vmem>> -> memref<1x128x128xf32, #tpu.memory_space<vmem>>
      %dma_wait3A_44 = tpu.memref_squeeze %dma_wait3A_43 : memref<1x128x128xf32, #tpu.memory_space<vmem>> -> memref<128x128xf32, #tpu.memory_space<vmem>>
      %dma_wait3A_45 = arith.constant 0 : i32
      %dma_wait3A_46 = tpu.memref_slice %arg7[%scan3A_31, %dma_wait3A_45] : memref<40x128xi32, #tpu.memory_space<vmem>> -> memref<1x128xi32, #tpu.memory_space<vmem>>
      %dma_wait3A_47 = tpu.memref_squeeze %dma_wait3A_46 : memref<1x128xi32, #tpu.memory_space<vmem>> -> memref<128xi32, #tpu.memory_space<vmem>>
      %dma_wait3A_48 = arith.constant 0 : i32
      %dma_wait3A_49 = arith.constant 0 : i32
      %dma_wait3A_50 = tpu.memref_slice %arg4[%dma_wait3A_48, %dma_wait3A_49] : memref<10240x128xf32, #tpu.memory_space<hbm>> -> memref<10240x128xf32, #tpu.memory_space<hbm>>
      tpu.wait_indirect_dma semaphore(%arg11 : memref<!tpu.dma_semaphore, #tpu.memory_space<semaphore_mem>>) src(%dma_wait3A_50 : memref<10240x128xf32, #tpu.memory_space<hbm>>) dst(%dma_wait3A_44 : memref<128x128xf32, #tpu.memory_space<vmem>>)
      %dma_start3A_51 = arith.constant 0 : i32
      %dma_start3A_52 = arith.constant 0 : i32
      %dma_start3A_53 = tpu.memref_slice %arg9[%rem3A_32, %dma_start3A_51, %dma_start3A_52] : memref<2x128x128xf32, #tpu.memory_space<vmem>> -> memref<1x128x128xf32, #tpu.memory_space<vmem>>
      %dma_start3A_54 = tpu.memref_squeeze %dma_start3A_53 : memref<1x128x128xf32, #tpu.memory_space<vmem>> -> memref<128x128xf32, #tpu.memory_space<vmem>>
      %dma_start3A_55 = arith.constant 0 : i32
      %dma_start3A_56 = tpu.memref_slice %arg8[%scan3A_31, %dma_start3A_55] : memref<40x128xi32, #tpu.memory_space<vmem>> -> memref<1x128xi32, #tpu.memory_space<vmem>>
      %dma_start3A_57 = tpu.memref_squeeze %dma_start3A_56 : memref<1x128xi32, #tpu.memory_space<vmem>> -> memref<128xi32, #tpu.memory_space<vmem>>
      %dma_start3A_58 = arith.constant 0 : i32
      %dma_start3A_59 = arith.constant 0 : i32
      %dma_start3A_60 = tpu.memref_slice %arg10[%dma_start3A_58, %dma_start3A_59] : memref<10240x128xf32, #tpu.memory_space<vmem_shared>> -> memref<10240x128xf32, #tpu.memory_space<vmem_shared>>
      tpu.enqueue_indirect_dma source(%dma_start3A_54 : memref<128x128xf32, #tpu.memory_space<vmem>>) target(%dma_start3A_60 : memref<10240x128xf32, #tpu.memory_space<vmem_shared>>) offsets(%dma_start3A_57 : memref<128xi32, #tpu.memory_space<vmem>>) semaphore(%arg12 : memref<!tpu.dma_semaphore, #tpu.memory_space<semaphore_mem>>) {add = true}
    }
    %scan3A_18 = arith.constant 40 : i32
    %dma_wait3A = arith.constant 1 : i32
    %dma_wait3A_19 = arith.constant 39 : i32
    %dma_wait3A_20 = arith.constant 0 : i32
    %dma_wait3A_21 = arith.constant 0 : i32
    %dma_wait3A_22 = tpu.memref_slice %arg9[%dma_wait3A, %dma_wait3A_20, %dma_wait3A_21] : memref<2x128x128xf32, #tpu.memory_space<vmem>> -> memref<1x128x128xf32, #tpu.memory_space<vmem>>
    %dma_wait3A_23 = tpu.memref_squeeze %dma_wait3A_22 : memref<1x128x128xf32, #tpu.memory_space<vmem>> -> memref<128x128xf32, #tpu.memory_space<vmem>>
    %dma_wait3A_24 = arith.constant 0 : i32
    %dma_wait3A_25 = tpu.memref_slice %arg8[%dma_wait3A_19, %dma_wait3A_24] : memref<40x128xi32, #tpu.memory_space<vmem>> -> memref<1x128xi32, #tpu.memory_space<vmem>>
    %dma_wait3A_26 = tpu.memref_squeeze %dma_wait3A_25 : memref<1x128xi32, #tpu.memory_space<vmem>> -> memref<128xi32, #tpu.memory_space<vmem>>
    %dma_wait3A_27 = arith.constant 0 : i32
    %dma_wait3A_28 = arith.constant 0 : i32
    %dma_wait3A_29 = tpu.memref_slice %arg10[%dma_wait3A_27, %dma_wait3A_28] : memref<10240x128xf32, #tpu.memory_space<vmem_shared>> -> memref<10240x128xf32, #tpu.memory_space<vmem_shared>>
    tpu.wait_indirect_dma semaphore(%arg12 : memref<!tpu.dma_semaphore, #tpu.memory_space<semaphore_mem>>) src(%dma_wait3A_23 : memref<128x128xf32, #tpu.memory_space<vmem>>) dst(%dma_wait3A_29 : memref<10240x128xf32, #tpu.memory_space<vmem_shared>>)
    %barrier3A_30 = arith.constant 0 : index
    tpu.barrier barrier_id(%barrier3A_30)
    "tpu.region"() ({
      %run_scoped3A = tpu.sem_alloc : memref<!tpu.dma_semaphore, #tpu.memory_space<semaphore_mem>>
      %dma_start3A_31 = arith.constant 0 : i32
      %dma_start3A_32 = tpu.memref_slice %arg6[%arg0, %mul3A_2, %dma_start3A_31] : memref<2x10240x128xf32, #tpu.memory_space<hbm>> -> memref<1x640x128xf32, #tpu.memory_space<hbm>>
      %dma_start3A_33 = tpu.memref_squeeze %dma_start3A_32 : memref<1x640x128xf32, #tpu.memory_space<hbm>> -> memref<640x128xf32, #tpu.memory_space<hbm>>
      %dma_start3A_34 = arith.constant 0 : i32
      %dma_start3A_35 = tpu.memref_slice %arg10[%mul3A_2, %dma_start3A_34] : memref<10240x128xf32, #tpu.memory_space<vmem_shared>> -> memref<640x128xf32, #tpu.memory_space<vmem_shared>>
      tpu.enqueue_dma source(%dma_start3A_35 : memref<640x128xf32, #tpu.memory_space<vmem_shared>>) target(%dma_start3A_33 : memref<640x128xf32, #tpu.memory_space<hbm>>) target_semaphore(%run_scoped3A : memref<!tpu.dma_semaphore, #tpu.memory_space<semaphore_mem>>)
      %dma_wait3A_36 = arith.constant 0 : i32
      %dma_wait3A_37 = tpu.memref_slice %arg6[%arg0, %mul3A_2, %dma_wait3A_36] : memref<2x10240x128xf32, #tpu.memory_space<hbm>> -> memref<1x640x128xf32, #tpu.memory_space<hbm>>
      %dma_wait3A_38 = tpu.memref_squeeze %dma_wait3A_37 : memref<1x640x128xf32, #tpu.memory_space<hbm>> -> memref<640x128xf32, #tpu.memory_space<hbm>>
      %dma_wait3A_39 = arith.constant 0 : i32
      %dma_wait3A_40 = tpu.memref_slice %arg10[%mul3A_2, %dma_wait3A_39] : memref<10240x128xf32, #tpu.memory_space<vmem_shared>> -> memref<640x128xf32, #tpu.memory_space<vmem_shared>>
      tpu.wait_dma2 semaphore(%run_scoped3A : memref<!tpu.dma_semaphore, #tpu.memory_space<semaphore_mem>>) src(%dma_wait3A_40 : memref<640x128xf32, #tpu.memory_space<vmem_shared>>) dst(%dma_wait3A_38 : memref<640x128xf32, #tpu.memory_space<hbm>>)
      tpu.yield
    }) : () -> ()
    return
  }
}

#map = affine_map<(d0, d1) -> (0, 0, 0)>
#map1 = affine_map<(d0, d1) -> (0, 0)>
module attributes {stable_mosaic.version = 14 : i64} {
  func.func @seg(%arg0: i32, %arg1: i32, %arg2: memref<32x8x128xi32, #tpu.memory_space<hbm>>, %arg3: memref<32x8x128xi32, #tpu.memory_space<hbm>>, %arg4: memref<2048x128xf32, #tpu.memory_space<hbm>>, %arg5: memref<2048x128xf32, #tpu.memory_space<hbm>>, %arg6: memref<2x2048x128xf32, #tpu.memory_space<hbm>>, %arg7: memref<8x128xi32, #tpu.memory_space<vmem>>, %arg8: memref<8x128xi32, #tpu.memory_space<vmem>>, %arg9: memref<2x128x128xf32, #tpu.memory_space<vmem>>, %arg10: memref<2048x128xf32, #tpu.memory_space<vmem_shared>>, %arg11: memref<!tpu.dma_semaphore, #tpu.memory_space<semaphore_mem>>, %arg12: memref<!tpu.dma_semaphore, #tpu.memory_space<semaphore_mem>>) attributes {dimension_semantics = [#tpu.dimension_semantics<core_parallel>, #tpu.dimension_semantics<subcore_parallel>], iteration_bounds = array<i64: 2, 16>, scalar_prefetch = 0 : i64, scratch_operands = 6 : i64, tpu.core_type = #tpu.core_type<sc_vector_subcore>, window_params = [{transform_indices = #map}, {transform_indices = #map}, {transform_indices = #map1}, {transform_indices = #map1}, {transform_indices = #map}]} {
    %mul3A = arith.constant 2 : i32
    %mul3A_0 = arith.muli %arg1, %mul3A : i32
    %add3A = arith.addi %mul3A_0, %arg0 : i32
    "tpu.region"() ({
      %run_scoped3A = tpu.sem_alloc : memref<!tpu.dma_semaphore, #tpu.memory_space<semaphore_mem>>
      %dma_start3A_31 = arith.constant 0 : i32
      %dma_start3A_32 = arith.constant 0 : i32
      %dma_start3A_33 = tpu.memref_slice %arg2[%add3A, %dma_start3A_31, %dma_start3A_32] : memref<32x8x128xi32, #tpu.memory_space<hbm>> -> memref<1x8x128xi32, #tpu.memory_space<hbm>>
      %dma_start3A_34 = tpu.memref_squeeze %dma_start3A_33 : memref<1x8x128xi32, #tpu.memory_space<hbm>> -> memref<8x128xi32, #tpu.memory_space<hbm>>
      %dma_start3A_35 = arith.constant 0 : i32
      %dma_start3A_36 = arith.constant 0 : i32
      %dma_start3A_37 = tpu.memref_slice %arg2[%add3A, %dma_start3A_35, %dma_start3A_36] : memref<32x8x128xi32, #tpu.memory_space<hbm>> -> memref<1x8x128xi32, #tpu.memory_space<hbm>>
      %dma_start3A_38 = tpu.memref_squeeze %dma_start3A_37 : memref<1x8x128xi32, #tpu.memory_space<hbm>> -> memref<8x128xi32, #tpu.memory_space<hbm>>
      tpu.enqueue_dma source(%dma_start3A_38 : memref<8x128xi32, #tpu.memory_space<hbm>>) target(%arg7 : memref<8x128xi32, #tpu.memory_space<vmem>>) target_semaphore(%run_scoped3A : memref<!tpu.dma_semaphore, #tpu.memory_space<semaphore_mem>>)
      %dma_wait3A_39 = arith.constant 0 : i32
      %dma_wait3A_40 = arith.constant 0 : i32
      %dma_wait3A_41 = tpu.memref_slice %arg2[%add3A, %dma_wait3A_39, %dma_wait3A_40] : memref<32x8x128xi32, #tpu.memory_space<hbm>> -> memref<1x8x128xi32, #tpu.memory_space<hbm>>
      %dma_wait3A_42 = tpu.memref_squeeze %dma_wait3A_41 : memref<1x8x128xi32, #tpu.memory_space<hbm>> -> memref<8x128xi32, #tpu.memory_space<hbm>>
      %dma_wait3A_43 = arith.constant 0 : i32
      %dma_wait3A_44 = arith.constant 0 : i32
      %dma_wait3A_45 = tpu.memref_slice %arg2[%add3A, %dma_wait3A_43, %dma_wait3A_44] : memref<32x8x128xi32, #tpu.memory_space<hbm>> -> memref<1x8x128xi32, #tpu.memory_space<hbm>>
      %dma_wait3A_46 = tpu.memref_squeeze %dma_wait3A_45 : memref<1x8x128xi32, #tpu.memory_space<hbm>> -> memref<8x128xi32, #tpu.memory_space<hbm>>
      tpu.wait_dma2 semaphore(%run_scoped3A : memref<!tpu.dma_semaphore, #tpu.memory_space<semaphore_mem>>) src(%dma_wait3A_46 : memref<8x128xi32, #tpu.memory_space<hbm>>) dst(%arg7 : memref<8x128xi32, #tpu.memory_space<vmem>>)
      tpu.yield
    }) : () -> ()
    "tpu.region"() ({
      %run_scoped3A = tpu.sem_alloc : memref<!tpu.dma_semaphore, #tpu.memory_space<semaphore_mem>>
      %dma_start3A_31 = arith.constant 0 : i32
      %dma_start3A_32 = arith.constant 0 : i32
      %dma_start3A_33 = tpu.memref_slice %arg3[%add3A, %dma_start3A_31, %dma_start3A_32] : memref<32x8x128xi32, #tpu.memory_space<hbm>> -> memref<1x8x128xi32, #tpu.memory_space<hbm>>
      %dma_start3A_34 = tpu.memref_squeeze %dma_start3A_33 : memref<1x8x128xi32, #tpu.memory_space<hbm>> -> memref<8x128xi32, #tpu.memory_space<hbm>>
      %dma_start3A_35 = arith.constant 0 : i32
      %dma_start3A_36 = arith.constant 0 : i32
      %dma_start3A_37 = tpu.memref_slice %arg3[%add3A, %dma_start3A_35, %dma_start3A_36] : memref<32x8x128xi32, #tpu.memory_space<hbm>> -> memref<1x8x128xi32, #tpu.memory_space<hbm>>
      %dma_start3A_38 = tpu.memref_squeeze %dma_start3A_37 : memref<1x8x128xi32, #tpu.memory_space<hbm>> -> memref<8x128xi32, #tpu.memory_space<hbm>>
      tpu.enqueue_dma source(%dma_start3A_38 : memref<8x128xi32, #tpu.memory_space<hbm>>) target(%arg8 : memref<8x128xi32, #tpu.memory_space<vmem>>) target_semaphore(%run_scoped3A : memref<!tpu.dma_semaphore, #tpu.memory_space<semaphore_mem>>)
      %dma_wait3A_39 = arith.constant 0 : i32
      %dma_wait3A_40 = arith.constant 0 : i32
      %dma_wait3A_41 = tpu.memref_slice %arg3[%add3A, %dma_wait3A_39, %dma_wait3A_40] : memref<32x8x128xi32, #tpu.memory_space<hbm>> -> memref<1x8x128xi32, #tpu.memory_space<hbm>>
      %dma_wait3A_42 = tpu.memref_squeeze %dma_wait3A_41 : memref<1x8x128xi32, #tpu.memory_space<hbm>> -> memref<8x128xi32, #tpu.memory_space<hbm>>
      %dma_wait3A_43 = arith.constant 0 : i32
      %dma_wait3A_44 = arith.constant 0 : i32
      %dma_wait3A_45 = tpu.memref_slice %arg3[%add3A, %dma_wait3A_43, %dma_wait3A_44] : memref<32x8x128xi32, #tpu.memory_space<hbm>> -> memref<1x8x128xi32, #tpu.memory_space<hbm>>
      %dma_wait3A_46 = tpu.memref_squeeze %dma_wait3A_45 : memref<1x8x128xi32, #tpu.memory_space<hbm>> -> memref<8x128xi32, #tpu.memory_space<hbm>>
      tpu.wait_dma2 semaphore(%run_scoped3A : memref<!tpu.dma_semaphore, #tpu.memory_space<semaphore_mem>>) src(%dma_wait3A_46 : memref<8x128xi32, #tpu.memory_space<hbm>>) dst(%arg8 : memref<8x128xi32, #tpu.memory_space<vmem>>)
      tpu.yield
    }) : () -> ()
    %mul3A_1 = arith.constant 128 : i32
    %mul3A_2 = arith.muli %arg1, %mul3A_1 : i32
    "tpu.region"() ({
      %run_scoped3A = tpu.sem_alloc : memref<!tpu.dma_semaphore, #tpu.memory_space<semaphore_mem>>
      %dma_start3A_31 = arith.constant 0 : i32
      %dma_start3A_32 = tpu.memref_slice %arg10[%mul3A_2, %dma_start3A_31] : memref<2048x128xf32, #tpu.memory_space<vmem_shared>> -> memref<128x128xf32, #tpu.memory_space<vmem_shared>>
      %dma_start3A_33 = arith.constant 0 : i32
      %dma_start3A_34 = tpu.memref_slice %arg5[%mul3A_2, %dma_start3A_33] : memref<2048x128xf32, #tpu.memory_space<hbm>> -> memref<128x128xf32, #tpu.memory_space<hbm>>
      tpu.enqueue_dma source(%dma_start3A_34 : memref<128x128xf32, #tpu.memory_space<hbm>>) target(%dma_start3A_32 : memref<128x128xf32, #tpu.memory_space<vmem_shared>>) target_semaphore(%run_scoped3A : memref<!tpu.dma_semaphore, #tpu.memory_space<semaphore_mem>>)
      %dma_wait3A_35 = arith.constant 0 : i32
      %dma_wait3A_36 = tpu.memref_slice %arg10[%mul3A_2, %dma_wait3A_35] : memref<2048x128xf32, #tpu.memory_space<vmem_shared>> -> memref<128x128xf32, #tpu.memory_space<vmem_shared>>
      %dma_wait3A_37 = arith.constant 0 : i32
      %dma_wait3A_38 = tpu.memref_slice %arg5[%mul3A_2, %dma_wait3A_37] : memref<2048x128xf32, #tpu.memory_space<hbm>> -> memref<128x128xf32, #tpu.memory_space<hbm>>
      tpu.wait_dma2 semaphore(%run_scoped3A : memref<!tpu.dma_semaphore, #tpu.memory_space<semaphore_mem>>) src(%dma_wait3A_38 : memref<128x128xf32, #tpu.memory_space<hbm>>) dst(%dma_wait3A_36 : memref<128x128xf32, #tpu.memory_space<vmem_shared>>)
      tpu.yield
    }) : () -> ()
    %barrier3A = arith.constant 0 : index
    tpu.barrier barrier_id(%barrier3A)
    %dma_start3A = arith.constant 0 : i32
    %dma_start3A_3 = arith.constant 0 : i32
    %dma_start3A_4 = arith.constant 0 : i32
    %dma_start3A_5 = arith.constant 0 : i32
    %dma_start3A_6 = tpu.memref_slice %arg9[%dma_start3A_3, %dma_start3A_4, %dma_start3A_5] : memref<2x128x128xf32, #tpu.memory_space<vmem>> -> memref<1x128x128xf32, #tpu.memory_space<vmem>>
    %dma_start3A_7 = tpu.memref_squeeze %dma_start3A_6 : memref<1x128x128xf32, #tpu.memory_space<vmem>> -> memref<128x128xf32, #tpu.memory_space<vmem>>
    %dma_start3A_8 = arith.constant 0 : i32
    %dma_start3A_9 = tpu.memref_slice %arg7[%dma_start3A, %dma_start3A_8] : memref<8x128xi32, #tpu.memory_space<vmem>> -> memref<1x128xi32, #tpu.memory_space<vmem>>
    %dma_start3A_10 = tpu.memref_squeeze %dma_start3A_9 : memref<1x128xi32, #tpu.memory_space<vmem>> -> memref<128xi32, #tpu.memory_space<vmem>>
    %dma_start3A_11 = arith.constant 0 : i32
    %dma_start3A_12 = arith.constant 0 : i32
    %dma_start3A_13 = tpu.memref_slice %arg4[%dma_start3A_11, %dma_start3A_12] : memref<2048x128xf32, #tpu.memory_space<hbm>> -> memref<2048x128xf32, #tpu.memory_space<hbm>>
    tpu.enqueue_indirect_dma source(%dma_start3A_13 : memref<2048x128xf32, #tpu.memory_space<hbm>>) target(%dma_start3A_7 : memref<128x128xf32, #tpu.memory_space<vmem>>) offsets(%dma_start3A_10 : memref<128xi32, #tpu.memory_space<vmem>>) semaphore(%arg11 : memref<!tpu.dma_semaphore, #tpu.memory_space<semaphore_mem>>)
    %scan3A = arith.constant 0 : i32
    %scan3A_14 = arith.constant 0 : i32
    %scan3A_15 = arith.constant 8 : i32
    %scan3A_16 = arith.addi %scan3A_14, %scan3A_15 : i32
    %scan3A_17 = arith.constant 1 : i32
    scf.for %scan3A_31 = %scan3A_14 to %scan3A_16 step %scan3A_17  : i32 {
      %rem3A = arith.constant 2 : i32
      %rem3A_32 = arith.remsi %scan3A_31, %rem3A : i32
      %ge3A = arith.constant 1 : i32
      %ge3A_33 = arith.cmpi sge, %scan3A_31, %ge3A : i32
      %convert_element_type3A = arith.extui %ge3A_33 : i1 to i32
      %cond3A = arith.constant 0 : i32
      %cond3A_34 = arith.cmpi ne, %convert_element_type3A, %cond3A : i32
      scf.if %cond3A_34 {
        %sub3A = arith.constant 1 : i32
        %sub3A_61 = arith.subi %sub3A, %rem3A_32 : i32
        %sub3A_62 = arith.constant 1 : i32
        %sub3A_63 = arith.subi %scan3A_31, %sub3A_62 : i32
        %dma_wait3A_64 = arith.constant 0 : i32
        %dma_wait3A_65 = arith.constant 0 : i32
        %dma_wait3A_66 = tpu.memref_slice %arg9[%sub3A_61, %dma_wait3A_64, %dma_wait3A_65] : memref<2x128x128xf32, #tpu.memory_space<vmem>> -> memref<1x128x128xf32, #tpu.memory_space<vmem>>
        %dma_wait3A_67 = tpu.memref_squeeze %dma_wait3A_66 : memref<1x128x128xf32, #tpu.memory_space<vmem>> -> memref<128x128xf32, #tpu.memory_space<vmem>>
        %dma_wait3A_68 = arith.constant 0 : i32
        %dma_wait3A_69 = tpu.memref_slice %arg8[%sub3A_63, %dma_wait3A_68] : memref<8x128xi32, #tpu.memory_space<vmem>> -> memref<1x128xi32, #tpu.memory_space<vmem>>
        %dma_wait3A_70 = tpu.memref_squeeze %dma_wait3A_69 : memref<1x128xi32, #tpu.memory_space<vmem>> -> memref<128xi32, #tpu.memory_space<vmem>>
        %dma_wait3A_71 = arith.constant 0 : i32
        %dma_wait3A_72 = arith.constant 0 : i32
        %dma_wait3A_73 = tpu.memref_slice %arg10[%dma_wait3A_71, %dma_wait3A_72] : memref<2048x128xf32, #tpu.memory_space<vmem_shared>> -> memref<2048x128xf32, #tpu.memory_space<vmem_shared>>
        tpu.wait_indirect_dma semaphore(%arg12 : memref<!tpu.dma_semaphore, #tpu.memory_space<semaphore_mem>>) src(%dma_wait3A_67 : memref<128x128xf32, #tpu.memory_space<vmem>>) dst(%dma_wait3A_73 : memref<2048x128xf32, #tpu.memory_space<vmem_shared>>)
      } else {
      }
      %add3A_35 = arith.constant 1 : i32
      %add3A_36 = arith.addi %scan3A_31, %add3A_35 : i32
      %lt3A = arith.constant 8 : i32
      %lt3A_37 = arith.cmpi slt, %add3A_36, %lt3A : i32
      %convert_element_type3A_38 = arith.extui %lt3A_37 : i1 to i32
      %cond3A_39 = arith.constant 0 : i32
      %cond3A_40 = arith.cmpi ne, %convert_element_type3A_38, %cond3A_39 : i32
      scf.if %cond3A_40 {
        %add3A_61 = arith.constant 1 : i32
        %add3A_62 = arith.addi %scan3A_31, %add3A_61 : i32
        %sub3A = arith.constant 1 : i32
        %sub3A_63 = arith.subi %sub3A, %rem3A_32 : i32
        %dma_start3A_64 = arith.constant 0 : i32
        %dma_start3A_65 = arith.constant 0 : i32
        %dma_start3A_66 = tpu.memref_slice %arg9[%sub3A_63, %dma_start3A_64, %dma_start3A_65] : memref<2x128x128xf32, #tpu.memory_space<vmem>> -> memref<1x128x128xf32, #tpu.memory_space<vmem>>
        %dma_start3A_67 = tpu.memref_squeeze %dma_start3A_66 : memref<1x128x128xf32, #tpu.memory_space<vmem>> -> memref<128x128xf32, #tpu.memory_space<vmem>>
        %dma_start3A_68 = arith.constant 0 : i32
        %dma_start3A_69 = tpu.memref_slice %arg7[%add3A_62, %dma_start3A_68] : memref<8x128xi32, #tpu.memory_space<vmem>> -> memref<1x128xi32, #tpu.memory_space<vmem>>
        %dma_start3A_70 = tpu.memref_squeeze %dma_start3A_69 : memref<1x128xi32, #tpu.memory_space<vmem>> -> memref<128xi32, #tpu.memory_space<vmem>>
        %dma_start3A_71 = arith.constant 0 : i32
        %dma_start3A_72 = arith.constant 0 : i32
        %dma_start3A_73 = tpu.memref_slice %arg4[%dma_start3A_71, %dma_start3A_72] : memref<2048x128xf32, #tpu.memory_space<hbm>> -> memref<2048x128xf32, #tpu.memory_space<hbm>>
        tpu.enqueue_indirect_dma source(%dma_start3A_73 : memref<2048x128xf32, #tpu.memory_space<hbm>>) target(%dma_start3A_67 : memref<128x128xf32, #tpu.memory_space<vmem>>) offsets(%dma_start3A_70 : memref<128xi32, #tpu.memory_space<vmem>>) semaphore(%arg11 : memref<!tpu.dma_semaphore, #tpu.memory_space<semaphore_mem>>)
      } else {
      }
      %dma_wait3A_41 = arith.constant 0 : i32
      %dma_wait3A_42 = arith.constant 0 : i32
      %dma_wait3A_43 = tpu.memref_slice %arg9[%rem3A_32, %dma_wait3A_41, %dma_wait3A_42] : memref<2x128x128xf32, #tpu.memory_space<vmem>> -> memref<1x128x128xf32, #tpu.memory_space<vmem>>
      %dma_wait3A_44 = tpu.memref_squeeze %dma_wait3A_43 : memref<1x128x128xf32, #tpu.memory_space<vmem>> -> memref<128x128xf32, #tpu.memory_space<vmem>>
      %dma_wait3A_45 = arith.constant 0 : i32
      %dma_wait3A_46 = tpu.memref_slice %arg7[%scan3A_31, %dma_wait3A_45] : memref<8x128xi32, #tpu.memory_space<vmem>> -> memref<1x128xi32, #tpu.memory_space<vmem>>
      %dma_wait3A_47 = tpu.memref_squeeze %dma_wait3A_46 : memref<1x128xi32, #tpu.memory_space<vmem>> -> memref<128xi32, #tpu.memory_space<vmem>>
      %dma_wait3A_48 = arith.constant 0 : i32
      %dma_wait3A_49 = arith.constant 0 : i32
      %dma_wait3A_50 = tpu.memref_slice %arg4[%dma_wait3A_48, %dma_wait3A_49] : memref<2048x128xf32, #tpu.memory_space<hbm>> -> memref<2048x128xf32, #tpu.memory_space<hbm>>
      tpu.wait_indirect_dma semaphore(%arg11 : memref<!tpu.dma_semaphore, #tpu.memory_space<semaphore_mem>>) src(%dma_wait3A_50 : memref<2048x128xf32, #tpu.memory_space<hbm>>) dst(%dma_wait3A_44 : memref<128x128xf32, #tpu.memory_space<vmem>>)
      %dma_start3A_51 = arith.constant 0 : i32
      %dma_start3A_52 = arith.constant 0 : i32
      %dma_start3A_53 = tpu.memref_slice %arg9[%rem3A_32, %dma_start3A_51, %dma_start3A_52] : memref<2x128x128xf32, #tpu.memory_space<vmem>> -> memref<1x128x128xf32, #tpu.memory_space<vmem>>
      %dma_start3A_54 = tpu.memref_squeeze %dma_start3A_53 : memref<1x128x128xf32, #tpu.memory_space<vmem>> -> memref<128x128xf32, #tpu.memory_space<vmem>>
      %dma_start3A_55 = arith.constant 0 : i32
      %dma_start3A_56 = tpu.memref_slice %arg8[%scan3A_31, %dma_start3A_55] : memref<8x128xi32, #tpu.memory_space<vmem>> -> memref<1x128xi32, #tpu.memory_space<vmem>>
      %dma_start3A_57 = tpu.memref_squeeze %dma_start3A_56 : memref<1x128xi32, #tpu.memory_space<vmem>> -> memref<128xi32, #tpu.memory_space<vmem>>
      %dma_start3A_58 = arith.constant 0 : i32
      %dma_start3A_59 = arith.constant 0 : i32
      %dma_start3A_60 = tpu.memref_slice %arg10[%dma_start3A_58, %dma_start3A_59] : memref<2048x128xf32, #tpu.memory_space<vmem_shared>> -> memref<2048x128xf32, #tpu.memory_space<vmem_shared>>
      tpu.enqueue_indirect_dma source(%dma_start3A_54 : memref<128x128xf32, #tpu.memory_space<vmem>>) target(%dma_start3A_60 : memref<2048x128xf32, #tpu.memory_space<vmem_shared>>) offsets(%dma_start3A_57 : memref<128xi32, #tpu.memory_space<vmem>>) semaphore(%arg12 : memref<!tpu.dma_semaphore, #tpu.memory_space<semaphore_mem>>) {add = true}
    }
    %scan3A_18 = arith.constant 8 : i32
    %dma_wait3A = arith.constant 1 : i32
    %dma_wait3A_19 = arith.constant 7 : i32
    %dma_wait3A_20 = arith.constant 0 : i32
    %dma_wait3A_21 = arith.constant 0 : i32
    %dma_wait3A_22 = tpu.memref_slice %arg9[%dma_wait3A, %dma_wait3A_20, %dma_wait3A_21] : memref<2x128x128xf32, #tpu.memory_space<vmem>> -> memref<1x128x128xf32, #tpu.memory_space<vmem>>
    %dma_wait3A_23 = tpu.memref_squeeze %dma_wait3A_22 : memref<1x128x128xf32, #tpu.memory_space<vmem>> -> memref<128x128xf32, #tpu.memory_space<vmem>>
    %dma_wait3A_24 = arith.constant 0 : i32
    %dma_wait3A_25 = tpu.memref_slice %arg8[%dma_wait3A_19, %dma_wait3A_24] : memref<8x128xi32, #tpu.memory_space<vmem>> -> memref<1x128xi32, #tpu.memory_space<vmem>>
    %dma_wait3A_26 = tpu.memref_squeeze %dma_wait3A_25 : memref<1x128xi32, #tpu.memory_space<vmem>> -> memref<128xi32, #tpu.memory_space<vmem>>
    %dma_wait3A_27 = arith.constant 0 : i32
    %dma_wait3A_28 = arith.constant 0 : i32
    %dma_wait3A_29 = tpu.memref_slice %arg10[%dma_wait3A_27, %dma_wait3A_28] : memref<2048x128xf32, #tpu.memory_space<vmem_shared>> -> memref<2048x128xf32, #tpu.memory_space<vmem_shared>>
    tpu.wait_indirect_dma semaphore(%arg12 : memref<!tpu.dma_semaphore, #tpu.memory_space<semaphore_mem>>) src(%dma_wait3A_23 : memref<128x128xf32, #tpu.memory_space<vmem>>) dst(%dma_wait3A_29 : memref<2048x128xf32, #tpu.memory_space<vmem_shared>>)
    %barrier3A_30 = arith.constant 0 : index
    tpu.barrier barrier_id(%barrier3A_30)
    "tpu.region"() ({
      %run_scoped3A = tpu.sem_alloc : memref<!tpu.dma_semaphore, #tpu.memory_space<semaphore_mem>>
      %dma_start3A_31 = arith.constant 0 : i32
      %dma_start3A_32 = tpu.memref_slice %arg6[%arg0, %mul3A_2, %dma_start3A_31] : memref<2x2048x128xf32, #tpu.memory_space<hbm>> -> memref<1x128x128xf32, #tpu.memory_space<hbm>>
      %dma_start3A_33 = tpu.memref_squeeze %dma_start3A_32 : memref<1x128x128xf32, #tpu.memory_space<hbm>> -> memref<128x128xf32, #tpu.memory_space<hbm>>
      %dma_start3A_34 = arith.constant 0 : i32
      %dma_start3A_35 = tpu.memref_slice %arg10[%mul3A_2, %dma_start3A_34] : memref<2048x128xf32, #tpu.memory_space<vmem_shared>> -> memref<128x128xf32, #tpu.memory_space<vmem_shared>>
      tpu.enqueue_dma source(%dma_start3A_35 : memref<128x128xf32, #tpu.memory_space<vmem_shared>>) target(%dma_start3A_33 : memref<128x128xf32, #tpu.memory_space<hbm>>) target_semaphore(%run_scoped3A : memref<!tpu.dma_semaphore, #tpu.memory_space<semaphore_mem>>)
      %dma_wait3A_36 = arith.constant 0 : i32
      %dma_wait3A_37 = tpu.memref_slice %arg6[%arg0, %mul3A_2, %dma_wait3A_36] : memref<2x2048x128xf32, #tpu.memory_space<hbm>> -> memref<1x128x128xf32, #tpu.memory_space<hbm>>
      %dma_wait3A_38 = tpu.memref_squeeze %dma_wait3A_37 : memref<1x128x128xf32, #tpu.memory_space<hbm>> -> memref<128x128xf32, #tpu.memory_space<hbm>>
      %dma_wait3A_39 = arith.constant 0 : i32
      %dma_wait3A_40 = tpu.memref_slice %arg10[%mul3A_2, %dma_wait3A_39] : memref<2048x128xf32, #tpu.memory_space<vmem_shared>> -> memref<128x128xf32, #tpu.memory_space<vmem_shared>>
      tpu.wait_dma2 semaphore(%run_scoped3A : memref<!tpu.dma_semaphore, #tpu.memory_space<semaphore_mem>>) src(%dma_wait3A_40 : memref<128x128xf32, #tpu.memory_space<vmem_shared>>) dst(%dma_wait3A_38 : memref<128x128xf32, #tpu.memory_space<hbm>>)
      tpu.yield
    }) : () -> ()
    return
  }
}

#map = affine_map<(d0, d1) -> (0, 0, 0)>
#map1 = affine_map<(d0, d1) -> (0, 0)>
module attributes {stable_mosaic.version = 14 : i64} {
  func.func @seg(%arg0: i32, %arg1: i32, %arg2: memref<32x40x128xi32, #tpu.memory_space<hbm>>, %arg3: memref<32x40x128xi32, #tpu.memory_space<hbm>>, %arg4: memref<10240x128xf32, #tpu.memory_space<hbm>>, %arg5: memref<10240x128xf32, #tpu.memory_space<hbm>>, %arg6: memref<2x10240x128xf32, #tpu.memory_space<hbm>>, %arg7: memref<40x128xi32, #tpu.memory_space<vmem>>, %arg8: memref<40x128xi32, #tpu.memory_space<vmem>>, %arg9: memref<2x128x128xf32, #tpu.memory_space<vmem>>, %arg10: memref<10240x128xf32, #tpu.memory_space<vmem_shared>>, %arg11: memref<!tpu.dma_semaphore, #tpu.memory_space<semaphore_mem>>, %arg12: memref<!tpu.dma_semaphore, #tpu.memory_space<semaphore_mem>>) attributes {dimension_semantics = [#tpu.dimension_semantics<core_parallel>, #tpu.dimension_semantics<subcore_parallel>], iteration_bounds = array<i64: 2, 16>, scalar_prefetch = 0 : i64, scratch_operands = 6 : i64, tpu.core_type = #tpu.core_type<sc_vector_subcore>, window_params = [{transform_indices = #map}, {transform_indices = #map}, {transform_indices = #map1}, {transform_indices = #map1}, {transform_indices = #map}]} {
    %mul3A = arith.constant 2 : i32
    %mul3A_0 = arith.muli %arg1, %mul3A : i32
    %add3A = arith.addi %mul3A_0, %arg0 : i32
    "tpu.region"() ({
      %run_scoped3A = tpu.sem_alloc : memref<!tpu.dma_semaphore, #tpu.memory_space<semaphore_mem>>
      %dma_start3A_31 = arith.constant 0 : i32
      %dma_start3A_32 = arith.constant 0 : i32
      %dma_start3A_33 = tpu.memref_slice %arg2[%add3A, %dma_start3A_31, %dma_start3A_32] : memref<32x40x128xi32, #tpu.memory_space<hbm>> -> memref<1x40x128xi32, #tpu.memory_space<hbm>>
      %dma_start3A_34 = tpu.memref_squeeze %dma_start3A_33 : memref<1x40x128xi32, #tpu.memory_space<hbm>> -> memref<40x128xi32, #tpu.memory_space<hbm>>
      %dma_start3A_35 = arith.constant 0 : i32
      %dma_start3A_36 = arith.constant 0 : i32
      %dma_start3A_37 = tpu.memref_slice %arg2[%add3A, %dma_start3A_35, %dma_start3A_36] : memref<32x40x128xi32, #tpu.memory_space<hbm>> -> memref<1x40x128xi32, #tpu.memory_space<hbm>>
      %dma_start3A_38 = tpu.memref_squeeze %dma_start3A_37 : memref<1x40x128xi32, #tpu.memory_space<hbm>> -> memref<40x128xi32, #tpu.memory_space<hbm>>
      tpu.enqueue_dma source(%dma_start3A_38 : memref<40x128xi32, #tpu.memory_space<hbm>>) target(%arg7 : memref<40x128xi32, #tpu.memory_space<vmem>>) target_semaphore(%run_scoped3A : memref<!tpu.dma_semaphore, #tpu.memory_space<semaphore_mem>>)
      %dma_wait3A_39 = arith.constant 0 : i32
      %dma_wait3A_40 = arith.constant 0 : i32
      %dma_wait3A_41 = tpu.memref_slice %arg2[%add3A, %dma_wait3A_39, %dma_wait3A_40] : memref<32x40x128xi32, #tpu.memory_space<hbm>> -> memref<1x40x128xi32, #tpu.memory_space<hbm>>
      %dma_wait3A_42 = tpu.memref_squeeze %dma_wait3A_41 : memref<1x40x128xi32, #tpu.memory_space<hbm>> -> memref<40x128xi32, #tpu.memory_space<hbm>>
      %dma_wait3A_43 = arith.constant 0 : i32
      %dma_wait3A_44 = arith.constant 0 : i32
      %dma_wait3A_45 = tpu.memref_slice %arg2[%add3A, %dma_wait3A_43, %dma_wait3A_44] : memref<32x40x128xi32, #tpu.memory_space<hbm>> -> memref<1x40x128xi32, #tpu.memory_space<hbm>>
      %dma_wait3A_46 = tpu.memref_squeeze %dma_wait3A_45 : memref<1x40x128xi32, #tpu.memory_space<hbm>> -> memref<40x128xi32, #tpu.memory_space<hbm>>
      tpu.wait_dma2 semaphore(%run_scoped3A : memref<!tpu.dma_semaphore, #tpu.memory_space<semaphore_mem>>) src(%dma_wait3A_46 : memref<40x128xi32, #tpu.memory_space<hbm>>) dst(%arg7 : memref<40x128xi32, #tpu.memory_space<vmem>>)
      tpu.yield
    }) : () -> ()
    "tpu.region"() ({
      %run_scoped3A = tpu.sem_alloc : memref<!tpu.dma_semaphore, #tpu.memory_space<semaphore_mem>>
      %dma_start3A_31 = arith.constant 0 : i32
      %dma_start3A_32 = arith.constant 0 : i32
      %dma_start3A_33 = tpu.memref_slice %arg3[%add3A, %dma_start3A_31, %dma_start3A_32] : memref<32x40x128xi32, #tpu.memory_space<hbm>> -> memref<1x40x128xi32, #tpu.memory_space<hbm>>
      %dma_start3A_34 = tpu.memref_squeeze %dma_start3A_33 : memref<1x40x128xi32, #tpu.memory_space<hbm>> -> memref<40x128xi32, #tpu.memory_space<hbm>>
      %dma_start3A_35 = arith.constant 0 : i32
      %dma_start3A_36 = arith.constant 0 : i32
      %dma_start3A_37 = tpu.memref_slice %arg3[%add3A, %dma_start3A_35, %dma_start3A_36] : memref<32x40x128xi32, #tpu.memory_space<hbm>> -> memref<1x40x128xi32, #tpu.memory_space<hbm>>
      %dma_start3A_38 = tpu.memref_squeeze %dma_start3A_37 : memref<1x40x128xi32, #tpu.memory_space<hbm>> -> memref<40x128xi32, #tpu.memory_space<hbm>>
      tpu.enqueue_dma source(%dma_start3A_38 : memref<40x128xi32, #tpu.memory_space<hbm>>) target(%arg8 : memref<40x128xi32, #tpu.memory_space<vmem>>) target_semaphore(%run_scoped3A : memref<!tpu.dma_semaphore, #tpu.memory_space<semaphore_mem>>)
      %dma_wait3A_39 = arith.constant 0 : i32
      %dma_wait3A_40 = arith.constant 0 : i32
      %dma_wait3A_41 = tpu.memref_slice %arg3[%add3A, %dma_wait3A_39, %dma_wait3A_40] : memref<32x40x128xi32, #tpu.memory_space<hbm>> -> memref<1x40x128xi32, #tpu.memory_space<hbm>>
      %dma_wait3A_42 = tpu.memref_squeeze %dma_wait3A_41 : memref<1x40x128xi32, #tpu.memory_space<hbm>> -> memref<40x128xi32, #tpu.memory_space<hbm>>
      %dma_wait3A_43 = arith.constant 0 : i32
      %dma_wait3A_44 = arith.constant 0 : i32
      %dma_wait3A_45 = tpu.memref_slice %arg3[%add3A, %dma_wait3A_43, %dma_wait3A_44] : memref<32x40x128xi32, #tpu.memory_space<hbm>> -> memref<1x40x128xi32, #tpu.memory_space<hbm>>
      %dma_wait3A_46 = tpu.memref_squeeze %dma_wait3A_45 : memref<1x40x128xi32, #tpu.memory_space<hbm>> -> memref<40x128xi32, #tpu.memory_space<hbm>>
      tpu.wait_dma2 semaphore(%run_scoped3A : memref<!tpu.dma_semaphore, #tpu.memory_space<semaphore_mem>>) src(%dma_wait3A_46 : memref<40x128xi32, #tpu.memory_space<hbm>>) dst(%arg8 : memref<40x128xi32, #tpu.memory_space<vmem>>)
      tpu.yield
    }) : () -> ()
    %mul3A_1 = arith.constant 640 : i32
    %mul3A_2 = arith.muli %arg1, %mul3A_1 : i32
    "tpu.region"() ({
      %run_scoped3A = tpu.sem_alloc : memref<!tpu.dma_semaphore, #tpu.memory_space<semaphore_mem>>
      %dma_start3A_31 = arith.constant 0 : i32
      %dma_start3A_32 = tpu.memref_slice %arg10[%mul3A_2, %dma_start3A_31] : memref<10240x128xf32, #tpu.memory_space<vmem_shared>> -> memref<640x128xf32, #tpu.memory_space<vmem_shared>>
      %dma_start3A_33 = arith.constant 0 : i32
      %dma_start3A_34 = tpu.memref_slice %arg5[%mul3A_2, %dma_start3A_33] : memref<10240x128xf32, #tpu.memory_space<hbm>> -> memref<640x128xf32, #tpu.memory_space<hbm>>
      tpu.enqueue_dma source(%dma_start3A_34 : memref<640x128xf32, #tpu.memory_space<hbm>>) target(%dma_start3A_32 : memref<640x128xf32, #tpu.memory_space<vmem_shared>>) target_semaphore(%run_scoped3A : memref<!tpu.dma_semaphore, #tpu.memory_space<semaphore_mem>>)
      %dma_wait3A_35 = arith.constant 0 : i32
      %dma_wait3A_36 = tpu.memref_slice %arg10[%mul3A_2, %dma_wait3A_35] : memref<10240x128xf32, #tpu.memory_space<vmem_shared>> -> memref<640x128xf32, #tpu.memory_space<vmem_shared>>
      %dma_wait3A_37 = arith.constant 0 : i32
      %dma_wait3A_38 = tpu.memref_slice %arg5[%mul3A_2, %dma_wait3A_37] : memref<10240x128xf32, #tpu.memory_space<hbm>> -> memref<640x128xf32, #tpu.memory_space<hbm>>
      tpu.wait_dma2 semaphore(%run_scoped3A : memref<!tpu.dma_semaphore, #tpu.memory_space<semaphore_mem>>) src(%dma_wait3A_38 : memref<640x128xf32, #tpu.memory_space<hbm>>) dst(%dma_wait3A_36 : memref<640x128xf32, #tpu.memory_space<vmem_shared>>)
      tpu.yield
    }) : () -> ()
    %barrier3A = arith.constant 0 : index
    tpu.barrier barrier_id(%barrier3A)
    %dma_start3A = arith.constant 0 : i32
    %dma_start3A_3 = arith.constant 0 : i32
    %dma_start3A_4 = arith.constant 0 : i32
    %dma_start3A_5 = arith.constant 0 : i32
    %dma_start3A_6 = tpu.memref_slice %arg9[%dma_start3A_3, %dma_start3A_4, %dma_start3A_5] : memref<2x128x128xf32, #tpu.memory_space<vmem>> -> memref<1x128x128xf32, #tpu.memory_space<vmem>>
    %dma_start3A_7 = tpu.memref_squeeze %dma_start3A_6 : memref<1x128x128xf32, #tpu.memory_space<vmem>> -> memref<128x128xf32, #tpu.memory_space<vmem>>
    %dma_start3A_8 = arith.constant 0 : i32
    %dma_start3A_9 = tpu.memref_slice %arg7[%dma_start3A, %dma_start3A_8] : memref<40x128xi32, #tpu.memory_space<vmem>> -> memref<1x128xi32, #tpu.memory_space<vmem>>
    %dma_start3A_10 = tpu.memref_squeeze %dma_start3A_9 : memref<1x128xi32, #tpu.memory_space<vmem>> -> memref<128xi32, #tpu.memory_space<vmem>>
    %dma_start3A_11 = arith.constant 0 : i32
    %dma_start3A_12 = arith.constant 0 : i32
    %dma_start3A_13 = tpu.memref_slice %arg4[%dma_start3A_11, %dma_start3A_12] : memref<10240x128xf32, #tpu.memory_space<hbm>> -> memref<10240x128xf32, #tpu.memory_space<hbm>>
    tpu.enqueue_indirect_dma source(%dma_start3A_13 : memref<10240x128xf32, #tpu.memory_space<hbm>>) target(%dma_start3A_7 : memref<128x128xf32, #tpu.memory_space<vmem>>) offsets(%dma_start3A_10 : memref<128xi32, #tpu.memory_space<vmem>>) semaphore(%arg11 : memref<!tpu.dma_semaphore, #tpu.memory_space<semaphore_mem>>)
    %scan3A = arith.constant 0 : i32
    %scan3A_14 = arith.constant 0 : i32
    %scan3A_15 = arith.constant 40 : i32
    %scan3A_16 = arith.addi %scan3A_14, %scan3A_15 : i32
    %scan3A_17 = arith.constant 1 : i32
    scf.for %scan3A_31 = %scan3A_14 to %scan3A_16 step %scan3A_17  : i32 {
      %rem3A = arith.constant 2 : i32
      %rem3A_32 = arith.remsi %scan3A_31, %rem3A : i32
      %ge3A = arith.constant 1 : i32
      %ge3A_33 = arith.cmpi sge, %scan3A_31, %ge3A : i32
      %convert_element_type3A = arith.extui %ge3A_33 : i1 to i32
      %cond3A = arith.constant 0 : i32
      %cond3A_34 = arith.cmpi ne, %convert_element_type3A, %cond3A : i32
      scf.if %cond3A_34 {
        %sub3A = arith.constant 1 : i32
        %sub3A_61 = arith.subi %sub3A, %rem3A_32 : i32
        %sub3A_62 = arith.constant 1 : i32
        %sub3A_63 = arith.subi %scan3A_31, %sub3A_62 : i32
        %dma_wait3A_64 = arith.constant 0 : i32
        %dma_wait3A_65 = arith.constant 0 : i32
        %dma_wait3A_66 = tpu.memref_slice %arg9[%sub3A_61, %dma_wait3A_64, %dma_wait3A_65] : memref<2x128x128xf32, #tpu.memory_space<vmem>> -> memref<1x128x128xf32, #tpu.memory_space<vmem>>
        %dma_wait3A_67 = tpu.memref_squeeze %dma_wait3A_66 : memref<1x128x128xf32, #tpu.memory_space<vmem>> -> memref<128x128xf32, #tpu.memory_space<vmem>>
        %dma_wait3A_68 = arith.constant 0 : i32
        %dma_wait3A_69 = tpu.memref_slice %arg8[%sub3A_63, %dma_wait3A_68] : memref<40x128xi32, #tpu.memory_space<vmem>> -> memref<1x128xi32, #tpu.memory_space<vmem>>
        %dma_wait3A_70 = tpu.memref_squeeze %dma_wait3A_69 : memref<1x128xi32, #tpu.memory_space<vmem>> -> memref<128xi32, #tpu.memory_space<vmem>>
        %dma_wait3A_71 = arith.constant 0 : i32
        %dma_wait3A_72 = arith.constant 0 : i32
        %dma_wait3A_73 = tpu.memref_slice %arg10[%dma_wait3A_71, %dma_wait3A_72] : memref<10240x128xf32, #tpu.memory_space<vmem_shared>> -> memref<10240x128xf32, #tpu.memory_space<vmem_shared>>
        tpu.wait_indirect_dma semaphore(%arg12 : memref<!tpu.dma_semaphore, #tpu.memory_space<semaphore_mem>>) src(%dma_wait3A_67 : memref<128x128xf32, #tpu.memory_space<vmem>>) dst(%dma_wait3A_73 : memref<10240x128xf32, #tpu.memory_space<vmem_shared>>)
      } else {
      }
      %add3A_35 = arith.constant 1 : i32
      %add3A_36 = arith.addi %scan3A_31, %add3A_35 : i32
      %lt3A = arith.constant 40 : i32
      %lt3A_37 = arith.cmpi slt, %add3A_36, %lt3A : i32
      %convert_element_type3A_38 = arith.extui %lt3A_37 : i1 to i32
      %cond3A_39 = arith.constant 0 : i32
      %cond3A_40 = arith.cmpi ne, %convert_element_type3A_38, %cond3A_39 : i32
      scf.if %cond3A_40 {
        %add3A_61 = arith.constant 1 : i32
        %add3A_62 = arith.addi %scan3A_31, %add3A_61 : i32
        %sub3A = arith.constant 1 : i32
        %sub3A_63 = arith.subi %sub3A, %rem3A_32 : i32
        %dma_start3A_64 = arith.constant 0 : i32
        %dma_start3A_65 = arith.constant 0 : i32
        %dma_start3A_66 = tpu.memref_slice %arg9[%sub3A_63, %dma_start3A_64, %dma_start3A_65] : memref<2x128x128xf32, #tpu.memory_space<vmem>> -> memref<1x128x128xf32, #tpu.memory_space<vmem>>
        %dma_start3A_67 = tpu.memref_squeeze %dma_start3A_66 : memref<1x128x128xf32, #tpu.memory_space<vmem>> -> memref<128x128xf32, #tpu.memory_space<vmem>>
        %dma_start3A_68 = arith.constant 0 : i32
        %dma_start3A_69 = tpu.memref_slice %arg7[%add3A_62, %dma_start3A_68] : memref<40x128xi32, #tpu.memory_space<vmem>> -> memref<1x128xi32, #tpu.memory_space<vmem>>
        %dma_start3A_70 = tpu.memref_squeeze %dma_start3A_69 : memref<1x128xi32, #tpu.memory_space<vmem>> -> memref<128xi32, #tpu.memory_space<vmem>>
        %dma_start3A_71 = arith.constant 0 : i32
        %dma_start3A_72 = arith.constant 0 : i32
        %dma_start3A_73 = tpu.memref_slice %arg4[%dma_start3A_71, %dma_start3A_72] : memref<10240x128xf32, #tpu.memory_space<hbm>> -> memref<10240x128xf32, #tpu.memory_space<hbm>>
        tpu.enqueue_indirect_dma source(%dma_start3A_73 : memref<10240x128xf32, #tpu.memory_space<hbm>>) target(%dma_start3A_67 : memref<128x128xf32, #tpu.memory_space<vmem>>) offsets(%dma_start3A_70 : memref<128xi32, #tpu.memory_space<vmem>>) semaphore(%arg11 : memref<!tpu.dma_semaphore, #tpu.memory_space<semaphore_mem>>)
      } else {
      }
      %dma_wait3A_41 = arith.constant 0 : i32
      %dma_wait3A_42 = arith.constant 0 : i32
      %dma_wait3A_43 = tpu.memref_slice %arg9[%rem3A_32, %dma_wait3A_41, %dma_wait3A_42] : memref<2x128x128xf32, #tpu.memory_space<vmem>> -> memref<1x128x128xf32, #tpu.memory_space<vmem>>
      %dma_wait3A_44 = tpu.memref_squeeze %dma_wait3A_43 : memref<1x128x128xf32, #tpu.memory_space<vmem>> -> memref<128x128xf32, #tpu.memory_space<vmem>>
      %dma_wait3A_45 = arith.constant 0 : i32
      %dma_wait3A_46 = tpu.memref_slice %arg7[%scan3A_31, %dma_wait3A_45] : memref<40x128xi32, #tpu.memory_space<vmem>> -> memref<1x128xi32, #tpu.memory_space<vmem>>
      %dma_wait3A_47 = tpu.memref_squeeze %dma_wait3A_46 : memref<1x128xi32, #tpu.memory_space<vmem>> -> memref<128xi32, #tpu.memory_space<vmem>>
      %dma_wait3A_48 = arith.constant 0 : i32
      %dma_wait3A_49 = arith.constant 0 : i32
      %dma_wait3A_50 = tpu.memref_slice %arg4[%dma_wait3A_48, %dma_wait3A_49] : memref<10240x128xf32, #tpu.memory_space<hbm>> -> memref<10240x128xf32, #tpu.memory_space<hbm>>
      tpu.wait_indirect_dma semaphore(%arg11 : memref<!tpu.dma_semaphore, #tpu.memory_space<semaphore_mem>>) src(%dma_wait3A_50 : memref<10240x128xf32, #tpu.memory_space<hbm>>) dst(%dma_wait3A_44 : memref<128x128xf32, #tpu.memory_space<vmem>>)
      %dma_start3A_51 = arith.constant 0 : i32
      %dma_start3A_52 = arith.constant 0 : i32
      %dma_start3A_53 = tpu.memref_slice %arg9[%rem3A_32, %dma_start3A_51, %dma_start3A_52] : memref<2x128x128xf32, #tpu.memory_space<vmem>> -> memref<1x128x128xf32, #tpu.memory_space<vmem>>
      %dma_start3A_54 = tpu.memref_squeeze %dma_start3A_53 : memref<1x128x128xf32, #tpu.memory_space<vmem>> -> memref<128x128xf32, #tpu.memory_space<vmem>>
      %dma_start3A_55 = arith.constant 0 : i32
      %dma_start3A_56 = tpu.memref_slice %arg8[%scan3A_31, %dma_start3A_55] : memref<40x128xi32, #tpu.memory_space<vmem>> -> memref<1x128xi32, #tpu.memory_space<vmem>>
      %dma_start3A_57 = tpu.memref_squeeze %dma_start3A_56 : memref<1x128xi32, #tpu.memory_space<vmem>> -> memref<128xi32, #tpu.memory_space<vmem>>
      %dma_start3A_58 = arith.constant 0 : i32
      %dma_start3A_59 = arith.constant 0 : i32
      %dma_start3A_60 = tpu.memref_slice %arg10[%dma_start3A_58, %dma_start3A_59] : memref<10240x128xf32, #tpu.memory_space<vmem_shared>> -> memref<10240x128xf32, #tpu.memory_space<vmem_shared>>
      tpu.enqueue_indirect_dma source(%dma_start3A_54 : memref<128x128xf32, #tpu.memory_space<vmem>>) target(%dma_start3A_60 : memref<10240x128xf32, #tpu.memory_space<vmem_shared>>) offsets(%dma_start3A_57 : memref<128xi32, #tpu.memory_space<vmem>>) semaphore(%arg12 : memref<!tpu.dma_semaphore, #tpu.memory_space<semaphore_mem>>) {add = true}
    }
    %scan3A_18 = arith.constant 40 : i32
    %dma_wait3A = arith.constant 1 : i32
    %dma_wait3A_19 = arith.constant 39 : i32
    %dma_wait3A_20 = arith.constant 0 : i32
    %dma_wait3A_21 = arith.constant 0 : i32
    %dma_wait3A_22 = tpu.memref_slice %arg9[%dma_wait3A, %dma_wait3A_20, %dma_wait3A_21] : memref<2x128x128xf32, #tpu.memory_space<vmem>> -> memref<1x128x128xf32, #tpu.memory_space<vmem>>
    %dma_wait3A_23 = tpu.memref_squeeze %dma_wait3A_22 : memref<1x128x128xf32, #tpu.memory_space<vmem>> -> memref<128x128xf32, #tpu.memory_space<vmem>>
    %dma_wait3A_24 = arith.constant 0 : i32
    %dma_wait3A_25 = tpu.memref_slice %arg8[%dma_wait3A_19, %dma_wait3A_24] : memref<40x128xi32, #tpu.memory_space<vmem>> -> memref<1x128xi32, #tpu.memory_space<vmem>>
    %dma_wait3A_26 = tpu.memref_squeeze %dma_wait3A_25 : memref<1x128xi32, #tpu.memory_space<vmem>> -> memref<128xi32, #tpu.memory_space<vmem>>
    %dma_wait3A_27 = arith.constant 0 : i32
    %dma_wait3A_28 = arith.constant 0 : i32
    %dma_wait3A_29 = tpu.memref_slice %arg10[%dma_wait3A_27, %dma_wait3A_28] : memref<10240x128xf32, #tpu.memory_space<vmem_shared>> -> memref<10240x128xf32, #tpu.memory_space<vmem_shared>>
    tpu.wait_indirect_dma semaphore(%arg12 : memref<!tpu.dma_semaphore, #tpu.memory_space<semaphore_mem>>) src(%dma_wait3A_23 : memref<128x128xf32, #tpu.memory_space<vmem>>) dst(%dma_wait3A_29 : memref<10240x128xf32, #tpu.memory_space<vmem_shared>>)
    %barrier3A_30 = arith.constant 0 : index
    tpu.barrier barrier_id(%barrier3A_30)
    "tpu.region"() ({
      %run_scoped3A = tpu.sem_alloc : memref<!tpu.dma_semaphore, #tpu.memory_space<semaphore_mem>>
      %dma_start3A_31 = arith.constant 0 : i32
      %dma_start3A_32 = tpu.memref_slice %arg6[%arg0, %mul3A_2, %dma_start3A_31] : memref<2x10240x128xf32, #tpu.memory_space<hbm>> -> memref<1x640x128xf32, #tpu.memory_space<hbm>>
      %dma_start3A_33 = tpu.memref_squeeze %dma_start3A_32 : memref<1x640x128xf32, #tpu.memory_space<hbm>> -> memref<640x128xf32, #tpu.memory_space<hbm>>
      %dma_start3A_34 = arith.constant 0 : i32
      %dma_start3A_35 = tpu.memref_slice %arg10[%mul3A_2, %dma_start3A_34] : memref<10240x128xf32, #tpu.memory_space<vmem_shared>> -> memref<640x128xf32, #tpu.memory_space<vmem_shared>>
      tpu.enqueue_dma source(%dma_start3A_35 : memref<640x128xf32, #tpu.memory_space<vmem_shared>>) target(%dma_start3A_33 : memref<640x128xf32, #tpu.memory_space<hbm>>) target_semaphore(%run_scoped3A : memref<!tpu.dma_semaphore, #tpu.memory_space<semaphore_mem>>)
      %dma_wait3A_36 = arith.constant 0 : i32
      %dma_wait3A_37 = tpu.memref_slice %arg6[%arg0, %mul3A_2, %dma_wait3A_36] : memref<2x10240x128xf32, #tpu.memory_space<hbm>> -> memref<1x640x128xf32, #tpu.memory_space<hbm>>
      %dma_wait3A_38 = tpu.memref_squeeze %dma_wait3A_37 : memref<1x640x128xf32, #tpu.memory_space<hbm>> -> memref<640x128xf32, #tpu.memory_space<hbm>>
      %dma_wait3A_39 = arith.constant 0 : i32
      %dma_wait3A_40 = tpu.memref_slice %arg10[%mul3A_2, %dma_wait3A_39] : memref<10240x128xf32, #tpu.memory_space<vmem_shared>> -> memref<640x128xf32, #tpu.memory_space<vmem_shared>>
      tpu.wait_dma2 semaphore(%run_scoped3A : memref<!tpu.dma_semaphore, #tpu.memory_space<semaphore_mem>>) src(%dma_wait3A_40 : memref<640x128xf32, #tpu.memory_space<vmem_shared>>) dst(%dma_wait3A_38 : memref<640x128xf32, #tpu.memory_space<hbm>>)
      tpu.yield
    }) : () -> ()
    return
  }
}

module attributes {stable_mosaic.version = 14 : i64} {
  func.func @_dis_body(%arg0: i32, %arg1: memref<32x1024xf32, #tpu.memory_space<vmem>>, %arg2: memref<1024x1xf32, #tpu.memory_space<vmem>>) attributes {dimension_semantics = [#tpu.dimension_semantics<arbitrary>], iteration_bounds = array<i64: 2>, scalar_prefetch = 0 : i64, scratch_operands = 0 : i64, tpu.core_type = #tpu.core_type<tc>, window_params = [{transform_indices = @transform_0, window_bounds = array<i64: 32, 1024>}, {transform_indices = @transform_1, window_bounds = array<i64: 1024, 1>}]} {
    %get3A = arith.constant 0 : index
    %get3A_0 = arith.constant 0 : index
    %get3A_1 = vector.load %arg1[%get3A, %get3A_0] : memref<32x1024xf32, #tpu.memory_space<vmem>>, vector<32x1024xf32>
    %reduce_sum3A = arith.constant dense<0.000000e+00> : vector<1024xf32>
    %reduce_sum3A_2 = vector.multi_reduction <add>, %get3A_1, %reduce_sum3A [0] : vector<32x1024xf32> to vector<1024xf32>
    %add3A = arith.constant 1.000000e+00 : f32
    %add3A_3 = vector.broadcast %add3A : f32 to vector<1024xf32>
    %add3A_4 = arith.addf %reduce_sum3A_2, %add3A_3 : vector<1024xf32>
    %rsqrt3A = math.rsqrt %add3A_4 : vector<1024xf32>
    %broadcast_in_dim3A = vector.shape_cast %rsqrt3A : vector<1024xf32> to vector<1024x1xf32>
    %swap3A = arith.constant 0 : index
    %swap3A_5 = arith.constant 0 : index
    %swap3A_6 = vector.load %arg2[%swap3A, %swap3A_5] : memref<1024x1xf32, #tpu.memory_space<vmem>>, vector<1024x1xf32>
    tpu.vector_store %arg2[%swap3A, %swap3A_5], %broadcast_in_dim3A {strides = array<i32>} : memref<1024x1xf32, #tpu.memory_space<vmem>>, vector<1024x1xf32>,
    return
  }
  func.func @transform_0(%arg0: i32) -> (i32, i32) {
    %c0_i32 = arith.constant 0 : i32
    %c0_i32_0 = arith.constant 0 : i32
    return %c0_i32, %arg0 : i32, i32
  }
  func.func @transform_1(%arg0: i32) -> (i32, i32) {
    %c0_i32 = arith.constant 0 : i32
    %c0_i32_0 = arith.constant 0 : i32
    return %arg0, %c0_i32 : i32, i32
  }
}

module attributes {stable_mosaic.version = 14 : i64} {
  func.func @_mm_scale_body(%arg0: i32, %arg1: memref<1024x128xf32, #tpu.memory_space<vmem>>, %arg2: memref<128x128xf32, #tpu.memory_space<vmem>>, %arg3: memref<1024x1xf32, #tpu.memory_space<vmem>>, %arg4: memref<1024x128xf32, #tpu.memory_space<vmem>>) attributes {dimension_semantics = [#tpu.dimension_semantics<arbitrary>], iteration_bounds = array<i64: 2>, scalar_prefetch = 0 : i64, scratch_operands = 0 : i64, tpu.core_type = #tpu.core_type<tc>, window_params = [{transform_indices = @transform_0, window_bounds = array<i64: 1024, 128>}, {pipeline_mode = #tpu.pipeline_mode<synchronous>, transform_indices = @transform_1, window_bounds = array<i64: 128, 128>}, {transform_indices = @transform_2, window_bounds = array<i64: 1024, 1>}, {transform_indices = @transform_3, window_bounds = array<i64: 1024, 128>}]} {
    %get3A = arith.constant 0 : index
    %get3A_0 = arith.constant 0 : index
    %get3A_1 = vector.load %arg1[%get3A, %get3A_0] : memref<1024x128xf32, #tpu.memory_space<vmem>>, vector<1024x128xf32>
    %get3A_2 = arith.constant 0 : index
    %get3A_3 = arith.constant 0 : index
    %get3A_4 = vector.load %arg2[%get3A_2, %get3A_3] : memref<128x128xf32, #tpu.memory_space<vmem>>, vector<128x128xf32>
    %dot_general3A = arith.constant dense<0.000000e+00> : vector<1024x128xf32>
    %dot_general3A_5 = tpu.matmul %get3A_1, %get3A_4, %dot_general3A {dimension_numbers = #tpu.dot_dimension_numbers<[1], [0], [0], [1], [0, 0, 1, 1], [], []>, transpose_lhs_hint = false} : vector<1024x128xf32>, vector<128x128xf32>, vector<1024x128xf32> -> vector<1024x128xf32>
    %get3A_6 = arith.constant 0 : index
    %get3A_7 = arith.constant 0 : index
    %get3A_8 = vector.load %arg3[%get3A_6, %get3A_7] : memref<1024x1xf32, #tpu.memory_space<vmem>>, vector<1024x1xf32>
    %mul3A = vector.broadcast %get3A_8 : vector<1024x1xf32> to vector<1024x128xf32>
    %mul3A_9 = arith.mulf %dot_general3A_5, %mul3A : vector<1024x128xf32>
    %swap3A = arith.constant 0 : index
    %swap3A_10 = arith.constant 0 : index
    %swap3A_11 = vector.load %arg4[%swap3A, %swap3A_10] : memref<1024x128xf32, #tpu.memory_space<vmem>>, vector<1024x128xf32>
    tpu.vector_store %arg4[%swap3A, %swap3A_10], %mul3A_9 {strides = array<i32>} : memref<1024x128xf32, #tpu.memory_space<vmem>>, vector<1024x128xf32>,
    return
  }
  func.func @transform_0(%arg0: i32) -> (i32, i32) {
    %c0_i32 = arith.constant 0 : i32
    %c0_i32_0 = arith.constant 0 : i32
    return %arg0, %c0_i32 : i32, i32
  }
  func.func @transform_1(%arg0: i32) -> (i32, i32) {
    %c0_i32 = arith.constant 0 : i32
    %c0_i32_0 = arith.constant 0 : i32
    %c0_i32_1 = arith.constant 0 : i32
    return %c0_i32, %c0_i32_0 : i32, i32
  }
  func.func @transform_2(%arg0: i32) -> (i32, i32) {
    %c0_i32 = arith.constant 0 : i32
    %c0_i32_0 = arith.constant 0 : i32
    return %arg0, %c0_i32 : i32, i32
  }
  func.func @transform_3(%arg0: i32) -> (i32, i32) {
    %c0_i32 = arith.constant 0 : i32
    %c0_i32_0 = arith.constant 0 : i32
    return %arg0, %c0_i32 : i32, i32
  }
}

module attributes {stable_mosaic.version = 14 : i64} {
  func.func @_dis_body(%arg0: i32, %arg1: memref<32x1024xf32, #tpu.memory_space<vmem>>, %arg2: memref<1024x1xf32, #tpu.memory_space<vmem>>) attributes {dimension_semantics = [#tpu.dimension_semantics<arbitrary>], iteration_bounds = array<i64: 10>, scalar_prefetch = 0 : i64, scratch_operands = 0 : i64, tpu.core_type = #tpu.core_type<tc>, window_params = [{transform_indices = @transform_0, window_bounds = array<i64: 32, 1024>}, {transform_indices = @transform_1, window_bounds = array<i64: 1024, 1>}]} {
    %get3A = arith.constant 0 : index
    %get3A_0 = arith.constant 0 : index
    %get3A_1 = vector.load %arg1[%get3A, %get3A_0] : memref<32x1024xf32, #tpu.memory_space<vmem>>, vector<32x1024xf32>
    %reduce_sum3A = arith.constant dense<0.000000e+00> : vector<1024xf32>
    %reduce_sum3A_2 = vector.multi_reduction <add>, %get3A_1, %reduce_sum3A [0] : vector<32x1024xf32> to vector<1024xf32>
    %add3A = arith.constant 1.000000e+00 : f32
    %add3A_3 = vector.broadcast %add3A : f32 to vector<1024xf32>
    %add3A_4 = arith.addf %reduce_sum3A_2, %add3A_3 : vector<1024xf32>
    %rsqrt3A = math.rsqrt %add3A_4 : vector<1024xf32>
    %broadcast_in_dim3A = vector.shape_cast %rsqrt3A : vector<1024xf32> to vector<1024x1xf32>
    %swap3A = arith.constant 0 : index
    %swap3A_5 = arith.constant 0 : index
    %swap3A_6 = vector.load %arg2[%swap3A, %swap3A_5] : memref<1024x1xf32, #tpu.memory_space<vmem>>, vector<1024x1xf32>
    tpu.vector_store %arg2[%swap3A, %swap3A_5], %broadcast_in_dim3A {strides = array<i32>} : memref<1024x1xf32, #tpu.memory_space<vmem>>, vector<1024x1xf32>,
    return
  }
  func.func @transform_0(%arg0: i32) -> (i32, i32) {
    %c0_i32 = arith.constant 0 : i32
    %c0_i32_0 = arith.constant 0 : i32
    return %c0_i32, %arg0 : i32, i32
  }
  func.func @transform_1(%arg0: i32) -> (i32, i32) {
    %c0_i32 = arith.constant 0 : i32
    %c0_i32_0 = arith.constant 0 : i32
    return %arg0, %c0_i32 : i32, i32
  }
}

module attributes {stable_mosaic.version = 14 : i64} {
  func.func @_mm_scale_body(%arg0: i32, %arg1: memref<1024x128xf32, #tpu.memory_space<vmem>>, %arg2: memref<128x128xf32, #tpu.memory_space<vmem>>, %arg3: memref<1024x1xf32, #tpu.memory_space<vmem>>, %arg4: memref<1024x128xf32, #tpu.memory_space<vmem>>) attributes {dimension_semantics = [#tpu.dimension_semantics<arbitrary>], iteration_bounds = array<i64: 10>, scalar_prefetch = 0 : i64, scratch_operands = 0 : i64, tpu.core_type = #tpu.core_type<tc>, window_params = [{transform_indices = @transform_0, window_bounds = array<i64: 1024, 128>}, {pipeline_mode = #tpu.pipeline_mode<synchronous>, transform_indices = @transform_1, window_bounds = array<i64: 128, 128>}, {transform_indices = @transform_2, window_bounds = array<i64: 1024, 1>}, {transform_indices = @transform_3, window_bounds = array<i64: 1024, 128>}]} {
    %get3A = arith.constant 0 : index
    %get3A_0 = arith.constant 0 : index
    %get3A_1 = vector.load %arg1[%get3A, %get3A_0] : memref<1024x128xf32, #tpu.memory_space<vmem>>, vector<1024x128xf32>
    %get3A_2 = arith.constant 0 : index
    %get3A_3 = arith.constant 0 : index
    %get3A_4 = vector.load %arg2[%get3A_2, %get3A_3] : memref<128x128xf32, #tpu.memory_space<vmem>>, vector<128x128xf32>
    %dot_general3A = arith.constant dense<0.000000e+00> : vector<1024x128xf32>
    %dot_general3A_5 = tpu.matmul %get3A_1, %get3A_4, %dot_general3A {dimension_numbers = #tpu.dot_dimension_numbers<[1], [0], [0], [1], [0, 0, 1, 1], [], []>, transpose_lhs_hint = false} : vector<1024x128xf32>, vector<128x128xf32>, vector<1024x128xf32> -> vector<1024x128xf32>
    %get3A_6 = arith.constant 0 : index
    %get3A_7 = arith.constant 0 : index
    %get3A_8 = vector.load %arg3[%get3A_6, %get3A_7] : memref<1024x1xf32, #tpu.memory_space<vmem>>, vector<1024x1xf32>
    %mul3A = vector.broadcast %get3A_8 : vector<1024x1xf32> to vector<1024x128xf32>
    %mul3A_9 = arith.mulf %dot_general3A_5, %mul3A : vector<1024x128xf32>
    %swap3A = arith.constant 0 : index
    %swap3A_10 = arith.constant 0 : index
    %swap3A_11 = vector.load %arg4[%swap3A, %swap3A_10] : memref<1024x128xf32, #tpu.memory_space<vmem>>, vector<1024x128xf32>
    tpu.vector_store %arg4[%swap3A, %swap3A_10], %mul3A_9 {strides = array<i32>} : memref<1024x128xf32, #tpu.memory_space<vmem>>, vector<1024x128xf32>,
    return
  }
  func.func @transform_0(%arg0: i32) -> (i32, i32) {
    %c0_i32 = arith.constant 0 : i32
    %c0_i32_0 = arith.constant 0 : i32
    return %arg0, %c0_i32 : i32, i32
  }
  func.func @transform_1(%arg0: i32) -> (i32, i32) {
    %c0_i32 = arith.constant 0 : i32
    %c0_i32_0 = arith.constant 0 : i32
    %c0_i32_1 = arith.constant 0 : i32
    return %c0_i32, %c0_i32_0 : i32, i32
  }
  func.func @transform_2(%arg0: i32) -> (i32, i32) {
    %c0_i32 = arith.constant 0 : i32
    %c0_i32_0 = arith.constant 0 : i32
    return %arg0, %c0_i32 : i32, i32
  }
  func.func @transform_3(%arg0: i32) -> (i32, i32) {
    %c0_i32 = arith.constant 0 : i32
    %c0_i32_0 = arith.constant 0 : i32
    return %arg0, %c0_i32 : i32, i32
  }
}

module attributes {stable_mosaic.version = 14 : i64} {
  func.func @_combine_mm_body(%arg0: i32, %arg1: memref<2x1024x128xf32, #tpu.memory_space<vmem>>, %arg2: memref<1024x128xf32, #tpu.memory_space<vmem>>, %arg3: memref<1024x1xf32, #tpu.memory_space<vmem>>, %arg4: memref<1x128xf32, #tpu.memory_space<vmem>>, %arg5: memref<128x128xf32, #tpu.memory_space<vmem>>, %arg6: memref<1024x128xf32, #tpu.memory_space<vmem>>) attributes {dimension_semantics = [#tpu.dimension_semantics<arbitrary>], iteration_bounds = array<i64: 2>, scalar_prefetch = 0 : i64, scratch_operands = 0 : i64, tpu.core_type = #tpu.core_type<tc>, window_params = [{transform_indices = @transform_0, window_bounds = array<i64: 2, 1024, 128>}, {transform_indices = @transform_1, window_bounds = array<i64: 1024, 128>}, {transform_indices = @transform_2, window_bounds = array<i64: 1024, 1>}, {pipeline_mode = #tpu.pipeline_mode<synchronous>, transform_indices = @transform_3, window_bounds = array<i64: 1, 128>}, {pipeline_mode = #tpu.pipeline_mode<synchronous>, transform_indices = @transform_4, window_bounds = array<i64: 128, 128>}, {transform_indices = @transform_5, window_bounds = array<i64: 1024, 128>}]} {
    %get3A = arith.constant 0 : index
    %get3A_0 = arith.constant 0 : index
    %get3A_1 = vector.load %arg3[%get3A, %get3A_0] : memref<1024x1xf32, #tpu.memory_space<vmem>>, vector<1024x1xf32>
    %get3A_2 = arith.constant 0 : index
    %get3A_3 = arith.constant 0 : index
    %get3A_4 = arith.constant 0 : index
    %get3A_5 = vector.load %arg1[%get3A_2, %get3A_3, %get3A_4] : memref<2x1024x128xf32, #tpu.memory_space<vmem>>, vector<1x1024x128xf32>
    %get3A_6 = vector.shape_cast %get3A_5 : vector<1x1024x128xf32> to vector<1024x128xf32>
    %get3A_7 = arith.constant 1 : index
    %get3A_8 = arith.constant 0 : index
    %get3A_9 = arith.constant 0 : index
    %get3A_10 = vector.load %arg1[%get3A_7, %get3A_8, %get3A_9] : memref<2x1024x128xf32, #tpu.memory_space<vmem>>, vector<1x1024x128xf32>
    %get3A_11 = vector.shape_cast %get3A_10 : vector<1x1024x128xf32> to vector<1024x128xf32>
    %add3A = arith.addf %get3A_6, %get3A_11 : vector<1024x128xf32>
    %get3A_12 = arith.constant 0 : index
    %get3A_13 = arith.constant 0 : index
    %get3A_14 = vector.load %arg2[%get3A_12, %get3A_13] : memref<1024x128xf32, #tpu.memory_space<vmem>>, vector<1024x128xf32>
    %add3A_15 = arith.addf %add3A, %get3A_14 : vector<1024x128xf32>
    %mul3A = vector.broadcast %get3A_1 : vector<1024x1xf32> to vector<1024x128xf32>
    %mul3A_16 = arith.mulf %add3A_15, %mul3A : vector<1024x128xf32>
    %get3A_17 = arith.constant 0 : index
    %get3A_18 = arith.constant 0 : index
    %get3A_19 = vector.load %arg4[%get3A_17, %get3A_18] : memref<1x128xf32, #tpu.memory_space<vmem>>, vector<1x128xf32>
    %add3A_20 = vector.broadcast %get3A_19 : vector<1x128xf32> to vector<1024x128xf32>
    %add3A_21 = arith.addf %mul3A_16, %add3A_20 : vector<1024x128xf32>
    %max3A = arith.constant 0.000000e+00 : f32
    %max3A_22 = vector.broadcast %max3A : f32 to vector<1024x128xf32>
    %max3A_23 = arith.maximumf %add3A_21, %max3A_22 : vector<1024x128xf32>
    %get3A_24 = arith.constant 0 : index
    %get3A_25 = arith.constant 0 : index
    %get3A_26 = vector.load %arg5[%get3A_24, %get3A_25] : memref<128x128xf32, #tpu.memory_space<vmem>>, vector<128x128xf32>
    %dot_general3A = arith.constant dense<0.000000e+00> : vector<1024x128xf32>
    %dot_general3A_27 = tpu.matmul %max3A_23, %get3A_26, %dot_general3A {dimension_numbers = #tpu.dot_dimension_numbers<[1], [0], [0], [1], [0, 0, 1, 1], [], []>, transpose_lhs_hint = false} : vector<1024x128xf32>, vector<128x128xf32>, vector<1024x128xf32> -> vector<1024x128xf32>
    %mul3A_28 = vector.broadcast %get3A_1 : vector<1024x1xf32> to vector<1024x128xf32>
    %mul3A_29 = arith.mulf %dot_general3A_27, %mul3A_28 : vector<1024x128xf32>
    %swap3A = arith.constant 0 : index
    %swap3A_30 = arith.constant 0 : index
    %swap3A_31 = vector.load %arg6[%swap3A, %swap3A_30] : memref<1024x128xf32, #tpu.memory_space<vmem>>, vector<1024x128xf32>
    tpu.vector_store %arg6[%swap3A, %swap3A_30], %mul3A_29 {strides = array<i32>} : memref<1024x128xf32, #tpu.memory_space<vmem>>, vector<1024x128xf32>,
    return
  }
  func.func @transform_0(%arg0: i32) -> (i32, i32, i32) {
    %c0_i32 = arith.constant 0 : i32
    %c0_i32_0 = arith.constant 0 : i32
    %c0_i32_1 = arith.constant 0 : i32
    return %c0_i32, %arg0, %c0_i32_0 : i32, i32, i32
  }
  func.func @transform_1(%arg0: i32) -> (i32, i32) {
    %c0_i32 = arith.constant 0 : i32
    %c0_i32_0 = arith.constant 0 : i32
    return %arg0, %c0_i32 : i32, i32
  }
  func.func @transform_2(%arg0: i32) -> (i32, i32) {
    %c0_i32 = arith.constant 0 : i32
    %c0_i32_0 = arith.constant 0 : i32
    return %arg0, %c0_i32 : i32, i32
  }
  func.func @transform_3(%arg0: i32) -> (i32, i32) {
    %c0_i32 = arith.constant 0 : i32
    %c0_i32_0 = arith.constant 0 : i32
    %c0_i32_1 = arith.constant 0 : i32
    return %c0_i32, %c0_i32_0 : i32, i32
  }
  func.func @transform_4(%arg0: i32) -> (i32, i32) {
    %c0_i32 = arith.constant 0 : i32
    %c0_i32_0 = arith.constant 0 : i32
    %c0_i32_1 = arith.constant 0 : i32
    return %c0_i32, %c0_i32_0 : i32, i32
  }
  func.func @transform_5(%arg0: i32) -> (i32, i32) {
    %c0_i32 = arith.constant 0 : i32
    %c0_i32_0 = arith.constant 0 : i32
    return %arg0, %c0_i32 : i32, i32
  }
}

module attributes {stable_mosaic.version = 14 : i64} {
  func.func @_combine_mm_body(%arg0: i32, %arg1: memref<2x1024x128xf32, #tpu.memory_space<vmem>>, %arg2: memref<1024x128xf32, #tpu.memory_space<vmem>>, %arg3: memref<1024x1xf32, #tpu.memory_space<vmem>>, %arg4: memref<1x128xf32, #tpu.memory_space<vmem>>, %arg5: memref<128x128xf32, #tpu.memory_space<vmem>>, %arg6: memref<1024x128xf32, #tpu.memory_space<vmem>>) attributes {dimension_semantics = [#tpu.dimension_semantics<arbitrary>], iteration_bounds = array<i64: 10>, scalar_prefetch = 0 : i64, scratch_operands = 0 : i64, tpu.core_type = #tpu.core_type<tc>, window_params = [{transform_indices = @transform_0, window_bounds = array<i64: 2, 1024, 128>}, {transform_indices = @transform_1, window_bounds = array<i64: 1024, 128>}, {transform_indices = @transform_2, window_bounds = array<i64: 1024, 1>}, {pipeline_mode = #tpu.pipeline_mode<synchronous>, transform_indices = @transform_3, window_bounds = array<i64: 1, 128>}, {pipeline_mode = #tpu.pipeline_mode<synchronous>, transform_indices = @transform_4, window_bounds = array<i64: 128, 128>}, {transform_indices = @transform_5, window_bounds = array<i64: 1024, 128>}]} {
    %get3A = arith.constant 0 : index
    %get3A_0 = arith.constant 0 : index
    %get3A_1 = vector.load %arg3[%get3A, %get3A_0] : memref<1024x1xf32, #tpu.memory_space<vmem>>, vector<1024x1xf32>
    %get3A_2 = arith.constant 0 : index
    %get3A_3 = arith.constant 0 : index
    %get3A_4 = arith.constant 0 : index
    %get3A_5 = vector.load %arg1[%get3A_2, %get3A_3, %get3A_4] : memref<2x1024x128xf32, #tpu.memory_space<vmem>>, vector<1x1024x128xf32>
    %get3A_6 = vector.shape_cast %get3A_5 : vector<1x1024x128xf32> to vector<1024x128xf32>
    %get3A_7 = arith.constant 1 : index
    %get3A_8 = arith.constant 0 : index
    %get3A_9 = arith.constant 0 : index
    %get3A_10 = vector.load %arg1[%get3A_7, %get3A_8, %get3A_9] : memref<2x1024x128xf32, #tpu.memory_space<vmem>>, vector<1x1024x128xf32>
    %get3A_11 = vector.shape_cast %get3A_10 : vector<1x1024x128xf32> to vector<1024x128xf32>
    %add3A = arith.addf %get3A_6, %get3A_11 : vector<1024x128xf32>
    %get3A_12 = arith.constant 0 : index
    %get3A_13 = arith.constant 0 : index
    %get3A_14 = vector.load %arg2[%get3A_12, %get3A_13] : memref<1024x128xf32, #tpu.memory_space<vmem>>, vector<1024x128xf32>
    %add3A_15 = arith.addf %add3A, %get3A_14 : vector<1024x128xf32>
    %mul3A = vector.broadcast %get3A_1 : vector<1024x1xf32> to vector<1024x128xf32>
    %mul3A_16 = arith.mulf %add3A_15, %mul3A : vector<1024x128xf32>
    %get3A_17 = arith.constant 0 : index
    %get3A_18 = arith.constant 0 : index
    %get3A_19 = vector.load %arg4[%get3A_17, %get3A_18] : memref<1x128xf32, #tpu.memory_space<vmem>>, vector<1x128xf32>
    %add3A_20 = vector.broadcast %get3A_19 : vector<1x128xf32> to vector<1024x128xf32>
    %add3A_21 = arith.addf %mul3A_16, %add3A_20 : vector<1024x128xf32>
    %max3A = arith.constant 0.000000e+00 : f32
    %max3A_22 = vector.broadcast %max3A : f32 to vector<1024x128xf32>
    %max3A_23 = arith.maximumf %add3A_21, %max3A_22 : vector<1024x128xf32>
    %get3A_24 = arith.constant 0 : index
    %get3A_25 = arith.constant 0 : index
    %get3A_26 = vector.load %arg5[%get3A_24, %get3A_25] : memref<128x128xf32, #tpu.memory_space<vmem>>, vector<128x128xf32>
    %dot_general3A = arith.constant dense<0.000000e+00> : vector<1024x128xf32>
    %dot_general3A_27 = tpu.matmul %max3A_23, %get3A_26, %dot_general3A {dimension_numbers = #tpu.dot_dimension_numbers<[1], [0], [0], [1], [0, 0, 1, 1], [], []>, transpose_lhs_hint = false} : vector<1024x128xf32>, vector<128x128xf32>, vector<1024x128xf32> -> vector<1024x128xf32>
    %mul3A_28 = vector.broadcast %get3A_1 : vector<1024x1xf32> to vector<1024x128xf32>
    %mul3A_29 = arith.mulf %dot_general3A_27, %mul3A_28 : vector<1024x128xf32>
    %swap3A = arith.constant 0 : index
    %swap3A_30 = arith.constant 0 : index
    %swap3A_31 = vector.load %arg6[%swap3A, %swap3A_30] : memref<1024x128xf32, #tpu.memory_space<vmem>>, vector<1024x128xf32>
    tpu.vector_store %arg6[%swap3A, %swap3A_30], %mul3A_29 {strides = array<i32>} : memref<1024x128xf32, #tpu.memory_space<vmem>>, vector<1024x128xf32>,
    return
  }
  func.func @transform_0(%arg0: i32) -> (i32, i32, i32) {
    %c0_i32 = arith.constant 0 : i32
    %c0_i32_0 = arith.constant 0 : i32
    %c0_i32_1 = arith.constant 0 : i32
    return %c0_i32, %arg0, %c0_i32_0 : i32, i32, i32
  }
  func.func @transform_1(%arg0: i32) -> (i32, i32) {
    %c0_i32 = arith.constant 0 : i32
    %c0_i32_0 = arith.constant 0 : i32
    return %arg0, %c0_i32 : i32, i32
  }
  func.func @transform_2(%arg0: i32) -> (i32, i32) {
    %c0_i32 = arith.constant 0 : i32
    %c0_i32_0 = arith.constant 0 : i32
    return %arg0, %c0_i32 : i32, i32
  }
  func.func @transform_3(%arg0: i32) -> (i32, i32) {
    %c0_i32 = arith.constant 0 : i32
    %c0_i32_0 = arith.constant 0 : i32
    %c0_i32_1 = arith.constant 0 : i32
    return %c0_i32, %c0_i32_0 : i32, i32
  }
  func.func @transform_4(%arg0: i32) -> (i32, i32) {
    %c0_i32 = arith.constant 0 : i32
    %c0_i32_0 = arith.constant 0 : i32
    %c0_i32_1 = arith.constant 0 : i32
    return %c0_i32, %c0_i32_0 : i32, i32
  }
  func.func @transform_5(%arg0: i32) -> (i32, i32) {
    %c0_i32 = arith.constant 0 : i32
    %c0_i32_0 = arith.constant 0 : i32
    return %arg0, %c0_i32 : i32, i32
  }
}

module attributes {stable_mosaic.version = 14 : i64} {
  func.func @_combine_body(%arg0: i32, %arg1: memref<2x2000x128xf32, #tpu.memory_space<vmem>>, %arg2: memref<2000x128xf32, #tpu.memory_space<vmem>>, %arg3: memref<2000x1xf32, #tpu.memory_space<vmem>>, %arg4: memref<1x128xf32, #tpu.memory_space<vmem>>, %arg5: memref<2000x64xf32, #tpu.memory_space<vmem>>) attributes {dimension_semantics = [#tpu.dimension_semantics<arbitrary>], iteration_bounds = array<i64: 1>, scalar_prefetch = 0 : i64, scratch_operands = 0 : i64, tpu.core_type = #tpu.core_type<tc>, window_params = [{transform_indices = @transform_0, window_bounds = array<i64: 2, 2000, 128>}, {transform_indices = @transform_1, window_bounds = array<i64: 2000, 128>}, {transform_indices = @transform_2, window_bounds = array<i64: 2000, 1>}, {pipeline_mode = #tpu.pipeline_mode<synchronous>, transform_indices = @transform_3, window_bounds = array<i64: 1, 128>}, {transform_indices = @transform_4, window_bounds = array<i64: 2000, 64>}]} {
    %get3A = arith.constant 0 : index
    %get3A_0 = arith.constant 0 : index
    %get3A_1 = arith.constant 0 : index
    %get3A_2 = vector.load %arg1[%get3A, %get3A_0, %get3A_1] : memref<2x2000x128xf32, #tpu.memory_space<vmem>>, vector<1x2000x128xf32>
    %get3A_3 = vector.shape_cast %get3A_2 : vector<1x2000x128xf32> to vector<2000x128xf32>
    %get3A_4 = arith.constant 1 : index
    %get3A_5 = arith.constant 0 : index
    %get3A_6 = arith.constant 0 : index
    %get3A_7 = vector.load %arg1[%get3A_4, %get3A_5, %get3A_6] : memref<2x2000x128xf32, #tpu.memory_space<vmem>>, vector<1x2000x128xf32>
    %get3A_8 = vector.shape_cast %get3A_7 : vector<1x2000x128xf32> to vector<2000x128xf32>
    %add3A = arith.addf %get3A_3, %get3A_8 : vector<2000x128xf32>
    %get3A_9 = arith.constant 0 : index
    %get3A_10 = arith.constant 0 : index
    %get3A_11 = vector.load %arg2[%get3A_9, %get3A_10] : memref<2000x128xf32, #tpu.memory_space<vmem>>, vector<2000x128xf32>
    %add3A_12 = arith.addf %add3A, %get3A_11 : vector<2000x128xf32>
    %get3A_13 = arith.constant 0 : index
    %get3A_14 = arith.constant 0 : index
    %get3A_15 = vector.load %arg3[%get3A_13, %get3A_14] : memref<2000x1xf32, #tpu.memory_space<vmem>>, vector<2000x1xf32>
    %mul3A = vector.broadcast %get3A_15 : vector<2000x1xf32> to vector<2000x128xf32>
    %mul3A_16 = arith.mulf %add3A_12, %mul3A : vector<2000x128xf32>
    %get3A_17 = arith.constant 0 : index
    %get3A_18 = arith.constant 0 : index
    %get3A_19 = vector.load %arg4[%get3A_17, %get3A_18] : memref<1x128xf32, #tpu.memory_space<vmem>>, vector<1x128xf32>
    %add3A_20 = vector.broadcast %get3A_19 : vector<1x128xf32> to vector<2000x128xf32>
    %add3A_21 = arith.addf %mul3A_16, %add3A_20 : vector<2000x128xf32>
    %max3A = arith.constant 0.000000e+00 : f32
    %max3A_22 = vector.broadcast %max3A : f32 to vector<2000x128xf32>
    %max3A_23 = arith.maximumf %add3A_21, %max3A_22 : vector<2000x128xf32>
    %slice3A = vector.extract_strided_slice %max3A_23 {offsets = [0, 0], sizes = [2000, 64], strides = [1, 1]} : vector<2000x128xf32> to vector<2000x64xf32>
    %swap3A = arith.constant 0 : index
    %swap3A_24 = arith.constant 0 : index
    %swap3A_25 = vector.load %arg5[%swap3A, %swap3A_24] : memref<2000x64xf32, #tpu.memory_space<vmem>>, vector<2000x64xf32>
    tpu.vector_store %arg5[%swap3A, %swap3A_24], %slice3A {strides = array<i32>} : memref<2000x64xf32, #tpu.memory_space<vmem>>, vector<2000x64xf32>,
    return
  }
  func.func @transform_0(%arg0: i32) -> (i32, i32, i32) {
    %c0_i32 = arith.constant 0 : i32
    %c0_i32_0 = arith.constant 0 : i32
    %c0_i32_1 = arith.constant 0 : i32
    return %c0_i32, %arg0, %c0_i32_0 : i32, i32, i32
  }
  func.func @transform_1(%arg0: i32) -> (i32, i32) {
    %c0_i32 = arith.constant 0 : i32
    %c0_i32_0 = arith.constant 0 : i32
    return %arg0, %c0_i32 : i32, i32
  }
  func.func @transform_2(%arg0: i32) -> (i32, i32) {
    %c0_i32 = arith.constant 0 : i32
    %c0_i32_0 = arith.constant 0 : i32
    return %arg0, %c0_i32 : i32, i32
  }
  func.func @transform_3(%arg0: i32) -> (i32, i32) {
    %c0_i32 = arith.constant 0 : i32
    %c0_i32_0 = arith.constant 0 : i32
    %c0_i32_1 = arith.constant 0 : i32
    return %c0_i32, %c0_i32_0 : i32, i32
  }
  func.func @transform_4(%arg0: i32) -> (i32, i32) {
    %c0_i32 = arith.constant 0 : i32
    %c0_i32_0 = arith.constant 0 : i32
    return %arg0, %c0_i32 : i32, i32
  }
}

module attributes {stable_mosaic.version = 14 : i64} {
  func.func @_combine_body(%arg0: i32, %arg1: memref<2x2000x128xf32, #tpu.memory_space<vmem>>, %arg2: memref<2000x128xf32, #tpu.memory_space<vmem>>, %arg3: memref<2000x1xf32, #tpu.memory_space<vmem>>, %arg4: memref<1x128xf32, #tpu.memory_space<vmem>>, %arg5: memref<2000x64xf32, #tpu.memory_space<vmem>>) attributes {dimension_semantics = [#tpu.dimension_semantics<arbitrary>], iteration_bounds = array<i64: 5>, scalar_prefetch = 0 : i64, scratch_operands = 0 : i64, tpu.core_type = #tpu.core_type<tc>, window_params = [{transform_indices = @transform_0, window_bounds = array<i64: 2, 2000, 128>}, {transform_indices = @transform_1, window_bounds = array<i64: 2000, 128>}, {transform_indices = @transform_2, window_bounds = array<i64: 2000, 1>}, {pipeline_mode = #tpu.pipeline_mode<synchronous>, transform_indices = @transform_3, window_bounds = array<i64: 1, 128>}, {transform_indices = @transform_4, window_bounds = array<i64: 2000, 64>}]} {
    %get3A = arith.constant 0 : index
    %get3A_0 = arith.constant 0 : index
    %get3A_1 = arith.constant 0 : index
    %get3A_2 = vector.load %arg1[%get3A, %get3A_0, %get3A_1] : memref<2x2000x128xf32, #tpu.memory_space<vmem>>, vector<1x2000x128xf32>
    %get3A_3 = vector.shape_cast %get3A_2 : vector<1x2000x128xf32> to vector<2000x128xf32>
    %get3A_4 = arith.constant 1 : index
    %get3A_5 = arith.constant 0 : index
    %get3A_6 = arith.constant 0 : index
    %get3A_7 = vector.load %arg1[%get3A_4, %get3A_5, %get3A_6] : memref<2x2000x128xf32, #tpu.memory_space<vmem>>, vector<1x2000x128xf32>
    %get3A_8 = vector.shape_cast %get3A_7 : vector<1x2000x128xf32> to vector<2000x128xf32>
    %add3A = arith.addf %get3A_3, %get3A_8 : vector<2000x128xf32>
    %get3A_9 = arith.constant 0 : index
    %get3A_10 = arith.constant 0 : index
    %get3A_11 = vector.load %arg2[%get3A_9, %get3A_10] : memref<2000x128xf32, #tpu.memory_space<vmem>>, vector<2000x128xf32>
    %add3A_12 = arith.addf %add3A, %get3A_11 : vector<2000x128xf32>
    %get3A_13 = arith.constant 0 : index
    %get3A_14 = arith.constant 0 : index
    %get3A_15 = vector.load %arg3[%get3A_13, %get3A_14] : memref<2000x1xf32, #tpu.memory_space<vmem>>, vector<2000x1xf32>
    %mul3A = vector.broadcast %get3A_15 : vector<2000x1xf32> to vector<2000x128xf32>
    %mul3A_16 = arith.mulf %add3A_12, %mul3A : vector<2000x128xf32>
    %get3A_17 = arith.constant 0 : index
    %get3A_18 = arith.constant 0 : index
    %get3A_19 = vector.load %arg4[%get3A_17, %get3A_18] : memref<1x128xf32, #tpu.memory_space<vmem>>, vector<1x128xf32>
    %add3A_20 = vector.broadcast %get3A_19 : vector<1x128xf32> to vector<2000x128xf32>
    %add3A_21 = arith.addf %mul3A_16, %add3A_20 : vector<2000x128xf32>
    %max3A = arith.constant 0.000000e+00 : f32
    %max3A_22 = vector.broadcast %max3A : f32 to vector<2000x128xf32>
    %max3A_23 = arith.maximumf %add3A_21, %max3A_22 : vector<2000x128xf32>
    %slice3A = vector.extract_strided_slice %max3A_23 {offsets = [0, 0], sizes = [2000, 64], strides = [1, 1]} : vector<2000x128xf32> to vector<2000x64xf32>
    %swap3A = arith.constant 0 : index
    %swap3A_24 = arith.constant 0 : index
    %swap3A_25 = vector.load %arg5[%swap3A, %swap3A_24] : memref<2000x64xf32, #tpu.memory_space<vmem>>, vector<2000x64xf32>
    tpu.vector_store %arg5[%swap3A, %swap3A_24], %slice3A {strides = array<i32>} : memref<2000x64xf32, #tpu.memory_space<vmem>>, vector<2000x64xf32>,
    return
  }
  func.func @transform_0(%arg0: i32) -> (i32, i32, i32) {
    %c0_i32 = arith.constant 0 : i32
    %c0_i32_0 = arith.constant 0 : i32
    %c0_i32_1 = arith.constant 0 : i32
    return %c0_i32, %arg0, %c0_i32_0 : i32, i32, i32
  }
  func.func @transform_1(%arg0: i32) -> (i32, i32) {
    %c0_i32 = arith.constant 0 : i32
    %c0_i32_0 = arith.constant 0 : i32
    return %arg0, %c0_i32 : i32, i32
  }
  func.func @transform_2(%arg0: i32) -> (i32, i32) {
    %c0_i32 = arith.constant 0 : i32
    %c0_i32_0 = arith.constant 0 : i32
    return %arg0, %c0_i32 : i32, i32
  }
  func.func @transform_3(%arg0: i32) -> (i32, i32) {
    %c0_i32 = arith.constant 0 : i32
    %c0_i32_0 = arith.constant 0 : i32
    %c0_i32_1 = arith.constant 0 : i32
    return %c0_i32, %c0_i32_0 : i32, i32
  }
  func.func @transform_4(%arg0: i32) -> (i32, i32) {
    %c0_i32 = arith.constant 0 : i32
    %c0_i32_0 = arith.constant 0 : i32
    return %arg0, %c0_i32 : i32, i32
  }
}

module attributes {stable_mosaic.version = 14 : i64} {
  func.func @_decoder_body(%arg0: i32, %arg1: memref<400x64xf32, #tpu.memory_space<vmem>>, %arg2: memref<64x64xf32, #tpu.memory_space<vmem>>, %arg3: memref<2000x64xf32, #tpu.memory_space<vmem>>, %arg4: memref<400x2000xf32, #tpu.memory_space<vmem>>, %arg5: memref<400x1xf32, #tpu.memory_space<vmem>>) attributes {dimension_semantics = [#tpu.dimension_semantics<arbitrary>], iteration_bounds = array<i64: 25>, scalar_prefetch = 0 : i64, scratch_operands = 0 : i64, tpu.core_type = #tpu.core_type<tc>, window_params = [{transform_indices = @transform_0, window_bounds = array<i64: 400, 64>}, {pipeline_mode = #tpu.pipeline_mode<synchronous>, transform_indices = @transform_1, window_bounds = array<i64: 64, 64>}, {pipeline_mode = #tpu.pipeline_mode<synchronous>, transform_indices = @transform_2, window_bounds = array<i64: 2000, 64>}, {transform_indices = @transform_3, window_bounds = array<i64: 400, 2000>}, {transform_indices = @transform_4, window_bounds = array<i64: 400, 1>}]} {
    %get3A = arith.constant 0 : index
    %get3A_0 = arith.constant 0 : index
    %get3A_1 = vector.load %arg1[%get3A, %get3A_0] : memref<400x64xf32, #tpu.memory_space<vmem>>, vector<400x64xf32>
    %get3A_2 = arith.constant 0 : index
    %get3A_3 = arith.constant 0 : index
    %get3A_4 = vector.load %arg2[%get3A_2, %get3A_3] : memref<64x64xf32, #tpu.memory_space<vmem>>, vector<64x64xf32>
    %dot_general3A = arith.constant dense<0.000000e+00> : vector<400x64xf32>
    %dot_general3A_5 = tpu.matmul %get3A_1, %get3A_4, %dot_general3A {dimension_numbers = #tpu.dot_dimension_numbers<[1], [0], [0], [1], [0, 0, 1, 1], [], []>, transpose_lhs_hint = false} : vector<400x64xf32>, vector<64x64xf32>, vector<400x64xf32> -> vector<400x64xf32>
    %get3A_6 = arith.constant 0 : index
    %get3A_7 = arith.constant 0 : index
    %get3A_8 = vector.load %arg3[%get3A_6, %get3A_7] : memref<2000x64xf32, #tpu.memory_space<vmem>>, vector<2000x64xf32>
    %dot_general3A_9 = arith.constant dense<0.000000e+00> : vector<400x2000xf32>
    %dot_general3A_10 = tpu.matmul %dot_general3A_5, %get3A_8, %dot_general3A_9 {dimension_numbers = #tpu.dot_dimension_numbers<[1], [1], [0], [0], [0, 0, 1, 0], [], []>, transpose_lhs_hint = false} : vector<400x64xf32>, vector<2000x64xf32>, vector<400x2000xf32> -> vector<400x2000xf32>
    %logistic3A = arith.negf %dot_general3A_10 : vector<400x2000xf32>
    %logistic3A_11 = math.exp %logistic3A : vector<400x2000xf32>
    %logistic3A_12 = arith.constant 1.000000e+00 : f32
    %logistic3A_13 = vector.broadcast %logistic3A_12 : f32 to vector<400x2000xf32>
    %logistic3A_14 = arith.addf %logistic3A_13, %logistic3A_11 : vector<400x2000xf32>
    %logistic3A_15 = arith.divf %logistic3A_13, %logistic3A_14 : vector<400x2000xf32>
    %swap3A = arith.constant 0 : index
    %swap3A_16 = arith.constant 0 : index
    %swap3A_17 = vector.load %arg4[%swap3A, %swap3A_16] : memref<400x2000xf32, #tpu.memory_space<vmem>>, vector<400x2000xf32>
    tpu.vector_store %arg4[%swap3A, %swap3A_16], %logistic3A_15 {strides = array<i32>} : memref<400x2000xf32, #tpu.memory_space<vmem>>, vector<400x2000xf32>,
    %reduce_max3A = arith.constant dense<0xFF800000> : vector<400xf32>
    %reduce_max3A_18 = vector.multi_reduction <maximumf>, %dot_general3A_10, %reduce_max3A [1] : vector<400x2000xf32> to vector<400xf32>
    %logistic3A_19 = arith.negf %reduce_max3A_18 : vector<400xf32>
    %logistic3A_20 = math.exp %logistic3A_19 : vector<400xf32>
    %logistic3A_21 = arith.constant 1.000000e+00 : f32
    %logistic3A_22 = vector.broadcast %logistic3A_21 : f32 to vector<400xf32>
    %logistic3A_23 = arith.addf %logistic3A_22, %logistic3A_20 : vector<400xf32>
    %logistic3A_24 = arith.divf %logistic3A_22, %logistic3A_23 : vector<400xf32>
    %broadcast_in_dim3A = vector.shape_cast %logistic3A_24 : vector<400xf32> to vector<400x1xf32>
    %swap3A_25 = arith.constant 0 : index
    %swap3A_26 = arith.constant 0 : index
    %swap3A_27 = vector.load %arg5[%swap3A_25, %swap3A_26] : memref<400x1xf32, #tpu.memory_space<vmem>>, vector<400x1xf32>
    tpu.vector_store %arg5[%swap3A_25, %swap3A_26], %broadcast_in_dim3A {strides = array<i32>} : memref<400x1xf32, #tpu.memory_space<vmem>>, vector<400x1xf32>,
    return
  }
  func.func @transform_0(%arg0: i32) -> (i32, i32) {
    %c0_i32 = arith.constant 0 : i32
    %c0_i32_0 = arith.constant 0 : i32
    return %arg0, %c0_i32 : i32, i32
  }
  func.func @transform_1(%arg0: i32) -> (i32, i32) {
    %c0_i32 = arith.constant 0 : i32
    %c0_i32_0 = arith.constant 0 : i32
    %c0_i32_1 = arith.constant 0 : i32
    return %c0_i32, %c0_i32_0 : i32, i32
  }
  func.func @transform_2(%arg0: i32) -> (i32, i32) {
    %c0_i32 = arith.constant 0 : i32
    %c0_i32_0 = arith.constant 0 : i32
    %c0_i32_1 = arith.constant 0 : i32
    return %c0_i32, %c0_i32_0 : i32, i32
  }
  func.func @transform_3(%arg0: i32) -> (i32, i32) {
    %c0_i32 = arith.constant 0 : i32
    %c0_i32_0 = arith.constant 0 : i32
    return %arg0, %c0_i32 : i32, i32
  }
  func.func @transform_4(%arg0: i32) -> (i32, i32) {
    %c0_i32 = arith.constant 0 : i32
    %c0_i32_0 = arith.constant 0 : i32
    return %arg0, %c0_i32 : i32, i32
  }
}

</mosaic_0001>

<sc_bundles>
// kernel: kernel.17.cloned.1.call-start
scs
__scs_entry_jumppad:
0x0: {  	(pc) =	sbr.rel $0x88, $3  }
0x1: {  	(tag) =	ssettag $0x0;
	lr =	simm.s32 $0x1  }
0x2: {  	[smem:$0x3F94] =	sst lr;
	_ =	strace $0xD0000000  }
0x3: {  	_ = 	snop  }
0x4: {  	_ = 	snop  }
0x5: {  	_ = 	snop  }
0x6: {  	_ = 	snop  }
0x7: {  	_ = 	snop  }
__scs_overlays_trampoline_lowered:
0x8: {  	[smem:$0x3FA3] =	sst s0  }
0x9: {  	[smem:$0x3FA4] =	sst s1  }
0xa: {  	[smem:$0x3FA5] =	sst s2  }
0xb: {  	[smem:$0x3FA6] =	sst s3  }
0xc: {  	[smem:$0x3FA7] =	sst s4  }
0xd: {  	[smem:$0x3FA8] =	sst s5  }
0xe: {  	[smem:$0x3FA9] =	sst s6  }
0xf: {  	[smem:$0x3FAA] =	sst s7  }
0x10: {  	[smem:$0x3FAB] =	sst s8  }
0x11: {  	[smem:$0x3FAC] =	sst s9;
	s0 =	simm.s32 @!p0 $0x0  }
0x12: {  	s1 =	sld [smem:$0x3F92];
	s0 =	simm.s32 @p0 $0x1  }
0x13: {  	[smem:$0x3FAD] =	sst s0;
	s0 =	simm.s32 @!p1 $0x0  }
0x14: {  	s2 =	sld [smem:$0x3F91];
	s0 =	simm.s32 @p1 $0x1  }
0x15: {  	[smem:$0x3FAE] =	sst s0;
	s0 =	simm.s32 @!p2 $0x0  }
0x16: {  	s3 =	sld [smem:$0x3FDB];
	s0 =	simm.s32 @p2 $0x1  }
0x17: {  	s4 =	simm.s32 $0x1BF5;
	[smem:$0x3FB0] =	sst s0  }
0x18: {  	s0 =	sld [smem:$0x3F93];
	_ =	swait.ge [sflag:s4], $0x0  }
0x19: {  	s7 =	sld [smem:$0x3F94]  }
0x1a: {  	s8 =	sadd.s32 $0xFFFFE003, lr  }
0x1b: {  	s9 =	sadd.s32 $0xFFFFFEF7, lr;
	s5 =	simm.s32 $0xFFFFFFFF;
	p2 =	slt.u32 s8, $0xFFFFF086  }
0x1c: {  	p1 =	slt.u32 s9, $0xF7A;
	s5 =	simm.s32 @!p2 $0x0  }
0x1d: {  	s5 =	simm.s32 @p1 $0x1;
	p0 =	seq.s32 s7, s2  }
0x1e: {  	s7 =	smul.u32 @!p0 $0xF7A, s2;
	p2 =	seq.s32 @!p0 s5, $0x0  }
0x1f: {  	s9 =	smul.u32 $0xF7A, s1;
	s8 =	simm.s32 @!p0 $0x1BF5;
	p2 =	por !p2, p0  }
0x20: {  	[sflag:s8] =	ssyncset.s32 @!p0 $0xFFFFF086;
	s6 =	sadd.s32 @!p0 s3, s7;
	s7 =	simm.s32 @!p0 $0x108  }
0x21: {  	s3 =	sadd.s32 s3, s9;
	s6 =	sadd.s32 @!p0 $0x88, s6;
	s7 =	simm.s32 @p2 $0x1082  }
0x22: {  	[simem:s7], [sflag:s8] =	dma.local @!p0 [hbm:s6], $0xF7A  }
0x23: {  	s9 =	sor.u32 $0xD0000000, s2;
	s6 =	simm.s32 $0x108;
	_ =	swait.ge @!p0 [sflag:s8], $0x0  }
0x24: {  	s3 =	sadd.s32 $0x88, s3;
	s6 =	simm.s32 @!p1 $0x1082;
	[sflag:s4] =	ssyncset.s32 $0xFFFFF086  }
0x25: {  	[simem:s6], [sflag:s4] =	dma.local [hbm:s3], $0xF7A  }
0x26: {  	[smem:$0x3F94] =	sst s1;
	(tag) =	ssettag s2;
	_ =	strace s9  }
0x27: {  	s1 =	sld [smem:$0x3FA4]  }
0x28: {  	s2 =	sld [smem:$0x3FA5]  }
0x29: {  	s4 =	sld [smem:$0x3FA7]  }
0x2a: {  	p0 =	seq.s32 s5, $0x0;
	s5 =	sld [smem:$0x3FA8]  }
0x2b: {  	s6 =	sld [smem:$0x3FA9]  }
0x2c: {  	s7 =	sld [smem:$0x3FAA]  }
0x2d: {  	s3 =	simm.s32 $0x108;
	s8 =	sld [smem:$0x3FAB]  }
0x2e: {  	s3 =	simm.s32 @!p0 $0x1082;
	s9 =	sld [smem:$0x3FAC]  }
0x2f: {  	lr =	sadd.s32 s0, s3;
	s0 =	sld [smem:$0x3FA3]  }
0x30: {  	s3 =	sld [smem:$0x3FA6]  }
0x31: {  	[smem:$0x3FAF] =	sst s10  }
0x32: {  	s10 =	sld [smem:$0x3FAD];
	_ =	sdelay $0x3  }
0x33: {  	p0 =	seq.s32 s10, $0x1;
	s10 =	sld [smem:$0x3FAF];
	_ =	sdelay $0x3  }
0x34: {  	[smem:$0x3FAF] =	sst s10  }
0x35: {  	s10 =	sld [smem:$0x3FAE];
	_ =	sdelay $0x3  }
0x36: {  	p1 =	seq.s32 s10, $0x1;
	s10 =	sld [smem:$0x3FAF];
	_ =	sdelay $0x3  }
0x37: {  	[smem:$0x3FAF] =	sst s10  }
0x38: {  	s10 =	sld [smem:$0x3FB0]  }
0x39: {  	_ = 	snop;
	(pc) =	sbr.ind lr, $3  }
0x3a: {  	_ = 	snop  }
0x3b: {  	_ = 	snop  }
0x3c: {  	p2 =	seq.s32 s10, $0x1;
	s10 =	sld [smem:$0x3FAF]  }
0x3d: {  	_ =	shalt  }
0x3e: {  	_ =	shalt  }
0x3f: {  	_ =	shalt  }
0x40: {  	_ =	shalt  }
0x41: {  	_ =	shalt  }
0x42: {  	_ =	shalt  }
0x43: {  	_ =	shalt  }
0x44: {  	_ =	shalt  }
0x45: {  	_ =	shalt  }
0x46: {  	_ =	shalt  }
0x47: {  	_ =	shalt  }
0x48: {  	_ =	shalt  }
0x49: {  	_ =	shalt  }
0x4a: {  	_ =	shalt  }
0x4b: {  	_ =	shalt  }
0x4c: {  	_ =	shalt  }
0x4d: {  	_ =	shalt  }
0x4e: {  	_ =	shalt  }
0x4f: {  	_ =	shalt  }
0x50: {  	_ =	shalt  }
0x51: {  	_ =	shalt  }
0x52: {  	_ =	shalt  }
0x53: {  	_ =	shalt  }
0x54: {  	_ =	shalt  }
0x55: {  	_ =	shalt  }
0x56: {  	_ =	shalt  }
0x57: {  	_ =	shalt  }
0x58: {  	_ =	shalt  }
0x59: {  	_ =	shalt  }
0x5a: {  	_ =	shalt  }
0x5b: {  	_ =	shalt  }
0x5c: {  	_ =	shalt  }
0x5d: {  	_ =	shalt  }
0x5e: {  	_ =	shalt  }
0x5f: {  	_ =	shalt  }
0x60: {  	_ =	shalt  }
0x61: {  	_ =	shalt  }
0x62: {  	_ =	shalt  }
0x63: {  	_ =	shalt  }
0x64: {  	_ =	shalt  }
0x65: {  	_ =	shalt  }
0x66: {  	_ =	shalt  }
0x67: {  	_ =	shalt  }
0x68: {  	_ =	shalt  }
0x69: {  	_ =	shalt  }
0x6a: {  	_ =	shalt  }
0x6b: {  	_ =	shalt  }
0x6c: {  	_ =	shalt  }
0x6d: {  	_ =	shalt  }
0x6e: {  	_ =	shalt  }
0x6f: {  	_ =	shalt  }
0x70: {  	_ =	shalt  }
0x71: {  	_ =	shalt  }
0x72: {  	_ =	shalt  }
0x73: {  	_ =	shalt  }
0x74: {  	_ =	shalt  }
0x75: {  	_ =	shalt  }
0x76: {  	_ =	shalt  }
0x77: {  	_ =	shalt  }
0x78: {  	_ =	shalt  }
0x79: {  	_ =	shalt  }
0x7a: {  	_ =	shalt  }
0x7b: {  	_ =	shalt  }
0x7c: {  	_ =	shalt  }
0x7d: {  	_ =	shalt  }
0x7e: {  	_ =	shalt  }
0x7f: {  	_ =	shalt  }
0x80: {  	_ =	shalt  }
0x81: {  	_ =	shalt  }
0x82: {  	_ =	shalt  }
0x83: {  	_ =	shalt  }
0x84: {  	_ =	shalt  }
0x85: {  	_ =	shalt  }
0x86: {  	_ =	shalt  }
0x87: {  	_ =	shalt  }
.Lfunc_end0:
.L_simem_size_0:
called_computation_lowered:
.L_overlay_start_0:
0x88: {  	s2 =	sld [smem:$0x3FD9]  }
0x89: {  	s3 =	sld [smem:$0x3FFE];
	_ =	sdelay $0x1  }
0x8a: {  	s1 =	srdreg.scid  }
0x8b: {  	s0 =	sand.u32 $0x1, s1  }
0x8c: {  	s15 =	sshll.u32 s0, $0xA;
	s2 =	sadd.s32 s3, s2  }
0x8d: {  	s2 =	sadd.s32 s2, s15  }
0x8e: {  	[smem:$0x3FBB] =	sst s2  }
0x8f: {  	_ = 	snop  }
0x90: {  	s2 =	sld [smem:$0x3FD0];
	_ =	sdelay $0x2  }
0x91: {  	s16 =	simm.s32 $0xB;
	s4 =	simm.s32 $0x10  }
0x92: {  	[smem:s4], [sflag:s16] =	dma.local [hbm:s2], $0x1  }
0x93: {  	_ =	swait.eq [sflag:s16], $0x1  }
0x94: {  	[sflag:s16] =	ssyncset.done $0x0  }
0x95: {  	[sflag:s16] =	ssyncadd.s32 $0xFFFFFFFF  }
0x96: {  	s17 =	sld [smem:$0x12];
	(tm) =	ssettm $0x1  }
0x97: {  	s18 =	sld [smem:$0x3FFB];
	_ =	sdelay $0x3  }
0x98: {  	_ =	strace s18  }
0x99: {  	s2 =	sld [smem:$0x3FFC];
	_ =	sdelay $0x3  }
0x9a: {  	_ =	strace s2  }
0x9b: {  	s2 =	sld [smem:$0x3FFD];
	_ =	sdelay $0x3  }
0x9c: {  	_ =	strace s2  }
0x9d: {  	_ =	strace $0x8FFFFFFF  }
0x9e: {  	s19 =	sld [smem:$0x3FDB];
	_ =	sdelay $0x1  }
0x9f: {  	s20 =	simm.s32 $_scs_section_size  }
0xa0: {  	s5 =	simm.s32 $_size__tile_overlayer_lowered;
	s6 =	simm.s32 $_tile_overlayer_lowered  }
0xa1: {  	s7 =	simm.s32 $0x1BFF;
	s21 =	sshll.u32 s6, $0x1;
	s4 =	sadd.s32 s20, s19  }
0xa2: {  	s22 =	simm.s32 $0x0;
	s5 =	sshll.u32 s5, $0x1;
	s6 =	sadd.s32 s21, s4  }
0xa3: {  	[timem:s22], [sflag:s7] =	dma.local [hbm:s6], s5  }
0xa4: {  	_ =	swait.ge [sflag:s7], s5  }
0xa5: {  	s5 =	ssub.s32 $0x0, s5;
	[sflag:s7] =	ssyncset.done $0x0  }
0xa6: {  	[sflag:s7] =	ssyncadd.s32 s5;
	_ =	sdelay $0x1  }
0xa7: {  	s23 =	simm.s32 $0x1B8B  }
0xa8: {  	_ =	swait.ge [sflag:s23], $0x1  }
0xa9: {  	[sflag:s23] =	ssyncset.done $0x0  }
0xaa: {  	[sflag:s23] =	ssyncadd.s32 $0xFFFFFFFF  }
0xab: {  	s5 =	sld [smem:$0x0]  }
0xac: {  	s6 =	sand.u32 $0xFFFFFFFE, s1  }
0xad: {  	p0 =	sne.s32 s1, s6  }
0xae: {  	s6 =	sshll.u32 @p0 s6, $0xE  }
0xaf: {  	s6 =	sadd.s32 @p0 $0x11B8D, s6;
	s7 =	sshll.u32 @p0 s5, $0x11  }
0xb0: {  	s6 =	sor.u32 @p0 s7, s6  }
0xb1: {  	[sflag:s6] =	ssyncadd.remote.s32 @p0 $0x1;
	_ =	sdelay $0x1  }
0xb2: {  	s6 =	simm.s32 @p0 $0x1B8D  }
0xb3: {  	_ =	swait.eq @p0 [sflag:s6], $0x1  }
0xb4: {  	[sflag:s6] =	ssyncadd.s32 @p0 $0xFFFFFFFF  }
0xb5: {  	s7 =	sshll.u32 @!p0 s1, $0xE  }
0xb6: {  	s7 =	sor.u32 @!p0 $0x4000, s7;
	s6 =	simm.s32 @!p0 $0x1B8D  }
0xb7: {  	s5 =	sshll.u32 @!p0 s5, $0x11;
	s7 =	sadd.s32 @!p0 $0x11B8D, s7;
	_ =	swait.eq @!p0 [sflag:s6], $0x1  }
0xb8: {  	s5 =	sor.u32 @!p0 s5, s7;
	[sflag:s6] =	ssyncadd.s32 @!p0 $0xFFFFFFFF  }
0xb9: {  	s25 =	simm.s32 $0x1B8E;
	s24 =	sld [smem:$0x3FFE];
	[sflag:s5] =	ssyncadd.remote.s32 @!p0 $0x1  }
0xba: {  	s26 =	simm.s32 $execute0_lowered;
	[smem:$0x3FD2] =	sst s25  }
0xbb: {  	s6 =	sshll.u32 s26, $0x1;
	_ =	strace $0x80000049;
	[dreg:$0x1] =	wrdreg $0xFFFFFFFF  }
0xbc: {  	s28 =	simm.s32 $_size_execute0_lowered;
	s4 =	sadd.s32 s4, s6;
	[dreg:$0x0] =	wrdreg $0x0  }
0xbd: {  	s6 =	sshll.u32 s28, $0x1;
	[dreg:$0x2] =	wrdreg s4  }
0xbe: {  	[dreg:$0x3] =	wrdreg s6  }
0xbf: {  	[dreg:$0x4] =	wrdreg $0xC0  }
0xc0: {  	_ =	task [dreg:s22], $0x5FFFF  }
0xc1: {  	[dreg:$0x1] =	wrdreg $0xFFFFFFFF  }
0xc2: {  	[dreg:$0x0] =	wrdreg $0x60  }
0xc3: {  	[dreg:$0x2] =	wrdreg s17  }
0xc4: {  	[dreg:$0x3] =	wrdreg s24  }
0xc5: {  	[dreg:$0x4] =	wrdreg $0x9  }
0xc6: {  	_ =	task.clear_ibuf [dreg:s22], $0x5FFFF;
	_ =	strace $0x90000049  }
0xc7: {  	s29 =	simm.s32 $0x9;
	_ =	strace $0x8000004B  }
0xc8: {  	_ =	swait.ge [sflag:s29], $0x1  }
0xc9: {  	[sflag:s29] =	ssyncadd.s32 $0xFFFFFFFF  }
0xca: {  	_ =	strace $0x9000004B  }
0xcb: {  	_ =	sfence  }
0xcc: {  	s30 =	sld [smem:$0x0];
	_ =	sdelay $0x2  }
0xcd: {  	s31 =	sshll.u32 s1, $0xD;
	s1 =	sshrl.u32 s1, $0x2  }
0xce: {  	s4 =	sand.u32 $0x4000, s31;
	s1 =	sadd.s32 s1, s30  }
0xcf: {  	s0 =	sor.u32 s4, s0;
	s1 =	sshll.u32 s1, $0x11  }
0xd0: {  	s0 =	sor.u32 s1, s0  }
0xd1: {  	s0 =	sadd.s32 $0x8F2B, s0  }
0xd2: {  	[sflag:s0] =	ssyncadd.remote.s32 $0x1  }
0xd3: {  	_ =	sfence.sel $0xFFFF  }
0xd4: {  	[dreg:$0x0] =	wrdreg $0xFFFFFFFF;
	(pc) =	sbr.abs _section_cstart, $3  }
0xd5: {  	[dreg:$0x1] =	wrdreg $0xFFFFFFFF  }
0xd6: {  	_ =	task.clear_ibuf [dreg:s22], $0x2FFFF;
	_ =	strace $0x9FFFFFFF  }
0xd7: {  	(tm) =	ssettm $0x7FFFFFFF  }
tec
execute0_lowered:
.L_overlay_start_1:
0x0: {  	(tag) =	ssettag $0x1  }
0x1: {  	s1 =	srdreg.scid  }
0x2: {  	s0 =	stileid.u32;
	s4 =	rddreg [dreg:$0x0]  }
0x3: {  	s6 =	rddreg [dreg:$0x1];
	s3 =	sand.u32 $0x1, s1;
	s29 =	sshll.u32 s0, $0x1  }
0x4: {  	s2 =	simm.s32 $0x0;
	s30 =	sshrl.u32 s0, $0x2;
	s5 =	sor.u32 s3, s29  }
0x5: {  	s9 =	simm.s32 $0x400;
	s7 =	smul.u32 $0x14000, s30;
	s8 =	sshll.u32 s5, $0x7  }
0x6: {  	s10 =	simm.s32 $0x0;
	s1 =	rddreg [dreg:$0x2];
	s8 =	sand.u32 $0x380, s8  }
0x7: {  	[smem:$0x7FF] =	sst s2;
	s3 =	ssub.s32 $0x2, s3;
	s7 =	sor.u32 s7, s8  }
0x8: {  	_ =	strace $0x8000004A;
	s5 =	smul.u32 $0x1400, s5;
	s7 =	sshrl.u32 s7, $0x3  }
0x9: {  	s31 =	sshrl.u32 s3, $0x1;
	s8 =	simm.s32 $0x80;
	s6 =	sadd.s32 s7, s6  }
0xa: {  	s7 =	ssub.s32 s3, s31;
	s3 =	sadd.s32 s4, s5;
	s4 =	sadd.s32 $0x10400, s6  }
0xb: {  	v0 =	vimm.f32 $0.0e+00;
	v1 =	vimm.f32 $1.000000000e+00;
	s5 =	smax.u32 s7, $0x1;
	s6 =	simm.s32 $0x1;
	s7 =	simm.s32 $0xA000  }
.LBB2_1:
0xc: {  	[tilespmem:s2], [sflag:$0x1] =	stream.linear.gather [hbm4b:s3+s2], $0xA000, $0x38;
	[tilespmem:$0xC800] =	vst v63  }
0xd: {  	_ =	swait.ge [sflag:s6], $0xA000  }
0xe: {  	[sflag:s6] =	ssyncset.done $0x0  }
0xf: {  	s11 =	simm.s32 $0x0;
	[sflag:s6] =	ssyncadd.s32 $0xFFFF6000  }
.LBB2_2:
0x10: {  	p0 =	sne.s32 s11, $0x9FC0  }
.Ltmp0:
0x11: {  	_ = 	snop;
	(pc) =	sbr.rel @p0 .LBB2_2-.Ltmp0, $3  }
0x12: {  	_ =	sdelay $0x1  }
0x13: {  	s12 =	sshra.s32 s11, $0x2  }
0x14: {  	s11 =	sadd.s32 $0x40, s11;
	[tilespmem:s12+$0xA000] =	vst v0  }
0x15: {  	s12 =	simm.s32 $0x0;
	s11 =	simm.s32 $0x200  }
.LBB2_4:
0x16: {  	p0 =	sne.s32 s11, $0x27E00;
	v2 =	vld [tilespmem:s12+$0x0];
	_ =	sdelay $0x3  }
.Ltmp1:
0x17: {  	(pc) =	sbr.rel @p0 .LBB2_4-.Ltmp1, $2  }
0x18: {  	_ =	sdelay $0x2  }
0x19: {  	s12 =	sshra.s32 s11, $0x2;
	s11 =	sadd.s32 $0x200, s11;
	[tilespmem:v2+s7+$0x0] =	vst.idx.add.f32.msk $0xffff, v1  }
0x1a: {  	v2 =	vld [tilespmem:s12+$0x0];
	_ =	sdelay $0x5  }
0x1b: {  	s10 =	sadd.s32 $0x1, s10  }
0x1c: {  	p0 =	sne.s32 s10, s5  }
.Ltmp2:
0x1d: {  	[tilespmem:v2+s7+$0x0] =	vst.idx.add.f32.msk $0xffff, v1;
	(pc) =	sbr.rel @p0 .LBB2_1-.Ltmp2, $4  }
0x1e: {  	[hbm4b:s4+s8] =	stream.strided.scatter [tilespmem:s7], [sflag:$0x1], $0x2800, s9, s8, $0x38;
	[tilespmem:$0xC800] =	vst v63  }
0x1f: {  	_ =	swait.ge [sflag:s6], $0x2800  }
0x20: {  	[sflag:s6] =	ssyncset.done $0x0  }
0x21: {  	[sflag:s6] =	ssyncadd.s32 $0xFFFFD800  }
0x22: {  	_ =	sfence.sel $0x180000  }
0x23: {  	[bflag:$0x0] =	sbarrier.arrive $0xFFFF  }
0x24: {  	p0 =	sne.s32 s0, $0x0;
	_ =	strace $0x9000004A  }
0x25: {  	s0 =	sadd.s32 @!p0 $0x100000, s1;
	[bflag:$0x2] =	sbarrier.arrive $0xFFFF  }
0x26: {  	[sflag:s0] =	ssyncadd.tile.s32 @!p0 $0x1;
	_ =	shalt  }
.Lfunc_end2:
_tile_overlayer_lowered:
.L_overlay_start_2:
0x27: {  	(tag) =	ssettag $0x2  }
0x28: {  	s0 =	rddreg [dreg:$0x0];
	s2 =	stileid.u32  }
0x29: {  	s1 =	rddreg [dreg:$0x1];
	p0 =	sne.s32 s2, $0x0  }
0x2a: {  	s3 =	rddreg [dreg:$0x2];
	[bflag:$0x3] =	sbarrier.arrive $0xFFFF;
	s2 =	simm.s32 @!p0 $0x1C01  }
0x2b: {  	[timem:s3], [sflag:s2] =	dma.local @!p0 [hbm:s0], s1  }
0x2c: {  	s0 =	simm.s32 @!p0 $0x1  }
0x2d: {  	_ =	swait.ge @!p0 [sflag:s0], s1  }
0x2e: {  	s1 =	ssub.s32 @!p0 $0x0, s1;
	[sflag:s0] =	ssyncset.done @!p0 $0x0  }
0x2f: {  	[sflag:s0] =	ssyncadd.s32 @!p0 s1  }
0x30: {  	[bflag:$0x3] =	sbarrier.arrive $0xFFFF  }
0x31: {  	_ =	shalt  }

// kernel: kernel.20.cloned.1.call-start
scs
__scs_entry_jumppad:
0x0: {  	(pc) =	sbr.rel $0x88, $3  }
0x1: {  	(tag) =	ssettag $0x0;
	lr =	simm.s32 $0x1  }
0x2: {  	[smem:$0x3F94] =	sst lr;
	_ =	strace $0xD0000000  }
0x3: {  	_ = 	snop  }
0x4: {  	_ = 	snop  }
0x5: {  	_ = 	snop  }
0x6: {  	_ = 	snop  }
0x7: {  	_ = 	snop  }
__scs_overlays_trampoline_lowered:
0x8: {  	[smem:$0x3FA3] =	sst s0  }
0x9: {  	[smem:$0x3FA4] =	sst s1  }
0xa: {  	[smem:$0x3FA5] =	sst s2  }
0xb: {  	[smem:$0x3FA6] =	sst s3  }
0xc: {  	[smem:$0x3FA7] =	sst s4  }
0xd: {  	[smem:$0x3FA8] =	sst s5  }
0xe: {  	[smem:$0x3FA9] =	sst s6  }
0xf: {  	[smem:$0x3FAA] =	sst s7  }
0x10: {  	[smem:$0x3FAB] =	sst s8  }
0x11: {  	[smem:$0x3FAC] =	sst s9;
	s0 =	simm.s32 @!p0 $0x0  }
0x12: {  	s1 =	sld [smem:$0x3F92];
	s0 =	simm.s32 @p0 $0x1  }
0x13: {  	[smem:$0x3FAD] =	sst s0;
	s0 =	simm.s32 @!p1 $0x0  }
0x14: {  	s2 =	sld [smem:$0x3F91];
	s0 =	simm.s32 @p1 $0x1  }
0x15: {  	[smem:$0x3FAE] =	sst s0;
	s0 =	simm.s32 @!p2 $0x0  }
0x16: {  	s3 =	sld [smem:$0x3FDB];
	s0 =	simm.s32 @p2 $0x1  }
0x17: {  	s4 =	simm.s32 $0x1BF5;
	[smem:$0x3FB0] =	sst s0  }
0x18: {  	s0 =	sld [smem:$0x3F93];
	_ =	swait.ge [sflag:s4], $0x0  }
0x19: {  	s7 =	sld [smem:$0x3F94]  }
0x1a: {  	s8 =	sadd.s32 $0xFFFFE003, lr  }
0x1b: {  	s9 =	sadd.s32 $0xFFFFFEF7, lr;
	s5 =	simm.s32 $0xFFFFFFFF;
	p2 =	slt.u32 s8, $0xFFFFF086  }
0x1c: {  	p1 =	slt.u32 s9, $0xF7A;
	s5 =	simm.s32 @!p2 $0x0  }
0x1d: {  	s5 =	simm.s32 @p1 $0x1;
	p0 =	seq.s32 s7, s2  }
0x1e: {  	s7 =	smul.u32 @!p0 $0xF7A, s2;
	p2 =	seq.s32 @!p0 s5, $0x0  }
0x1f: {  	s9 =	smul.u32 $0xF7A, s1;
	s8 =	simm.s32 @!p0 $0x1BF5;
	p2 =	por !p2, p0  }
0x20: {  	[sflag:s8] =	ssyncset.s32 @!p0 $0xFFFFF086;
	s6 =	sadd.s32 @!p0 s3, s7;
	s7 =	simm.s32 @!p0 $0x108  }
0x21: {  	s3 =	sadd.s32 s3, s9;
	s6 =	sadd.s32 @!p0 $0x88, s6;
	s7 =	simm.s32 @p2 $0x1082  }
0x22: {  	[simem:s7], [sflag:s8] =	dma.local @!p0 [hbm:s6], $0xF7A  }
0x23: {  	s9 =	sor.u32 $0xD0000000, s2;
	s6 =	simm.s32 $0x108;
	_ =	swait.ge @!p0 [sflag:s8], $0x0  }
0x24: {  	s3 =	sadd.s32 $0x88, s3;
	s6 =	simm.s32 @!p1 $0x1082;
	[sflag:s4] =	ssyncset.s32 $0xFFFFF086  }
0x25: {  	[simem:s6], [sflag:s4] =	dma.local [hbm:s3], $0xF7A  }
0x26: {  	[smem:$0x3F94] =	sst s1;
	(tag) =	ssettag s2;
	_ =	strace s9  }
0x27: {  	s1 =	sld [smem:$0x3FA4]  }
0x28: {  	s2 =	sld [smem:$0x3FA5]  }
0x29: {  	s4 =	sld [smem:$0x3FA7]  }
0x2a: {  	p0 =	seq.s32 s5, $0x0;
	s5 =	sld [smem:$0x3FA8]  }
0x2b: {  	s6 =	sld [smem:$0x3FA9]  }
0x2c: {  	s7 =	sld [smem:$0x3FAA]  }
0x2d: {  	s3 =	simm.s32 $0x108;
	s8 =	sld [smem:$0x3FAB]  }
0x2e: {  	s3 =	simm.s32 @!p0 $0x1082;
	s9 =	sld [smem:$0x3FAC]  }
0x2f: {  	lr =	sadd.s32 s0, s3;
	s0 =	sld [smem:$0x3FA3]  }
0x30: {  	s3 =	sld [smem:$0x3FA6]  }
0x31: {  	[smem:$0x3FAF] =	sst s10  }
0x32: {  	s10 =	sld [smem:$0x3FAD];
	_ =	sdelay $0x3  }
0x33: {  	p0 =	seq.s32 s10, $0x1;
	s10 =	sld [smem:$0x3FAF];
	_ =	sdelay $0x3  }
0x34: {  	[smem:$0x3FAF] =	sst s10  }
0x35: {  	s10 =	sld [smem:$0x3FAE];
	_ =	sdelay $0x3  }
0x36: {  	p1 =	seq.s32 s10, $0x1;
	s10 =	sld [smem:$0x3FAF];
	_ =	sdelay $0x3  }
0x37: {  	[smem:$0x3FAF] =	sst s10  }
0x38: {  	s10 =	sld [smem:$0x3FB0]  }
0x39: {  	_ = 	snop;
	(pc) =	sbr.ind lr, $3  }
0x3a: {  	_ = 	snop  }
0x3b: {  	_ = 	snop  }
0x3c: {  	p2 =	seq.s32 s10, $0x1;
	s10 =	sld [smem:$0x3FAF]  }
0x3d: {  	_ =	shalt  }
0x3e: {  	_ =	shalt  }
0x3f: {  	_ =	shalt  }
0x40: {  	_ =	shalt  }
0x41: {  	_ =	shalt  }
0x42: {  	_ =	shalt  }
0x43: {  	_ =	shalt  }
0x44: {  	_ =	shalt  }
0x45: {  	_ =	shalt  }
0x46: {  	_ =	shalt  }
0x47: {  	_ =	shalt  }
0x48: {  	_ =	shalt  }
0x49: {  	_ =	shalt  }
0x4a: {  	_ =	shalt  }
0x4b: {  	_ =	shalt  }
0x4c: {  	_ =	shalt  }
0x4d: {  	_ =	shalt  }
0x4e: {  	_ =	shalt  }
0x4f: {  	_ =	shalt  }
0x50: {  	_ =	shalt  }
0x51: {  	_ =	shalt  }
0x52: {  	_ =	shalt  }
0x53: {  	_ =	shalt  }
0x54: {  	_ =	shalt  }
0x55: {  	_ =	shalt  }
0x56: {  	_ =	shalt  }
0x57: {  	_ =	shalt  }
0x58: {  	_ =	shalt  }
0x59: {  	_ =	shalt  }
0x5a: {  	_ =	shalt  }
0x5b: {  	_ =	shalt  }
0x5c: {  	_ =	shalt  }
0x5d: {  	_ =	shalt  }
0x5e: {  	_ =	shalt  }
0x5f: {  	_ =	shalt  }
0x60: {  	_ =	shalt  }
0x61: {  	_ =	shalt  }
0x62: {  	_ =	shalt  }
0x63: {  	_ =	shalt  }
0x64: {  	_ =	shalt  }
0x65: {  	_ =	shalt  }
0x66: {  	_ =	shalt  }
0x67: {  	_ =	shalt  }
0x68: {  	_ =	shalt  }
0x69: {  	_ =	shalt  }
0x6a: {  	_ =	shalt  }
0x6b: {  	_ =	shalt  }
0x6c: {  	_ =	shalt  }
0x6d: {  	_ =	shalt  }
0x6e: {  	_ =	shalt  }
0x6f: {  	_ =	shalt  }
0x70: {  	_ =	shalt  }
0x71: {  	_ =	shalt  }
0x72: {  	_ =	shalt  }
0x73: {  	_ =	shalt  }
0x74: {  	_ =	shalt  }
0x75: {  	_ =	shalt  }
0x76: {  	_ =	shalt  }
0x77: {  	_ =	shalt  }
0x78: {  	_ =	shalt  }
0x79: {  	_ =	shalt  }
0x7a: {  	_ =	shalt  }
0x7b: {  	_ =	shalt  }
0x7c: {  	_ =	shalt  }
0x7d: {  	_ =	shalt  }
0x7e: {  	_ =	shalt  }
0x7f: {  	_ =	shalt  }
0x80: {  	_ =	shalt  }
0x81: {  	_ =	shalt  }
0x82: {  	_ =	shalt  }
0x83: {  	_ =	shalt  }
0x84: {  	_ =	shalt  }
0x85: {  	_ =	shalt  }
0x86: {  	_ =	shalt  }
0x87: {  	_ =	shalt  }
.Lfunc_end0:
.L_simem_size_0:
called_computation.1_lowered:
.L_overlay_start_0:
0x88: {  	s2 =	sld [smem:$0x3FD9]  }
0x89: {  	s3 =	sld [smem:$0x3FFE];
	_ =	sdelay $0x1  }
0x8a: {  	s1 =	srdreg.scid  }
0x8b: {  	s0 =	sand.u32 $0x1, s1  }
0x8c: {  	s15 =	sshll.u32 s0, $0xA;
	s2 =	sadd.s32 s3, s2  }
0x8d: {  	s2 =	sadd.s32 s2, s15  }
0x8e: {  	[smem:$0x3FBB] =	sst s2  }
0x8f: {  	_ = 	snop  }
0x90: {  	s2 =	sld [smem:$0x3FD0];
	_ =	sdelay $0x2  }
0x91: {  	s16 =	simm.s32 $0xB;
	s4 =	simm.s32 $0x10  }
0x92: {  	[smem:s4], [sflag:s16] =	dma.local [hbm:s2], $0x1  }
0x93: {  	_ =	swait.eq [sflag:s16], $0x1  }
0x94: {  	[sflag:s16] =	ssyncset.done $0x0  }
0x95: {  	s17 =	sld [smem:$0x10];
	[sflag:s16] =	ssyncadd.s32 $0xFFFFFFFF  }
0x96: {  	s18 =	sld [smem:$0x11];
	(tm) =	ssettm $0x1  }
0x97: {  	s19 =	sld [smem:$0x3FFB];
	_ =	sdelay $0x3  }
0x98: {  	_ =	strace s19  }
0x99: {  	s4 =	sld [smem:$0x3FFC];
	_ =	sdelay $0x3  }
0x9a: {  	_ =	strace s4  }
0x9b: {  	s4 =	sld [smem:$0x3FFD];
	_ =	sdelay $0x3  }
0x9c: {  	_ =	strace s4  }
0x9d: {  	_ =	strace $0x8FFFFFFF  }
0x9e: {  	s20 =	sld [smem:$0x3FDB];
	_ =	sdelay $0x1  }
0x9f: {  	s5 =	simm.s32 $_scs_section_size  }
0xa0: {  	s6 =	simm.s32 $_size__tile_overlayer_lowered;
	s7 =	simm.s32 $_tile_overlayer_lowered  }
0xa1: {  	s23 =	simm.s32 $0x1BFF;
	s22 =	sshll.u32 s7, $0x1;
	s4 =	sadd.s32 s5, s20  }
0xa2: {  	s8 =	simm.s32 $0x0;
	s21 =	sshll.u32 s6, $0x1;
	s6 =	sadd.s32 s22, s4  }
0xa3: {  	[timem:s8], [sflag:s23] =	dma.local [hbm:s6], s21  }
0xa4: {  	_ =	swait.ge [sflag:s23], s21  }
0xa5: {  	s5 =	ssub.s32 $0x0, s21;
	[sflag:s23] =	ssyncset.done $0x0  }
0xa6: {  	[sflag:s23] =	ssyncadd.s32 s5;
	_ =	sdelay $0x1  }
0xa7: {  	s24 =	simm.s32 $0x1B8B  }
0xa8: {  	_ =	swait.ge [sflag:s24], $0x1  }
0xa9: {  	[sflag:s24] =	ssyncset.done $0x0  }
0xaa: {  	s25 =	simm.s32 $0x1B8E;
	[sflag:s24] =	ssyncadd.s32 $0xFFFFFFFF  }
0xab: {  	s26 =	simm.s32 $execute0_lowered;
	[smem:$0x3FD2] =	sst s25  }
0xac: {  	s5 =	sshll.u32 s26, $0x1;
	_ =	strace $0x80000046;
	[dreg:$0x1] =	wrdreg $0xFFFFFFFF  }
0xad: {  	s28 =	simm.s32 $_size_execute0_lowered;
	s4 =	sadd.s32 s4, s5;
	[dreg:$0x0] =	wrdreg $0x0  }
0xae: {  	s5 =	sshll.u32 s28, $0x1;
	[dreg:$0x2] =	wrdreg s4  }
0xaf: {  	[dreg:$0x3] =	wrdreg s5  }
0xb0: {  	[dreg:$0x4] =	wrdreg $0xC0  }
0xb1: {  	_ =	task [dreg:s8], $0x5FFFF  }
0xb2: {  	[dreg:$0x1] =	wrdreg $0xFFFFFFFF  }
0xb3: {  	[dreg:$0x0] =	wrdreg $0x60  }
0xb4: {  	[dreg:$0x2] =	wrdreg s17  }
0xb5: {  	[dreg:$0x3] =	wrdreg s18  }
0xb6: {  	[dreg:$0x4] =	wrdreg $0xA  }
0xb7: {  	_ =	task.clear_ibuf [dreg:s8], $0x5FFFF;
	_ =	strace $0x90000046  }
0xb8: {  	s29 =	simm.s32 $0xA;
	_ =	strace $0x80000048  }
0xb9: {  	_ =	swait.ge [sflag:s29], $0x1  }
0xba: {  	[sflag:s29] =	ssyncadd.s32 $0xFFFFFFFF  }
0xbb: {  	_ =	strace $0x90000048  }
0xbc: {  	_ =	sfence  }
0xbd: {  	s30 =	sld [smem:$0x0];
	_ =	sdelay $0x2  }
0xbe: {  	s31 =	sshll.u32 s1, $0xD;
	s1 =	sshrl.u32 s1, $0x2  }
0xbf: {  	s3 =	sand.u32 $0x4000, s31;
	s1 =	sadd.s32 s1, s30  }
0xc0: {  	s0 =	sor.u32 s3, s0;
	s1 =	sshll.u32 s1, $0x11  }
0xc1: {  	s0 =	sor.u32 s1, s0  }
0xc2: {  	s0 =	sadd.s32 $0x8F2B, s0  }
0xc3: {  	[sflag:s0] =	ssyncadd.remote.s32 $0x1  }
0xc4: {  	_ =	sfence.sel $0xFFFF  }
0xc5: {  	[dreg:$0x0] =	wrdreg $0xFFFFFFFF;
	(pc) =	sbr.abs _section_cstart, $3  }
0xc6: {  	[dreg:$0x1] =	wrdreg $0xFFFFFFFF  }
0xc7: {  	_ =	task.clear_ibuf [dreg:s8], $0x2FFFF;
	_ =	strace $0x9FFFFFFF  }
0xc8: {  	(tm) =	ssettm $0x7FFFFFFF  }
0xc9: {  	_ =	shalt  }
tec
execute0_lowered:
.L_overlay_start_1:
0x0: {  	(tag) =	ssettag $0x1  }
0x1: {  	s3 =	rddreg [dreg:$0x0]  }
0x2: {  	s4 =	rddreg [dreg:$0x1]  }
0x3: {  	s0 =	rddreg [dreg:$0x2];
	s2 =	simm.s32 $0x0  }
0x4: {  	s5 =	srdreg.scid;
	s1 =	stileid.u32;
	s10 =	simm.s32 $0x0  }
0x5: {  	[smem:$0x7FF] =	sst s2;
	s5 =	sand.u32 $0x1, s5;
	s6 =	sshll.u32 s1, $0x1  }
0x6: {  	s30 =	sshll.u32 s1, $0x9;
	_ =	strace $0x80000047;
	s7 =	ssub.s32 $0x2, s5  }
0x7: {  	s5 =	sor.u32 s5, s6;
	s6 =	sand.u32 $0x1800, s30;
	s8 =	sshrl.u32 s7, $0x1  }
0x8: {  	s9 =	sshll.u32 s5, $0x4;
	s5 =	sshll.u32 s5, $0xA;
	s4 =	sadd.s32 s4, s6  }
0x9: {  	s6 =	simm.s32 $0x1;
	s9 =	sand.u32 $0x70, s9;
	s31 =	ssub.s32 s7, s8  }
0xa: {  	s3 =	sadd.s32 s3, s5;
	s7 =	simm.s32 $0x2000;
	s8 =	simm.s32 $0x80  }
0xb: {  	v0 =	vimm.f32 $0.0e+00;
	v1 =	vimm.f32 $1.000000000e+00;
	s4 =	sadd.s32 s9, s4;
	s5 =	smax.u32 s31, $0x1;
	s9 =	simm.s32 $0x400  }
.LBB2_1:
0xc: {  	[tilespmem:s2], [sflag:$0x1] =	stream.linear.gather [hbm4b:s3+s2], $0x2000, $0x38;
	[tilespmem:$0x2800] =	vst v63  }
0xd: {  	_ =	swait.ge [sflag:s6], $0x2000  }
0xe: {  	[sflag:s6] =	ssyncset.done $0x0  }
0xf: {  	s11 =	simm.s32 $0x0;
	[sflag:s6] =	ssyncadd.s32 $0xFFFFE000  }
.LBB2_2:
0x10: {  	p0 =	sne.s32 s11, $0x1FC0  }
.Ltmp0:
0x11: {  	_ = 	snop;
	(pc) =	sbr.rel @p0 .LBB2_2-.Ltmp0, $3  }
0x12: {  	_ =	sdelay $0x1  }
0x13: {  	s12 =	sshra.s32 s11, $0x2  }
0x14: {  	s11 =	sadd.s32 $0x40, s11;
	[tilespmem:s12+$0x2000] =	vst v0  }
0x15: {  	s12 =	simm.s32 $0x0;
	s11 =	simm.s32 $0x200  }
.LBB2_4:
0x16: {  	p0 =	sne.s32 s11, $0x7E00;
	v2 =	vld [tilespmem:s12+$0x0];
	_ =	sdelay $0x3  }
.Ltmp1:
0x17: {  	(pc) =	sbr.rel @p0 .LBB2_4-.Ltmp1, $2  }
0x18: {  	_ =	sdelay $0x2  }
0x19: {  	s12 =	sshra.s32 s11, $0x2;
	s11 =	sadd.s32 $0x200, s11;
	[tilespmem:v2+s7+$0x0] =	vst.idx.add.f32.msk $0xffff, v1  }
0x1a: {  	v2 =	vld [tilespmem:s12+$0x0];
	_ =	sdelay $0x5  }
0x1b: {  	s10 =	sadd.s32 $0x1, s10  }
0x1c: {  	p0 =	sne.s32 s10, s5  }
.Ltmp2:
0x1d: {  	[tilespmem:v2+s7+$0x0] =	vst.idx.add.f32.msk $0xffff, v1;
	(pc) =	sbr.rel @p0 .LBB2_1-.Ltmp2, $4  }
0x1e: {  	[hbm4b:s4+s8] =	stream.strided.scatter [tilespmem:s7], [sflag:$0x1], $0x800, s9, s8, $0x38;
	[tilespmem:$0x2800] =	vst v63  }
0x1f: {  	_ =	swait.ge [sflag:s6], $0x800  }
0x20: {  	[sflag:s6] =	ssyncset.done $0x0  }
0x21: {  	[sflag:s6] =	ssyncadd.s32 $0xFFFFF800  }
0x22: {  	_ =	sfence.sel $0x180000  }
0x23: {  	[bflag:$0x0] =	sbarrier.arrive $0xFFFF  }
0x24: {  	p0 =	sne.s32 s1, $0x0;
	_ =	strace $0x90000047  }
0x25: {  	s0 =	sadd.s32 @!p0 $0x100000, s0;
	[bflag:$0x2] =	sbarrier.arrive $0xFFFF  }
0x26: {  	[sflag:s0] =	ssyncadd.tile.s32 @!p0 $0x1;
	_ =	shalt  }
.Lfunc_end2:
_tile_overlayer_lowered:
.L_overlay_start_2:
0x27: {  	(tag) =	ssettag $0x2  }
0x28: {  	s0 =	rddreg [dreg:$0x0];
	s2 =	stileid.u32  }
0x29: {  	s1 =	rddreg [dreg:$0x1];
	p0 =	sne.s32 s2, $0x0  }
0x2a: {  	s3 =	rddreg [dreg:$0x2];
	[bflag:$0x3] =	sbarrier.arrive $0xFFFF;
	s2 =	simm.s32 @!p0 $0x1C01  }
0x2b: {  	[timem:s3], [sflag:s2] =	dma.local @!p0 [hbm:s0], s1  }
0x2c: {  	s0 =	simm.s32 @!p0 $0x1  }
0x2d: {  	_ =	swait.ge @!p0 [sflag:s0], s1  }
0x2e: {  	s1 =	ssub.s32 @!p0 $0x0, s1;
	[sflag:s0] =	ssyncset.done @!p0 $0x0  }
0x2f: {  	[sflag:s0] =	ssyncadd.s32 @!p0 s1  }
0x30: {  	[bflag:$0x3] =	sbarrier.arrive $0xFFFF  }
0x31: {  	_ =	shalt  }

// kernel: kernel.23.cloned.1.call-start
scs
__scs_entry_jumppad:
0x0: {  	(pc) =	sbr.rel $0x88, $3  }
0x1: {  	(tag) =	ssettag $0x0;
	lr =	simm.s32 $0x1  }
0x2: {  	[smem:$0x3F94] =	sst lr;
	_ =	strace $0xD0000000  }
0x3: {  	_ = 	snop  }
0x4: {  	_ = 	snop  }
0x5: {  	_ = 	snop  }
0x6: {  	_ = 	snop  }
0x7: {  	_ = 	snop  }
__scs_overlays_trampoline_lowered:
0x8: {  	[smem:$0x3FA3] =	sst s0  }
0x9: {  	[smem:$0x3FA4] =	sst s1  }
0xa: {  	[smem:$0x3FA5] =	sst s2  }
0xb: {  	[smem:$0x3FA6] =	sst s3  }
0xc: {  	[smem:$0x3FA7] =	sst s4  }
0xd: {  	[smem:$0x3FA8] =	sst s5  }
0xe: {  	[smem:$0x3FA9] =	sst s6  }
0xf: {  	[smem:$0x3FAA] =	sst s7  }
0x10: {  	[smem:$0x3FAB] =	sst s8  }
0x11: {  	[smem:$0x3FAC] =	sst s9;
	s0 =	simm.s32 @!p0 $0x0  }
0x12: {  	s1 =	sld [smem:$0x3F92];
	s0 =	simm.s32 @p0 $0x1  }
0x13: {  	[smem:$0x3FAD] =	sst s0;
	s0 =	simm.s32 @!p1 $0x0  }
0x14: {  	s2 =	sld [smem:$0x3F91];
	s0 =	simm.s32 @p1 $0x1  }
0x15: {  	[smem:$0x3FAE] =	sst s0;
	s0 =	simm.s32 @!p2 $0x0  }
0x16: {  	s3 =	sld [smem:$0x3FDB];
	s0 =	simm.s32 @p2 $0x1  }
0x17: {  	s4 =	simm.s32 $0x1BF5;
	[smem:$0x3FB0] =	sst s0  }
0x18: {  	s0 =	sld [smem:$0x3F93];
	_ =	swait.ge [sflag:s4], $0x0  }
0x19: {  	s7 =	sld [smem:$0x3F94]  }
0x1a: {  	s8 =	sadd.s32 $0xFFFFE003, lr  }
0x1b: {  	s9 =	sadd.s32 $0xFFFFFEF7, lr;
	s5 =	simm.s32 $0xFFFFFFFF;
	p2 =	slt.u32 s8, $0xFFFFF086  }
0x1c: {  	p1 =	slt.u32 s9, $0xF7A;
	s5 =	simm.s32 @!p2 $0x0  }
0x1d: {  	s5 =	simm.s32 @p1 $0x1;
	p0 =	seq.s32 s7, s2  }
0x1e: {  	s7 =	smul.u32 @!p0 $0xF7A, s2;
	p2 =	seq.s32 @!p0 s5, $0x0  }
0x1f: {  	s9 =	smul.u32 $0xF7A, s1;
	s8 =	simm.s32 @!p0 $0x1BF5;
	p2 =	por !p2, p0  }
0x20: {  	[sflag:s8] =	ssyncset.s32 @!p0 $0xFFFFF086;
	s6 =	sadd.s32 @!p0 s3, s7;
	s7 =	simm.s32 @!p0 $0x108  }
0x21: {  	s3 =	sadd.s32 s3, s9;
	s6 =	sadd.s32 @!p0 $0x88, s6;
	s7 =	simm.s32 @p2 $0x1082  }
0x22: {  	[simem:s7], [sflag:s8] =	dma.local @!p0 [hbm:s6], $0xF7A  }
0x23: {  	s9 =	sor.u32 $0xD0000000, s2;
	s6 =	simm.s32 $0x108;
	_ =	swait.ge @!p0 [sflag:s8], $0x0  }
0x24: {  	s3 =	sadd.s32 $0x88, s3;
	s6 =	simm.s32 @!p1 $0x1082;
	[sflag:s4] =	ssyncset.s32 $0xFFFFF086  }
0x25: {  	[simem:s6], [sflag:s4] =	dma.local [hbm:s3], $0xF7A  }
0x26: {  	[smem:$0x3F94] =	sst s1;
	(tag) =	ssettag s2;
	_ =	strace s9  }
0x27: {  	s1 =	sld [smem:$0x3FA4]  }
0x28: {  	s2 =	sld [smem:$0x3FA5]  }
0x29: {  	s4 =	sld [smem:$0x3FA7]  }
0x2a: {  	p0 =	seq.s32 s5, $0x0;
	s5 =	sld [smem:$0x3FA8]  }
0x2b: {  	s6 =	sld [smem:$0x3FA9]  }
0x2c: {  	s7 =	sld [smem:$0x3FAA]  }
0x2d: {  	s3 =	simm.s32 $0x108;
	s8 =	sld [smem:$0x3FAB]  }
0x2e: {  	s3 =	simm.s32 @!p0 $0x1082;
	s9 =	sld [smem:$0x3FAC]  }
0x2f: {  	lr =	sadd.s32 s0, s3;
	s0 =	sld [smem:$0x3FA3]  }
0x30: {  	s3 =	sld [smem:$0x3FA6]  }
0x31: {  	[smem:$0x3FAF] =	sst s10  }
0x32: {  	s10 =	sld [smem:$0x3FAD];
	_ =	sdelay $0x3  }
0x33: {  	p0 =	seq.s32 s10, $0x1;
	s10 =	sld [smem:$0x3FAF];
	_ =	sdelay $0x3  }
0x34: {  	[smem:$0x3FAF] =	sst s10  }
0x35: {  	s10 =	sld [smem:$0x3FAE];
	_ =	sdelay $0x3  }
0x36: {  	p1 =	seq.s32 s10, $0x1;
	s10 =	sld [smem:$0x3FAF];
	_ =	sdelay $0x3  }
0x37: {  	[smem:$0x3FAF] =	sst s10  }
0x38: {  	s10 =	sld [smem:$0x3FB0]  }
0x39: {  	_ = 	snop;
	(pc) =	sbr.ind lr, $3  }
0x3a: {  	_ = 	snop  }
0x3b: {  	_ = 	snop  }
0x3c: {  	p2 =	seq.s32 s10, $0x1;
	s10 =	sld [smem:$0x3FAF]  }
0x3d: {  	_ =	shalt  }
0x3e: {  	_ =	shalt  }
0x3f: {  	_ =	shalt  }
0x40: {  	_ =	shalt  }
0x41: {  	_ =	shalt  }
0x42: {  	_ =	shalt  }
0x43: {  	_ =	shalt  }
0x44: {  	_ =	shalt  }
0x45: {  	_ =	shalt  }
0x46: {  	_ =	shalt  }
0x47: {  	_ =	shalt  }
0x48: {  	_ =	shalt  }
0x49: {  	_ =	shalt  }
0x4a: {  	_ =	shalt  }
0x4b: {  	_ =	shalt  }
0x4c: {  	_ =	shalt  }
0x4d: {  	_ =	shalt  }
0x4e: {  	_ =	shalt  }
0x4f: {  	_ =	shalt  }
0x50: {  	_ =	shalt  }
0x51: {  	_ =	shalt  }
0x52: {  	_ =	shalt  }
0x53: {  	_ =	shalt  }
0x54: {  	_ =	shalt  }
0x55: {  	_ =	shalt  }
0x56: {  	_ =	shalt  }
0x57: {  	_ =	shalt  }
0x58: {  	_ =	shalt  }
0x59: {  	_ =	shalt  }
0x5a: {  	_ =	shalt  }
0x5b: {  	_ =	shalt  }
0x5c: {  	_ =	shalt  }
0x5d: {  	_ =	shalt  }
0x5e: {  	_ =	shalt  }
0x5f: {  	_ =	shalt  }
0x60: {  	_ =	shalt  }
0x61: {  	_ =	shalt  }
0x62: {  	_ =	shalt  }
0x63: {  	_ =	shalt  }
0x64: {  	_ =	shalt  }
0x65: {  	_ =	shalt  }
0x66: {  	_ =	shalt  }
0x67: {  	_ =	shalt  }
0x68: {  	_ =	shalt  }
0x69: {  	_ =	shalt  }
0x6a: {  	_ =	shalt  }
0x6b: {  	_ =	shalt  }
0x6c: {  	_ =	shalt  }
0x6d: {  	_ =	shalt  }
0x6e: {  	_ =	shalt  }
0x6f: {  	_ =	shalt  }
0x70: {  	_ =	shalt  }
0x71: {  	_ =	shalt  }
0x72: {  	_ =	shalt  }
0x73: {  	_ =	shalt  }
0x74: {  	_ =	shalt  }
0x75: {  	_ =	shalt  }
0x76: {  	_ =	shalt  }
0x77: {  	_ =	shalt  }
0x78: {  	_ =	shalt  }
0x79: {  	_ =	shalt  }
0x7a: {  	_ =	shalt  }
0x7b: {  	_ =	shalt  }
0x7c: {  	_ =	shalt  }
0x7d: {  	_ =	shalt  }
0x7e: {  	_ =	shalt  }
0x7f: {  	_ =	shalt  }
0x80: {  	_ =	shalt  }
0x81: {  	_ =	shalt  }
0x82: {  	_ =	shalt  }
0x83: {  	_ =	shalt  }
0x84: {  	_ =	shalt  }
0x85: {  	_ =	shalt  }
0x86: {  	_ =	shalt  }
0x87: {  	_ =	shalt  }
.Lfunc_end0:
.L_simem_size_0:
called_computation.2_lowered:
.L_overlay_start_0:
0x88: {  	s2 =	sld [smem:$0x3FD9]  }
0x89: {  	s3 =	sld [smem:$0x3FFE];
	_ =	sdelay $0x1  }
0x8a: {  	s1 =	srdreg.scid  }
0x8b: {  	s0 =	sand.u32 $0x1, s1  }
0x8c: {  	s15 =	sshll.u32 s0, $0xA;
	s2 =	sadd.s32 s3, s2  }
0x8d: {  	s2 =	sadd.s32 s2, s15  }
0x8e: {  	[smem:$0x3FBB] =	sst s2  }
0x8f: {  	_ = 	snop  }
0x90: {  	s2 =	sld [smem:$0x3FD0];
	_ =	sdelay $0x2  }
0x91: {  	s16 =	simm.s32 $0xB;
	s4 =	simm.s32 $0x10  }
0x92: {  	[smem:s4], [sflag:s16] =	dma.local [hbm:s2], $0x1  }
0x93: {  	_ =	swait.eq [sflag:s16], $0x1  }
0x94: {  	[sflag:s16] =	ssyncset.done $0x0  }
0x95: {  	[sflag:s16] =	ssyncadd.s32 $0xFFFFFFFF  }
0x96: {  	s17 =	sld [smem:$0x12];
	(tm) =	ssettm $0x1  }
0x97: {  	s18 =	sld [smem:$0x3FFB];
	_ =	sdelay $0x3  }
0x98: {  	_ =	strace s18  }
0x99: {  	s2 =	sld [smem:$0x3FFC];
	_ =	sdelay $0x3  }
0x9a: {  	_ =	strace s2  }
0x9b: {  	s2 =	sld [smem:$0x3FFD];
	_ =	sdelay $0x3  }
0x9c: {  	_ =	strace s2  }
0x9d: {  	_ =	strace $0x8FFFFFFF  }
0x9e: {  	s19 =	sld [smem:$0x3FDB];
	_ =	sdelay $0x1  }
0x9f: {  	s20 =	simm.s32 $_scs_section_size  }
0xa0: {  	s5 =	simm.s32 $_size__tile_overlayer_lowered;
	s6 =	simm.s32 $_tile_overlayer_lowered  }
0xa1: {  	s7 =	simm.s32 $0x1BFF;
	s21 =	sshll.u32 s6, $0x1;
	s4 =	sadd.s32 s20, s19  }
0xa2: {  	s22 =	simm.s32 $0x0;
	s5 =	sshll.u32 s5, $0x1;
	s6 =	sadd.s32 s21, s4  }
0xa3: {  	[timem:s22], [sflag:s7] =	dma.local [hbm:s6], s5  }
0xa4: {  	_ =	swait.ge [sflag:s7], s5  }
0xa5: {  	s5 =	ssub.s32 $0x0, s5;
	[sflag:s7] =	ssyncset.done $0x0  }
0xa6: {  	[sflag:s7] =	ssyncadd.s32 s5;
	_ =	sdelay $0x1  }
0xa7: {  	s23 =	simm.s32 $0x1B8B  }
0xa8: {  	_ =	swait.ge [sflag:s23], $0x1  }
0xa9: {  	[sflag:s23] =	ssyncset.done $0x0  }
0xaa: {  	[sflag:s23] =	ssyncadd.s32 $0xFFFFFFFF  }
0xab: {  	s5 =	sld [smem:$0x0]  }
0xac: {  	s6 =	sand.u32 $0xFFFFFFFE, s1  }
0xad: {  	p0 =	sne.s32 s1, s6  }
0xae: {  	s6 =	sshll.u32 @p0 s6, $0xE  }
0xaf: {  	s6 =	sadd.s32 @p0 $0x11B8D, s6;
	s7 =	sshll.u32 @p0 s5, $0x11  }
0xb0: {  	s6 =	sor.u32 @p0 s7, s6  }
0xb1: {  	[sflag:s6] =	ssyncadd.remote.s32 @p0 $0x1;
	_ =	sdelay $0x1  }
0xb2: {  	s6 =	simm.s32 @p0 $0x1B8D  }
0xb3: {  	_ =	swait.eq @p0 [sflag:s6], $0x1  }
0xb4: {  	[sflag:s6] =	ssyncadd.s32 @p0 $0xFFFFFFFF  }
0xb5: {  	s7 =	sshll.u32 @!p0 s1, $0xE  }
0xb6: {  	s7 =	sor.u32 @!p0 $0x4000, s7;
	s6 =	simm.s32 @!p0 $0x1B8D  }
0xb7: {  	s5 =	sshll.u32 @!p0 s5, $0x11;
	s7 =	sadd.s32 @!p0 $0x11B8D, s7;
	_ =	swait.eq @!p0 [sflag:s6], $0x1  }
0xb8: {  	s5 =	sor.u32 @!p0 s5, s7;
	[sflag:s6] =	ssyncadd.s32 @!p0 $0xFFFFFFFF  }
0xb9: {  	s25 =	simm.s32 $0x1B8E;
	s24 =	sld [smem:$0x3FFE];
	[sflag:s5] =	ssyncadd.remote.s32 @!p0 $0x1  }
0xba: {  	s26 =	simm.s32 $execute0_lowered;
	[smem:$0x3FD2] =	sst s25  }
0xbb: {  	s6 =	sshll.u32 s26, $0x1;
	_ =	strace $0x8000004F;
	[dreg:$0x1] =	wrdreg $0xFFFFFFFF  }
0xbc: {  	s28 =	simm.s32 $_size_execute0_lowered;
	s4 =	sadd.s32 s4, s6;
	[dreg:$0x0] =	wrdreg $0x0  }
0xbd: {  	s6 =	sshll.u32 s28, $0x1;
	[dreg:$0x2] =	wrdreg s4  }
0xbe: {  	[dreg:$0x3] =	wrdreg s6  }
0xbf: {  	[dreg:$0x4] =	wrdreg $0xC0  }
0xc0: {  	_ =	task [dreg:s22], $0x5FFFF  }
0xc1: {  	[dreg:$0x1] =	wrdreg $0xFFFFFFFF  }
0xc2: {  	[dreg:$0x0] =	wrdreg $0x60  }
0xc3: {  	[dreg:$0x2] =	wrdreg s24  }
0xc4: {  	[dreg:$0x3] =	wrdreg s17  }
0xc5: {  	[dreg:$0x4] =	wrdreg $0xA8000  }
0xc6: {  	[dreg:$0x5] =	wrdreg $0x9  }
0xc7: {  	_ =	task.clear_ibuf [dreg:s22], $0x6FFFF;
	_ =	strace $0x9000004F  }
0xc8: {  	s29 =	simm.s32 $0x9;
	_ =	strace $0x80000051  }
0xc9: {  	_ =	swait.ge [sflag:s29], $0x1  }
0xca: {  	[sflag:s29] =	ssyncadd.s32 $0xFFFFFFFF  }
0xcb: {  	_ =	strace $0x90000051  }
0xcc: {  	_ =	sfence  }
0xcd: {  	s30 =	sld [smem:$0x0];
	_ =	sdelay $0x2  }
0xce: {  	s31 =	sshll.u32 s1, $0xD;
	s1 =	sshrl.u32 s1, $0x2  }
0xcf: {  	s4 =	sand.u32 $0x4000, s31;
	s1 =	sadd.s32 s1, s30  }
0xd0: {  	s0 =	sor.u32 s4, s0;
	s1 =	sshll.u32 s1, $0x11  }
0xd1: {  	s0 =	sor.u32 s1, s0  }
0xd2: {  	s0 =	sadd.s32 $0x8F2B, s0  }
0xd3: {  	[sflag:s0] =	ssyncadd.remote.s32 $0x1  }
0xd4: {  	_ =	sfence.sel $0xFFFF  }
0xd5: {  	[dreg:$0x0] =	wrdreg $0xFFFFFFFF;
	(pc) =	sbr.abs _section_cstart, $3  }
0xd6: {  	[dreg:$0x1] =	wrdreg $0xFFFFFFFF  }
0xd7: {  	_ =	task.clear_ibuf [dreg:s22], $0x2FFFF;
	_ =	strace $0x9FFFFFFF  }
0xd8: {  	(tm) =	ssettm $0x7FFFFFFF  }
0xd9: {  	_ =	shalt  }
tec
execute0_lowered:
.L_overlay_start_1:
0x0: {  	(tag) =	ssettag $0x1  }
0x1: {  	s5 =	rddreg [dreg:$0x0];
	s1 =	srdreg.scid  }
0x2: {  	s0 =	stileid.u32;
	s8 =	rddreg [dreg:$0x1]  }
0x3: {  	s2 =	rddreg [dreg:$0x2];
	s3 =	simm.s32 $0x0;
	s15 =	simm.s32 $0x2800  }
0x4: {  	s16 =	simm.s32 $0x1;
	s17 =	simm.s32 $0x2;
	s18 =	simm.s32 $0x0  }
0x5: {  	s6 =	sand.u32 $0x1, s1;
	s1 =	rddreg [dreg:$0x3];
	s9 =	smul.u32 $0x14000, s0  }
0x6: {  	s28 =	sshll.u32 s0, $0x1;
	[smem:$0x7FF] =	sst s3;
	s11 =	smul.u32 $0x50000, s0  }
0x7: {  	s31 =	sshll.u32 s0, $0x6;
	s4 =	sor.u32 s6, s28;
	s14 =	smul.u32 $0x140000, s6  }
0x8: {  	_ =	strace $0x80000050;
	s10 =	ssub.s32 $0x2, s6;
	s4 =	smul.u32 $0x280, s4  }
0x9: {  	s12 =	sshrl.u32 s9, $0x3;
	s13 =	sshrl.u32 s10, $0x1;
	s29 =	sshrl.u32 s11, $0x2  }
0xa: {  	s11 =	simm.s32 $0x1400;
	s12 =	sadd.s32 s12, s5;
	s10 =	ssub.s32 s10, s13  }
.Ltmp0:
0xb: {  	s9 =	sadd.s32 s9, s14;
	s30 =	sadd.s32 s29, s2;
	(pc) =	sbr.rel .LBB2_1-.Ltmp0, $4  }
0xc: {  	s14 =	simm.s32 $0x80;
	s7 =	sadd.s32 s4, s5;
	s4 =	sadd.s32 $0x2A400, s5  }
0xd: {  	s9 =	sshrl.u32 s9, $0x3;
	s13 =	sshrl.u32 s30, $0x3;
	s5 =	sadd.s32 $0x6400, s7  }
0xe: {  	s6 =	sadd.s32 $0xB400, s7;
	s7 =	sadd.s32 $0x52400, s12;
	s8 =	sadd.s32 s8, s9  }
0xf: {  	s9 =	smax.u32 s10, $0x1;
	s10 =	simm.s32 $0x3;
	s12 =	sor.u32 $0x1C03, s31  }
.LBB2_5:
0x10: {  	_ =	swait.ge [sflag:s17], $0x4000  }
0x11: {  	s18 =	sadd.s32 $0x1, s18;
	[sflag:s17] =	ssyncset.done $0x0  }
0x12: {  	p0 =	sne.s32 s18, s9;
	[sflag:s17] =	ssyncadd.s32 $0xFFFFC000  }
.Ltmp1:
0x13: {  	[bflag:$0x0] =	sbarrier.arrive $0xFFFF;
	(pc) =	sbr.rel @!p0 .LBB2_6-.Ltmp1, $4  }
0x14: {  	[hbm:s8], [sflag:s12] =	dma.local [spmem:s13], $0x2800  }
0x15: {  	_ =	swait.ge [sflag:s10], $0x2800  }
0x16: {  	[sflag:s10] =	ssyncset.done $0x0  }
0x17: {  	[sflag:s10] =	ssyncadd.s32 $0xFFFFD800  }
.LBB2_1:
0x18: {  	[tilespmem:s3], [sflag:$0x3] =	stream.linear.gather [hbm4b:s5+s3], $0x1400, $0x38;
	[tilespmem:$0x1E800] =	vst v63  }
0x19: {  	_ =	swait.ge [sflag:s10], $0x1400  }
0x1a: {  	[sflag:s10] =	ssyncset.done $0x0  }
0x1b: {  	[sflag:s10] =	ssyncadd.s32 $0xFFFFEC00  }
0x1c: {  	[tilespmem:s11], [sflag:$0x3] =	stream.linear.gather [hbm4b:s6+s3], $0x1400, $0x38;
	[tilespmem:$0x1E800] =	vst v63  }
0x1d: {  	_ =	swait.ge [sflag:s10], $0x1400  }
0x1e: {  	[sflag:s10] =	ssyncset.done $0x0  }
0x1f: {  	[sflag:s10] =	ssyncadd.s32 $0xFFFFEC00  }
0x20: {  	[spmem:s13], [sflag:s12] =	dma.local [hbm:s7], $0x2800  }
.Ltmp2:
0x21: {  	_ =	swait.ge [sflag:s10], $0x2800;
	(pc) =	sbr.rel .LBB2_2-.Ltmp2, $4  }
0x22: {  	[sflag:s10] =	ssyncset.done $0x0  }
0x23: {  	[sflag:s10] =	ssyncadd.s32 $0xFFFFD800  }
0x24: {  	s19 =	simm.s32 $0x0;
	[bflag:$0x0] =	sbarrier.arrive $0xFFFF  }
0x25: {  	[tilespmem:s15], [sflag:$0x1] =	stream.indirect.gather [hbm4b:s4+s14], $0x80, s3, s14, $0xb8;
	[tilespmem:$0x1E800] =	vst v63  }
.LBB2_4:
0x26: {  	p0 =	slt.u32 s20, $0x28  }
.Ltmp3:
0x27: {  	_ =	swait.ge [sflag:s16], $0x4000;
	s19 =	sshll.u32 s19, $0x7;
	(pc) =	sbr.rel @!p0 .LBB2_5-.Ltmp3, $4  }
0x28: {  	s21 =	sshll.u32 s21, $0xE;
	[sflag:s16] =	ssyncset.done $0x0;
	s19 =	sand.u32 $0x3FFFFF80, s19  }
0x29: {  	s21 =	sor.u32 $0x2800, s21;
	[sflag:s16] =	ssyncadd.s32 $0xFFFFC000;
	s19 =	sadd.s32 $0x1400, s19  }
0x2a: {  	[spmem:s2] =	stream.indirect.scatter.add.f32 [tilespmem:s21], [sflag:$0x2], $0x80, s19, s14, $0xb8;
	[tilespmem:$0x1E800] =	vst v63  }
0x2b: {  	s19 =	smov.u32 s20  }
.LBB2_2:
0x2c: {  	p0 =	seq.s32 s19, $0x0  }
0x2d: {  	p1 =	seq.s32 @!p0 s19, $0x27  }
0x2e: {  	p1 =	por p0, !p1  }
.Ltmp4:
0x2f: {  	_ = 	snop;
	(pc) =	sbr.rel @!p1 .LBB2_4-.Ltmp4, $4  }
0x30: {  	s20 =	simm.s32 @!p0 $0x2  }
0x31: {  	_ =	swait.ge @!p0 [sflag:s20], $0x4000  }
0x32: {  	[sflag:s20] =	ssyncset.done @!p0 $0x0  }
0x33: {  	s21 =	sand.u32 $0x1, s19;
	[sflag:s20] =	ssyncadd.s32 @!p0 $0xFFFFC000;
	s20 =	simm.s32 @!p0 $0x28  }
.Ltmp5:
0x34: {  	s20 =	sadd.s32 @!p0 $0x1, s19;
	(pc) =	sbr.rel .LBB2_4-.Ltmp5, $4  }
0x35: {  	s20 =	simm.s32 @p0 $0x1  }
0x36: {  	s22 =	sshll.u32 s21, $0xE;
	s23 =	sshll.u32 s20, $0x7  }
0x37: {  	s22 =	sxor.u32 $0x6800, s22;
	s23 =	sand.u32 $0x3FFFFF80, s23  }
0x38: {  	[tilespmem:s22], [sflag:$0x1] =	stream.indirect.gather [hbm4b:s4+s14], $0x80, s23, s14, $0xb8;
	[tilespmem:$0x1E800] =	vst v63  }
.LBB2_6:
0x39: {  	_ =	sfence.sel $0x180000  }
0x3a: {  	[bflag:$0x0] =	sbarrier.arrive $0xFFFF  }
0x3b: {  	p0 =	sne.s32 s0, $0x0;
	_ =	strace $0x90000050  }
0x3c: {  	s0 =	sadd.s32 @!p0 $0x100000, s1;
	[bflag:$0x2] =	sbarrier.arrive $0xFFFF  }
0x3d: {  	[sflag:s0] =	ssyncadd.tile.s32 @!p0 $0x1;
	_ =	shalt  }
.Lfunc_end2:
_tile_overlayer_lowered:
.L_overlay_start_2:
0x3e: {  	(tag) =	ssettag $0x2  }
0x3f: {  	s0 =	rddreg [dreg:$0x0];
	s2 =	stileid.u32  }
0x40: {  	s1 =	rddreg [dreg:$0x1];
	p0 =	sne.s32 s2, $0x0  }
0x41: {  	s3 =	rddreg [dreg:$0x2];
	[bflag:$0x3] =	sbarrier.arrive $0xFFFF;
	s2 =	simm.s32 @!p0 $0x1C03  }
0x42: {  	[timem:s3], [sflag:s2] =	dma.local @!p0 [hbm:s0], s1  }
0x43: {  	s0 =	simm.s32 @!p0 $0x3  }
0x44: {  	_ =	swait.ge @!p0 [sflag:s0], s1  }
0x45: {  	s1 =	ssub.s32 @!p0 $0x0, s1;
	[sflag:s0] =	ssyncset.done @!p0 $0x0  }
0x46: {  	[sflag:s0] =	ssyncadd.s32 @!p0 s1  }
0x47: {  	[bflag:$0x3] =	sbarrier.arrive $0xFFFF  }
0x48: {  	_ =	shalt  }

// kernel: kernel.26.cloned.1.call-start
scs
__scs_entry_jumppad:
0x0: {  	(pc) =	sbr.rel $0x88, $3  }
0x1: {  	(tag) =	ssettag $0x0;
	lr =	simm.s32 $0x1  }
0x2: {  	[smem:$0x3F94] =	sst lr;
	_ =	strace $0xD0000000  }
0x3: {  	_ = 	snop  }
0x4: {  	_ = 	snop  }
0x5: {  	_ = 	snop  }
0x6: {  	_ = 	snop  }
0x7: {  	_ = 	snop  }
__scs_overlays_trampoline_lowered:
0x8: {  	[smem:$0x3FA3] =	sst s0  }
0x9: {  	[smem:$0x3FA4] =	sst s1  }
0xa: {  	[smem:$0x3FA5] =	sst s2  }
0xb: {  	[smem:$0x3FA6] =	sst s3  }
0xc: {  	[smem:$0x3FA7] =	sst s4  }
0xd: {  	[smem:$0x3FA8] =	sst s5  }
0xe: {  	[smem:$0x3FA9] =	sst s6  }
0xf: {  	[smem:$0x3FAA] =	sst s7  }
0x10: {  	[smem:$0x3FAB] =	sst s8  }
0x11: {  	[smem:$0x3FAC] =	sst s9;
	s0 =	simm.s32 @!p0 $0x0  }
0x12: {  	s1 =	sld [smem:$0x3F92];
	s0 =	simm.s32 @p0 $0x1  }
0x13: {  	[smem:$0x3FAD] =	sst s0;
	s0 =	simm.s32 @!p1 $0x0  }
0x14: {  	s2 =	sld [smem:$0x3F91];
	s0 =	simm.s32 @p1 $0x1  }
0x15: {  	[smem:$0x3FAE] =	sst s0;
	s0 =	simm.s32 @!p2 $0x0  }
0x16: {  	s3 =	sld [smem:$0x3FDB];
	s0 =	simm.s32 @p2 $0x1  }
0x17: {  	s4 =	simm.s32 $0x1BF5;
	[smem:$0x3FB0] =	sst s0  }
0x18: {  	s0 =	sld [smem:$0x3F93];
	_ =	swait.ge [sflag:s4], $0x0  }
0x19: {  	s7 =	sld [smem:$0x3F94]  }
0x1a: {  	s8 =	sadd.s32 $0xFFFFE003, lr  }
0x1b: {  	s9 =	sadd.s32 $0xFFFFFEF7, lr;
	s5 =	simm.s32 $0xFFFFFFFF;
	p2 =	slt.u32 s8, $0xFFFFF086  }
0x1c: {  	p1 =	slt.u32 s9, $0xF7A;
	s5 =	simm.s32 @!p2 $0x0  }
0x1d: {  	s5 =	simm.s32 @p1 $0x1;
	p0 =	seq.s32 s7, s2  }
0x1e: {  	s7 =	smul.u32 @!p0 $0xF7A, s2;
	p2 =	seq.s32 @!p0 s5, $0x0  }
0x1f: {  	s9 =	smul.u32 $0xF7A, s1;
	s8 =	simm.s32 @!p0 $0x1BF5;
	p2 =	por !p2, p0  }
0x20: {  	[sflag:s8] =	ssyncset.s32 @!p0 $0xFFFFF086;
	s6 =	sadd.s32 @!p0 s3, s7;
	s7 =	simm.s32 @!p0 $0x108  }
0x21: {  	s3 =	sadd.s32 s3, s9;
	s6 =	sadd.s32 @!p0 $0x88, s6;
	s7 =	simm.s32 @p2 $0x1082  }
0x22: {  	[simem:s7], [sflag:s8] =	dma.local @!p0 [hbm:s6], $0xF7A  }
0x23: {  	s9 =	sor.u32 $0xD0000000, s2;
	s6 =	simm.s32 $0x108;
	_ =	swait.ge @!p0 [sflag:s8], $0x0  }
0x24: {  	s3 =	sadd.s32 $0x88, s3;
	s6 =	simm.s32 @!p1 $0x1082;
	[sflag:s4] =	ssyncset.s32 $0xFFFFF086  }
0x25: {  	[simem:s6], [sflag:s4] =	dma.local [hbm:s3], $0xF7A  }
0x26: {  	[smem:$0x3F94] =	sst s1;
	(tag) =	ssettag s2;
	_ =	strace s9  }
0x27: {  	s1 =	sld [smem:$0x3FA4]  }
0x28: {  	s2 =	sld [smem:$0x3FA5]  }
0x29: {  	s4 =	sld [smem:$0x3FA7]  }
0x2a: {  	p0 =	seq.s32 s5, $0x0;
	s5 =	sld [smem:$0x3FA8]  }
0x2b: {  	s6 =	sld [smem:$0x3FA9]  }
0x2c: {  	s7 =	sld [smem:$0x3FAA]  }
0x2d: {  	s3 =	simm.s32 $0x108;
	s8 =	sld [smem:$0x3FAB]  }
0x2e: {  	s3 =	simm.s32 @!p0 $0x1082;
	s9 =	sld [smem:$0x3FAC]  }
0x2f: {  	lr =	sadd.s32 s0, s3;
	s0 =	sld [smem:$0x3FA3]  }
0x30: {  	s3 =	sld [smem:$0x3FA6]  }
0x31: {  	[smem:$0x3FAF] =	sst s10  }
0x32: {  	s10 =	sld [smem:$0x3FAD];
	_ =	sdelay $0x3  }
0x33: {  	p0 =	seq.s32 s10, $0x1;
	s10 =	sld [smem:$0x3FAF];
	_ =	sdelay $0x3  }
0x34: {  	[smem:$0x3FAF] =	sst s10  }
0x35: {  	s10 =	sld [smem:$0x3FAE];
	_ =	sdelay $0x3  }
0x36: {  	p1 =	seq.s32 s10, $0x1;
	s10 =	sld [smem:$0x3FAF];
	_ =	sdelay $0x3  }
0x37: {  	[smem:$0x3FAF] =	sst s10  }
0x38: {  	s10 =	sld [smem:$0x3FB0]  }
0x39: {  	_ = 	snop;
	(pc) =	sbr.ind lr, $3  }
0x3a: {  	_ = 	snop  }
0x3b: {  	_ = 	snop  }
0x3c: {  	p2 =	seq.s32 s10, $0x1;
	s10 =	sld [smem:$0x3FAF]  }
0x3d: {  	_ =	shalt  }
0x3e: {  	_ =	shalt  }
0x3f: {  	_ =	shalt  }
0x40: {  	_ =	shalt  }
0x41: {  	_ =	shalt  }
0x42: {  	_ =	shalt  }
0x43: {  	_ =	shalt  }
0x44: {  	_ =	shalt  }
0x45: {  	_ =	shalt  }
0x46: {  	_ =	shalt  }
0x47: {  	_ =	shalt  }
0x48: {  	_ =	shalt  }
0x49: {  	_ =	shalt  }
0x4a: {  	_ =	shalt  }
0x4b: {  	_ =	shalt  }
0x4c: {  	_ =	shalt  }
0x4d: {  	_ =	shalt  }
0x4e: {  	_ =	shalt  }
0x4f: {  	_ =	shalt  }
0x50: {  	_ =	shalt  }
0x51: {  	_ =	shalt  }
0x52: {  	_ =	shalt  }
0x53: {  	_ =	shalt  }
0x54: {  	_ =	shalt  }
0x55: {  	_ =	shalt  }
0x56: {  	_ =	shalt  }
0x57: {  	_ =	shalt  }
0x58: {  	_ =	shalt  }
0x59: {  	_ =	shalt  }
0x5a: {  	_ =	shalt  }
0x5b: {  	_ =	shalt  }
0x5c: {  	_ =	shalt  }
0x5d: {  	_ =	shalt  }
0x5e: {  	_ =	shalt  }
0x5f: {  	_ =	shalt  }
0x60: {  	_ =	shalt  }
0x61: {  	_ =	shalt  }
0x62: {  	_ =	shalt  }
0x63: {  	_ =	shalt  }
0x64: {  	_ =	shalt  }
0x65: {  	_ =	shalt  }
0x66: {  	_ =	shalt  }
0x67: {  	_ =	shalt  }
0x68: {  	_ =	shalt  }
0x69: {  	_ =	shalt  }
0x6a: {  	_ =	shalt  }
0x6b: {  	_ =	shalt  }
0x6c: {  	_ =	shalt  }
0x6d: {  	_ =	shalt  }
0x6e: {  	_ =	shalt  }
0x6f: {  	_ =	shalt  }
0x70: {  	_ =	shalt  }
0x71: {  	_ =	shalt  }
0x72: {  	_ =	shalt  }
0x73: {  	_ =	shalt  }
0x74: {  	_ =	shalt  }
0x75: {  	_ =	shalt  }
0x76: {  	_ =	shalt  }
0x77: {  	_ =	shalt  }
0x78: {  	_ =	shalt  }
0x79: {  	_ =	shalt  }
0x7a: {  	_ =	shalt  }
0x7b: {  	_ =	shalt  }
0x7c: {  	_ =	shalt  }
0x7d: {  	_ =	shalt  }
0x7e: {  	_ =	shalt  }
0x7f: {  	_ =	shalt  }
0x80: {  	_ =	shalt  }
0x81: {  	_ =	shalt  }
0x82: {  	_ =	shalt  }
0x83: {  	_ =	shalt  }
0x84: {  	_ =	shalt  }
0x85: {  	_ =	shalt  }
0x86: {  	_ =	shalt  }
0x87: {  	_ =	shalt  }
.Lfunc_end0:
.L_simem_size_0:
called_computation.3_lowered:
.L_overlay_start_0:
0x88: {  	s2 =	sld [smem:$0x3FD9]  }
0x89: {  	s3 =	sld [smem:$0x3FFE];
	_ =	sdelay $0x1  }
0x8a: {  	s1 =	srdreg.scid  }
0x8b: {  	s0 =	sand.u32 $0x1, s1  }
0x8c: {  	s15 =	sshll.u32 s0, $0xA;
	s2 =	sadd.s32 s3, s2  }
0x8d: {  	s2 =	sadd.s32 s2, s15  }
0x8e: {  	[smem:$0x3FBB] =	sst s2  }
0x8f: {  	_ = 	snop  }
0x90: {  	s2 =	sld [smem:$0x3FD0];
	_ =	sdelay $0x2  }
0x91: {  	s16 =	simm.s32 $0xB;
	s4 =	simm.s32 $0x10  }
0x92: {  	[smem:s4], [sflag:s16] =	dma.local [hbm:s2], $0x1  }
0x93: {  	_ =	swait.eq [sflag:s16], $0x1  }
0x94: {  	[sflag:s16] =	ssyncset.done $0x0  }
0x95: {  	[sflag:s16] =	ssyncadd.s32 $0xFFFFFFFF  }
0x96: {  	s17 =	sld [smem:$0x10];
	(tm) =	ssettm $0x1  }
0x97: {  	s18 =	sld [smem:$0x3FFB];
	_ =	sdelay $0x3  }
0x98: {  	_ =	strace s18  }
0x99: {  	s2 =	sld [smem:$0x3FFC];
	_ =	sdelay $0x3  }
0x9a: {  	_ =	strace s2  }
0x9b: {  	s2 =	sld [smem:$0x3FFD];
	_ =	sdelay $0x3  }
0x9c: {  	_ =	strace s2  }
0x9d: {  	_ =	strace $0x8FFFFFFF  }
0x9e: {  	s19 =	sld [smem:$0x3FDB];
	_ =	sdelay $0x1  }
0x9f: {  	s20 =	simm.s32 $_scs_section_size  }
0xa0: {  	s5 =	simm.s32 $_size__tile_overlayer_lowered;
	s6 =	simm.s32 $_tile_overlayer_lowered  }
0xa1: {  	s7 =	simm.s32 $0x1BFF;
	s21 =	sshll.u32 s6, $0x1;
	s4 =	sadd.s32 s20, s19  }
0xa2: {  	s22 =	simm.s32 $0x0;
	s5 =	sshll.u32 s5, $0x1;
	s6 =	sadd.s32 s21, s4  }
0xa3: {  	[timem:s22], [sflag:s7] =	dma.local [hbm:s6], s5  }
0xa4: {  	_ =	swait.ge [sflag:s7], s5  }
0xa5: {  	s5 =	ssub.s32 $0x0, s5;
	[sflag:s7] =	ssyncset.done $0x0  }
0xa6: {  	[sflag:s7] =	ssyncadd.s32 s5;
	_ =	sdelay $0x1  }
0xa7: {  	s23 =	simm.s32 $0x1B8B  }
0xa8: {  	_ =	swait.ge [sflag:s23], $0x1  }
0xa9: {  	[sflag:s23] =	ssyncset.done $0x0  }
0xaa: {  	[sflag:s23] =	ssyncadd.s32 $0xFFFFFFFF  }
0xab: {  	s5 =	sld [smem:$0x0]  }
0xac: {  	s6 =	sand.u32 $0xFFFFFFFE, s1  }
0xad: {  	p0 =	sne.s32 s1, s6  }
0xae: {  	s6 =	sshll.u32 @p0 s6, $0xE  }
0xaf: {  	s6 =	sadd.s32 @p0 $0x11B8D, s6;
	s7 =	sshll.u32 @p0 s5, $0x11  }
0xb0: {  	s6 =	sor.u32 @p0 s7, s6  }
0xb1: {  	[sflag:s6] =	ssyncadd.remote.s32 @p0 $0x1;
	_ =	sdelay $0x1  }
0xb2: {  	s6 =	simm.s32 @p0 $0x1B8D  }
0xb3: {  	_ =	swait.eq @p0 [sflag:s6], $0x1  }
0xb4: {  	[sflag:s6] =	ssyncadd.s32 @p0 $0xFFFFFFFF  }
0xb5: {  	s7 =	sshll.u32 @!p0 s1, $0xE  }
0xb6: {  	s7 =	sor.u32 @!p0 $0x4000, s7;
	s6 =	simm.s32 @!p0 $0x1B8D  }
0xb7: {  	s5 =	sshll.u32 @!p0 s5, $0x11;
	s7 =	sadd.s32 @!p0 $0x11B8D, s7;
	_ =	swait.eq @!p0 [sflag:s6], $0x1  }
0xb8: {  	s5 =	sor.u32 @!p0 s5, s7;
	[sflag:s6] =	ssyncadd.s32 @!p0 $0xFFFFFFFF  }
0xb9: {  	s25 =	simm.s32 $0x1B8E;
	s24 =	sld [smem:$0x3FFE];
	[sflag:s5] =	ssyncadd.remote.s32 @!p0 $0x1  }
0xba: {  	s26 =	simm.s32 $execute0_lowered;
	[smem:$0x3FD2] =	sst s25  }
0xbb: {  	s6 =	sshll.u32 s26, $0x1;
	_ =	strace $0x8000004C;
	[dreg:$0x1] =	wrdreg $0xFFFFFFFF  }
0xbc: {  	s28 =	simm.s32 $_size_execute0_lowered;
	s4 =	sadd.s32 s4, s6;
	[dreg:$0x0] =	wrdreg $0x0  }
0xbd: {  	s6 =	sshll.u32 s28, $0x1;
	[dreg:$0x2] =	wrdreg s4  }
0xbe: {  	[dreg:$0x3] =	wrdreg s6  }
0xbf: {  	[dreg:$0x4] =	wrdreg $0xC0  }
0xc0: {  	_ =	task [dreg:s22], $0x5FFFF  }
0xc1: {  	[dreg:$0x1] =	wrdreg $0xFFFFFFFF  }
0xc2: {  	[dreg:$0x0] =	wrdreg $0x60  }
0xc3: {  	[dreg:$0x2] =	wrdreg s24  }
0xc4: {  	[dreg:$0x3] =	wrdreg s17  }
0xc5: {  	[dreg:$0x4] =	wrdreg $0x88000  }
0xc6: {  	[dreg:$0x5] =	wrdreg $0xA  }
0xc7: {  	_ =	task.clear_ibuf [dreg:s22], $0x6FFFF;
	_ =	strace $0x9000004C  }
0xc8: {  	s29 =	simm.s32 $0xA;
	_ =	strace $0x8000004E  }
0xc9: {  	_ =	swait.ge [sflag:s29], $0x1  }
0xca: {  	[sflag:s29] =	ssyncadd.s32 $0xFFFFFFFF  }
0xcb: {  	_ =	strace $0x9000004E  }
0xcc: {  	_ =	sfence  }
0xcd: {  	s30 =	sld [smem:$0x0];
	_ =	sdelay $0x2  }
0xce: {  	s31 =	sshll.u32 s1, $0xD;
	s1 =	sshrl.u32 s1, $0x2  }
0xcf: {  	s4 =	sand.u32 $0x4000, s31;
	s1 =	sadd.s32 s1, s30  }
0xd0: {  	s0 =	sor.u32 s4, s0;
	s1 =	sshll.u32 s1, $0x11  }
0xd1: {  	s0 =	sor.u32 s1, s0  }
0xd2: {  	s0 =	sadd.s32 $0x8F2B, s0  }
0xd3: {  	[sflag:s0] =	ssyncadd.remote.s32 $0x1  }
0xd4: {  	_ =	sfence.sel $0xFFFF  }
0xd5: {  	[dreg:$0x0] =	wrdreg $0xFFFFFFFF;
	(pc) =	sbr.abs _section_cstart, $3  }
0xd6: {  	[dreg:$0x1] =	wrdreg $0xFFFFFFFF  }
0xd7: {  	_ =	task.clear_ibuf [dreg:s22], $0x2FFFF;
	_ =	strace $0x9FFFFFFF  }
0xd8: {  	(tm) =	ssettm $0x7FFFFFFF  }
0xd9: {  	_ =	shalt  }
tec
execute0_lowered:
.L_overlay_start_1:
0x0: {  	(tag) =	ssettag $0x1  }
0x1: {  	s5 =	rddreg [dreg:$0x0]  }
0x2: {  	s8 =	rddreg [dreg:$0x1]  }
0x3: {  	s2 =	rddreg [dreg:$0x2];
	s3 =	srdreg.scid  }
0x4: {  	s0 =	rddreg [dreg:$0x3];
	s1 =	stileid.u32;
	s14 =	simm.s32 $0x80  }
0x5: {  	s15 =	simm.s32 $0x800;
	s16 =	simm.s32 $0x1;
	s17 =	simm.s32 $0x2  }
0x6: {  	s18 =	simm.s32 $0x0;
	s9 =	sand.u32 $0x1, s3;
	s3 =	simm.s32 $0x0  }
0x7: {  	s10 =	sshll.u32 s1, $0xB;
	s13 =	sshll.u32 s1, $0xE;
	s31 =	sshll.u32 s1, $0x6  }
0x8: {  	s4 =	sshll.u32 s9, $0xA;
	[smem:$0x7FF] =	sst s3;
	s6 =	ssub.s32 $0x2, s9  }
0x9: {  	s12 =	sadd.s32 s10, s5;
	s13 =	sadd.s32 s13, s2;
	s9 =	sshll.u32 s9, $0xF  }
0xa: {  	s8 =	sadd.s32 s8, s10;
	s4 =	sor.u32 s4, s10;
	_ =	strace $0x8000004D  }
.Ltmp0:
0xb: {  	s11 =	sshrl.u32 s6, $0x1;
	s8 =	sadd.s32 s9, s8;
	(pc) =	sbr.rel .LBB2_1-.Ltmp0, $4  }
0xc: {  	s10 =	simm.s32 $0x3;
	s13 =	sshrl.u32 s13, $0x3;
	s4 =	sshrl.u32 s4, $0x3  }
0xd: {  	s11 =	ssub.s32 s6, s11;
	s7 =	sadd.s32 s4, s5;
	s4 =	sadd.s32 $0x1A400, s5  }
0xe: {  	s9 =	smax.u32 s11, $0x1;
	s11 =	simm.s32 $0x400;
	s5 =	sadd.s32 $0x4400, s7  }
0xf: {  	s6 =	sadd.s32 $0x5400, s7;
	s7 =	sadd.s32 $0x22400, s12;
	s12 =	sor.u32 $0x1C03, s31  }
.LBB2_5:
0x10: {  	_ =	swait.ge [sflag:s17], $0x4000  }
0x11: {  	s18 =	sadd.s32 $0x1, s18;
	[sflag:s17] =	ssyncset.done $0x0  }
0x12: {  	p0 =	sne.s32 s18, s9;
	[sflag:s17] =	ssyncadd.s32 $0xFFFFC000  }
.Ltmp1:
0x13: {  	[bflag:$0x0] =	sbarrier.arrive $0xFFFF;
	(pc) =	sbr.rel @!p0 .LBB2_6-.Ltmp1, $4  }
0x14: {  	[hbm:s8], [sflag:s12] =	dma.local [spmem:s13], $0x800  }
0x15: {  	_ =	swait.ge [sflag:s10], $0x800  }
0x16: {  	[sflag:s10] =	ssyncset.done $0x0  }
0x17: {  	[sflag:s10] =	ssyncadd.s32 $0xFFFFF800  }
.LBB2_1:
0x18: {  	[tilespmem:s3], [sflag:$0x3] =	stream.linear.gather [hbm4b:s5+s3], $0x400, $0x38;
	[tilespmem:$0xC800] =	vst v63  }
0x19: {  	_ =	swait.ge [sflag:s10], $0x400  }
0x1a: {  	[sflag:s10] =	ssyncset.done $0x0  }
0x1b: {  	[sflag:s10] =	ssyncadd.s32 $0xFFFFFC00  }
0x1c: {  	[tilespmem:s11], [sflag:$0x3] =	stream.linear.gather [hbm4b:s6+s3], $0x400, $0x38;
	[tilespmem:$0xC800] =	vst v63  }
0x1d: {  	_ =	swait.ge [sflag:s10], $0x400  }
0x1e: {  	[sflag:s10] =	ssyncset.done $0x0  }
0x1f: {  	[sflag:s10] =	ssyncadd.s32 $0xFFFFFC00  }
0x20: {  	[spmem:s13], [sflag:s12] =	dma.local [hbm:s7], $0x800  }
.Ltmp2:
0x21: {  	_ =	swait.ge [sflag:s10], $0x800;
	(pc) =	sbr.rel .LBB2_2-.Ltmp2, $4  }
0x22: {  	[sflag:s10] =	ssyncset.done $0x0  }
0x23: {  	[sflag:s10] =	ssyncadd.s32 $0xFFFFF800  }
0x24: {  	s19 =	simm.s32 $0x0;
	[bflag:$0x0] =	sbarrier.arrive $0xFFFF  }
0x25: {  	[tilespmem:s15], [sflag:$0x1] =	stream.indirect.gather [hbm4b:s4+s14], $0x80, s3, s14, $0xb8;
	[tilespmem:$0xC800] =	vst v63  }
.LBB2_4:
0x26: {  	p0 =	slt.u32 s20, $0x8  }
.Ltmp3:
0x27: {  	_ =	swait.ge [sflag:s16], $0x4000;
	s19 =	sshll.u32 s19, $0x7;
	(pc) =	sbr.rel @!p0 .LBB2_5-.Ltmp3, $4  }
0x28: {  	s21 =	sshll.u32 s21, $0xE;
	[sflag:s16] =	ssyncset.done $0x0;
	s19 =	sand.u32 $0x3FFFFF80, s19  }
0x29: {  	s21 =	sor.u32 $0x800, s21;
	[sflag:s16] =	ssyncadd.s32 $0xFFFFC000;
	s19 =	sadd.s32 $0x400, s19  }
0x2a: {  	[spmem:s2] =	stream.indirect.scatter.add.f32 [tilespmem:s21], [sflag:$0x2], $0x80, s19, s14, $0xb8;
	[tilespmem:$0xC800] =	vst v63  }
0x2b: {  	s19 =	smov.u32 s20  }
.LBB2_2:
0x2c: {  	p0 =	seq.s32 s19, $0x0  }
0x2d: {  	p1 =	seq.s32 @!p0 s19, $0x7  }
0x2e: {  	p1 =	por p0, !p1  }
.Ltmp4:
0x2f: {  	_ = 	snop;
	(pc) =	sbr.rel @!p1 .LBB2_4-.Ltmp4, $4  }
0x30: {  	s20 =	simm.s32 @!p0 $0x2  }
0x31: {  	_ =	swait.ge @!p0 [sflag:s20], $0x4000  }
0x32: {  	[sflag:s20] =	ssyncset.done @!p0 $0x0  }
0x33: {  	s21 =	sand.u32 $0x1, s19;
	[sflag:s20] =	ssyncadd.s32 @!p0 $0xFFFFC000;
	s20 =	simm.s32 @!p0 $0x8  }
.Ltmp5:
0x34: {  	s20 =	sadd.s32 @!p0 $0x1, s19;
	(pc) =	sbr.rel .LBB2_4-.Ltmp5, $4  }
0x35: {  	s20 =	simm.s32 @p0 $0x1  }
0x36: {  	s22 =	sshll.u32 s21, $0xE;
	s23 =	sshll.u32 s20, $0x7  }
0x37: {  	s22 =	sxor.u32 $0x4800, s22;
	s23 =	sand.u32 $0x3FFFFF80, s23  }
0x38: {  	[tilespmem:s22], [sflag:$0x1] =	stream.indirect.gather [hbm4b:s4+s14], $0x80, s23, s14, $0xb8;
	[tilespmem:$0xC800] =	vst v63  }
.LBB2_6:
0x39: {  	_ =	sfence.sel $0x180000  }
0x3a: {  	[bflag:$0x0] =	sbarrier.arrive $0xFFFF  }
0x3b: {  	p0 =	sne.s32 s1, $0x0;
	_ =	strace $0x9000004D  }
0x3c: {  	s0 =	sadd.s32 @!p0 $0x100000, s0;
	[bflag:$0x2] =	sbarrier.arrive $0xFFFF  }
0x3d: {  	[sflag:s0] =	ssyncadd.tile.s32 @!p0 $0x1;
	_ =	shalt  }
.Lfunc_end2:
_tile_overlayer_lowered:
.L_overlay_start_2:
0x3e: {  	(tag) =	ssettag $0x2  }
0x3f: {  	s0 =	rddreg [dreg:$0x0];
	s2 =	stileid.u32  }
0x40: {  	s1 =	rddreg [dreg:$0x1];
	p0 =	sne.s32 s2, $0x0  }
0x41: {  	s3 =	rddreg [dreg:$0x2];
	[bflag:$0x3] =	sbarrier.arrive $0xFFFF;
	s2 =	simm.s32 @!p0 $0x1C03  }
0x42: {  	[timem:s3], [sflag:s2] =	dma.local @!p0 [hbm:s0], s1  }
0x43: {  	s0 =	simm.s32 @!p0 $0x3  }
0x44: {  	_ =	swait.ge @!p0 [sflag:s0], s1  }
0x45: {  	s1 =	ssub.s32 @!p0 $0x0, s1;
	[sflag:s0] =	ssyncset.done @!p0 $0x0  }
0x46: {  	[sflag:s0] =	ssyncadd.s32 @!p0 s1  }
0x47: {  	[bflag:$0x3] =	sbarrier.arrive $0xFFFF  }
0x48: {  	_ =	shalt  }

// kernel: kernel.29.cloned.1.call-start
scs
__scs_entry_jumppad:
0x0: {  	(pc) =	sbr.rel $0x88, $3  }
0x1: {  	(tag) =	ssettag $0x0;
	lr =	simm.s32 $0x1  }
0x2: {  	[smem:$0x3F94] =	sst lr;
	_ =	strace $0xD0000000  }
0x3: {  	_ = 	snop  }
0x4: {  	_ = 	snop  }
0x5: {  	_ = 	snop  }
0x6: {  	_ = 	snop  }
0x7: {  	_ = 	snop  }
__scs_overlays_trampoline_lowered:
0x8: {  	[smem:$0x3FA3] =	sst s0  }
0x9: {  	[smem:$0x3FA4] =	sst s1  }
0xa: {  	[smem:$0x3FA5] =	sst s2  }
0xb: {  	[smem:$0x3FA6] =	sst s3  }
0xc: {  	[smem:$0x3FA7] =	sst s4  }
0xd: {  	[smem:$0x3FA8] =	sst s5  }
0xe: {  	[smem:$0x3FA9] =	sst s6  }
0xf: {  	[smem:$0x3FAA] =	sst s7  }
0x10: {  	[smem:$0x3FAB] =	sst s8  }
0x11: {  	[smem:$0x3FAC] =	sst s9;
	s0 =	simm.s32 @!p0 $0x0  }
0x12: {  	s1 =	sld [smem:$0x3F92];
	s0 =	simm.s32 @p0 $0x1  }
0x13: {  	[smem:$0x3FAD] =	sst s0;
	s0 =	simm.s32 @!p1 $0x0  }
0x14: {  	s2 =	sld [smem:$0x3F91];
	s0 =	simm.s32 @p1 $0x1  }
0x15: {  	[smem:$0x3FAE] =	sst s0;
	s0 =	simm.s32 @!p2 $0x0  }
0x16: {  	s3 =	sld [smem:$0x3FDB];
	s0 =	simm.s32 @p2 $0x1  }
0x17: {  	s4 =	simm.s32 $0x1BF5;
	[smem:$0x3FB0] =	sst s0  }
0x18: {  	s0 =	sld [smem:$0x3F93];
	_ =	swait.ge [sflag:s4], $0x0  }
0x19: {  	s7 =	sld [smem:$0x3F94]  }
0x1a: {  	s8 =	sadd.s32 $0xFFFFE003, lr  }
0x1b: {  	s9 =	sadd.s32 $0xFFFFFEF7, lr;
	s5 =	simm.s32 $0xFFFFFFFF;
	p2 =	slt.u32 s8, $0xFFFFF086  }
0x1c: {  	p1 =	slt.u32 s9, $0xF7A;
	s5 =	simm.s32 @!p2 $0x0  }
0x1d: {  	s5 =	simm.s32 @p1 $0x1;
	p0 =	seq.s32 s7, s2  }
0x1e: {  	s7 =	smul.u32 @!p0 $0xF7A, s2;
	p2 =	seq.s32 @!p0 s5, $0x0  }
0x1f: {  	s9 =	smul.u32 $0xF7A, s1;
	s8 =	simm.s32 @!p0 $0x1BF5;
	p2 =	por !p2, p0  }
0x20: {  	[sflag:s8] =	ssyncset.s32 @!p0 $0xFFFFF086;
	s6 =	sadd.s32 @!p0 s3, s7;
	s7 =	simm.s32 @!p0 $0x108  }
0x21: {  	s3 =	sadd.s32 s3, s9;
	s6 =	sadd.s32 @!p0 $0x88, s6;
	s7 =	simm.s32 @p2 $0x1082  }
0x22: {  	[simem:s7], [sflag:s8] =	dma.local @!p0 [hbm:s6], $0xF7A  }
0x23: {  	s9 =	sor.u32 $0xD0000000, s2;
	s6 =	simm.s32 $0x108;
	_ =	swait.ge @!p0 [sflag:s8], $0x0  }
0x24: {  	s3 =	sadd.s32 $0x88, s3;
	s6 =	simm.s32 @!p1 $0x1082;
	[sflag:s4] =	ssyncset.s32 $0xFFFFF086  }
0x25: {  	[simem:s6], [sflag:s4] =	dma.local [hbm:s3], $0xF7A  }
0x26: {  	[smem:$0x3F94] =	sst s1;
	(tag) =	ssettag s2;
	_ =	strace s9  }
0x27: {  	s1 =	sld [smem:$0x3FA4]  }
0x28: {  	s2 =	sld [smem:$0x3FA5]  }
0x29: {  	s4 =	sld [smem:$0x3FA7]  }
0x2a: {  	p0 =	seq.s32 s5, $0x0;
	s5 =	sld [smem:$0x3FA8]  }
0x2b: {  	s6 =	sld [smem:$0x3FA9]  }
0x2c: {  	s7 =	sld [smem:$0x3FAA]  }
0x2d: {  	s3 =	simm.s32 $0x108;
	s8 =	sld [smem:$0x3FAB]  }
0x2e: {  	s3 =	simm.s32 @!p0 $0x1082;
	s9 =	sld [smem:$0x3FAC]  }
0x2f: {  	lr =	sadd.s32 s0, s3;
	s0 =	sld [smem:$0x3FA3]  }
0x30: {  	s3 =	sld [smem:$0x3FA6]  }
0x31: {  	[smem:$0x3FAF] =	sst s10  }
0x32: {  	s10 =	sld [smem:$0x3FAD];
	_ =	sdelay $0x3  }
0x33: {  	p0 =	seq.s32 s10, $0x1;
	s10 =	sld [smem:$0x3FAF];
	_ =	sdelay $0x3  }
0x34: {  	[smem:$0x3FAF] =	sst s10  }
0x35: {  	s10 =	sld [smem:$0x3FAE];
	_ =	sdelay $0x3  }
0x36: {  	p1 =	seq.s32 s10, $0x1;
	s10 =	sld [smem:$0x3FAF];
	_ =	sdelay $0x3  }
0x37: {  	[smem:$0x3FAF] =	sst s10  }
0x38: {  	s10 =	sld [smem:$0x3FB0]  }
0x39: {  	_ = 	snop;
	(pc) =	sbr.ind lr, $3  }
0x3a: {  	_ = 	snop  }
0x3b: {  	_ = 	snop  }
0x3c: {  	p2 =	seq.s32 s10, $0x1;
	s10 =	sld [smem:$0x3FAF]  }
0x3d: {  	_ =	shalt  }
0x3e: {  	_ =	shalt  }
0x3f: {  	_ =	shalt  }
0x40: {  	_ =	shalt  }
0x41: {  	_ =	shalt  }
0x42: {  	_ =	shalt  }
0x43: {  	_ =	shalt  }
0x44: {  	_ =	shalt  }
0x45: {  	_ =	shalt  }
0x46: {  	_ =	shalt  }
0x47: {  	_ =	shalt  }
0x48: {  	_ =	shalt  }
0x49: {  	_ =	shalt  }
0x4a: {  	_ =	shalt  }
0x4b: {  	_ =	shalt  }
0x4c: {  	_ =	shalt  }
0x4d: {  	_ =	shalt  }
0x4e: {  	_ =	shalt  }
0x4f: {  	_ =	shalt  }
0x50: {  	_ =	shalt  }
0x51: {  	_ =	shalt  }
0x52: {  	_ =	shalt  }
0x53: {  	_ =	shalt  }
0x54: {  	_ =	shalt  }
0x55: {  	_ =	shalt  }
0x56: {  	_ =	shalt  }
0x57: {  	_ =	shalt  }
0x58: {  	_ =	shalt  }
0x59: {  	_ =	shalt  }
0x5a: {  	_ =	shalt  }
0x5b: {  	_ =	shalt  }
0x5c: {  	_ =	shalt  }
0x5d: {  	_ =	shalt  }
0x5e: {  	_ =	shalt  }
0x5f: {  	_ =	shalt  }
0x60: {  	_ =	shalt  }
0x61: {  	_ =	shalt  }
0x62: {  	_ =	shalt  }
0x63: {  	_ =	shalt  }
0x64: {  	_ =	shalt  }
0x65: {  	_ =	shalt  }
0x66: {  	_ =	shalt  }
0x67: {  	_ =	shalt  }
0x68: {  	_ =	shalt  }
0x69: {  	_ =	shalt  }
0x6a: {  	_ =	shalt  }
0x6b: {  	_ =	shalt  }
0x6c: {  	_ =	shalt  }
0x6d: {  	_ =	shalt  }
0x6e: {  	_ =	shalt  }
0x6f: {  	_ =	shalt  }
0x70: {  	_ =	shalt  }
0x71: {  	_ =	shalt  }
0x72: {  	_ =	shalt  }
0x73: {  	_ =	shalt  }
0x74: {  	_ =	shalt  }
0x75: {  	_ =	shalt  }
0x76: {  	_ =	shalt  }
0x77: {  	_ =	shalt  }
0x78: {  	_ =	shalt  }
0x79: {  	_ =	shalt  }
0x7a: {  	_ =	shalt  }
0x7b: {  	_ =	shalt  }
0x7c: {  	_ =	shalt  }
0x7d: {  	_ =	shalt  }
0x7e: {  	_ =	shalt  }
0x7f: {  	_ =	shalt  }
0x80: {  	_ =	shalt  }
0x81: {  	_ =	shalt  }
0x82: {  	_ =	shalt  }
0x83: {  	_ =	shalt  }
0x84: {  	_ =	shalt  }
0x85: {  	_ =	shalt  }
0x86: {  	_ =	shalt  }
0x87: {  	_ =	shalt  }
.Lfunc_end0:
.L_simem_size_0:
called_computation.4_lowered:
.L_overlay_start_0:
0x88: {  	s2 =	sld [smem:$0x3FD9]  }
0x89: {  	s3 =	sld [smem:$0x3FFE];
	_ =	sdelay $0x1  }
0x8a: {  	s1 =	srdreg.scid  }
0x8b: {  	s0 =	sand.u32 $0x1, s1  }
0x8c: {  	s15 =	sshll.u32 s0, $0xA;
	s2 =	sadd.s32 s3, s2  }
0x8d: {  	s2 =	sadd.s32 s2, s15  }
0x8e: {  	[smem:$0x3FBB] =	sst s2  }
0x8f: {  	_ = 	snop  }
0x90: {  	s2 =	sld [smem:$0x3FD0];
	_ =	sdelay $0x2  }
0x91: {  	s16 =	simm.s32 $0xB;
	s4 =	simm.s32 $0x10  }
0x92: {  	[smem:s4], [sflag:s16] =	dma.local [hbm:s2], $0x1  }
0x93: {  	_ =	swait.eq [sflag:s16], $0x1  }
0x94: {  	[sflag:s16] =	ssyncset.done $0x0  }
0x95: {  	[sflag:s16] =	ssyncadd.s32 $0xFFFFFFFF  }
0x96: {  	s17 =	sld [smem:$0x12];
	(tm) =	ssettm $0x1  }
0x97: {  	s18 =	sld [smem:$0x3FFB];
	_ =	sdelay $0x3  }
0x98: {  	_ =	strace s18  }
0x99: {  	s2 =	sld [smem:$0x3FFC];
	_ =	sdelay $0x3  }
0x9a: {  	_ =	strace s2  }
0x9b: {  	s2 =	sld [smem:$0x3FFD];
	_ =	sdelay $0x3  }
0x9c: {  	_ =	strace s2  }
0x9d: {  	_ =	strace $0x8FFFFFFF  }
0x9e: {  	s19 =	sld [smem:$0x3FDB];
	_ =	sdelay $0x1  }
0x9f: {  	s20 =	simm.s32 $_scs_section_size  }
0xa0: {  	s5 =	simm.s32 $_size__tile_overlayer_lowered;
	s6 =	simm.s32 $_tile_overlayer_lowered  }
0xa1: {  	s7 =	simm.s32 $0x1BFF;
	s21 =	sshll.u32 s6, $0x1;
	s4 =	sadd.s32 s20, s19  }
0xa2: {  	s22 =	simm.s32 $0x0;
	s5 =	sshll.u32 s5, $0x1;
	s6 =	sadd.s32 s21, s4  }
0xa3: {  	[timem:s22], [sflag:s7] =	dma.local [hbm:s6], s5  }
0xa4: {  	_ =	swait.ge [sflag:s7], s5  }
0xa5: {  	s5 =	ssub.s32 $0x0, s5;
	[sflag:s7] =	ssyncset.done $0x0  }
0xa6: {  	[sflag:s7] =	ssyncadd.s32 s5;
	_ =	sdelay $0x1  }
0xa7: {  	s23 =	simm.s32 $0x1B8B  }
0xa8: {  	_ =	swait.ge [sflag:s23], $0x1  }
0xa9: {  	[sflag:s23] =	ssyncset.done $0x0  }
0xaa: {  	[sflag:s23] =	ssyncadd.s32 $0xFFFFFFFF  }
0xab: {  	s5 =	sld [smem:$0x0]  }
0xac: {  	s6 =	sand.u32 $0xFFFFFFFE, s1  }
0xad: {  	p0 =	sne.s32 s1, s6  }
0xae: {  	s6 =	sshll.u32 @p0 s6, $0xE  }
0xaf: {  	s6 =	sadd.s32 @p0 $0x11B8D, s6;
	s7 =	sshll.u32 @p0 s5, $0x11  }
0xb0: {  	s6 =	sor.u32 @p0 s7, s6  }
0xb1: {  	[sflag:s6] =	ssyncadd.remote.s32 @p0 $0x1;
	_ =	sdelay $0x1  }
0xb2: {  	s6 =	simm.s32 @p0 $0x1B8D  }
0xb3: {  	_ =	swait.eq @p0 [sflag:s6], $0x1  }
0xb4: {  	[sflag:s6] =	ssyncadd.s32 @p0 $0xFFFFFFFF  }
0xb5: {  	s7 =	sshll.u32 @!p0 s1, $0xE  }
0xb6: {  	s7 =	sor.u32 @!p0 $0x4000, s7;
	s6 =	simm.s32 @!p0 $0x1B8D  }
0xb7: {  	s5 =	sshll.u32 @!p0 s5, $0x11;
	s7 =	sadd.s32 @!p0 $0x11B8D, s7;
	_ =	swait.eq @!p0 [sflag:s6], $0x1  }
0xb8: {  	s5 =	sor.u32 @!p0 s5, s7;
	[sflag:s6] =	ssyncadd.s32 @!p0 $0xFFFFFFFF  }
0xb9: {  	s25 =	simm.s32 $0x1B8E;
	s24 =	sld [smem:$0x3FFE];
	[sflag:s5] =	ssyncadd.remote.s32 @!p0 $0x1  }
0xba: {  	s26 =	simm.s32 $execute0_lowered;
	[smem:$0x3FD2] =	sst s25  }
0xbb: {  	s6 =	sshll.u32 s26, $0x1;
	_ =	strace $0x80000055;
	[dreg:$0x1] =	wrdreg $0xFFFFFFFF  }
0xbc: {  	s28 =	simm.s32 $_size_execute0_lowered;
	s4 =	sadd.s32 s4, s6;
	[dreg:$0x0] =	wrdreg $0x0  }
0xbd: {  	s6 =	sshll.u32 s28, $0x1;
	[dreg:$0x2] =	wrdreg s4  }
0xbe: {  	[dreg:$0x3] =	wrdreg s6  }
0xbf: {  	[dreg:$0x4] =	wrdreg $0xC0  }
0xc0: {  	_ =	task [dreg:s22], $0x5FFFF  }
0xc1: {  	[dreg:$0x1] =	wrdreg $0xFFFFFFFF  }
0xc2: {  	[dreg:$0x0] =	wrdreg $0x60  }
0xc3: {  	[dreg:$0x2] =	wrdreg s24  }
0xc4: {  	[dreg:$0x3] =	wrdreg s17  }
0xc5: {  	[dreg:$0x4] =	wrdreg $0xA8000  }
0xc6: {  	[dreg:$0x5] =	wrdreg $0x9  }
0xc7: {  	_ =	task.clear_ibuf [dreg:s22], $0x6FFFF;
	_ =	strace $0x90000055  }
0xc8: {  	s29 =	simm.s32 $0x9;
	_ =	strace $0x80000057  }
0xc9: {  	_ =	swait.ge [sflag:s29], $0x1  }
0xca: {  	[sflag:s29] =	ssyncadd.s32 $0xFFFFFFFF  }
0xcb: {  	_ =	strace $0x90000057  }
0xcc: {  	_ =	sfence  }
0xcd: {  	s30 =	sld [smem:$0x0];
	_ =	sdelay $0x2  }
0xce: {  	s31 =	sshll.u32 s1, $0xD;
	s1 =	sshrl.u32 s1, $0x2  }
0xcf: {  	s4 =	sand.u32 $0x4000, s31;
	s1 =	sadd.s32 s1, s30  }
0xd0: {  	s0 =	sor.u32 s4, s0;
	s1 =	sshll.u32 s1, $0x11  }
0xd1: {  	s0 =	sor.u32 s1, s0  }
0xd2: {  	s0 =	sadd.s32 $0x8F2B, s0  }
0xd3: {  	[sflag:s0] =	ssyncadd.remote.s32 $0x1  }
0xd4: {  	_ =	sfence.sel $0xFFFF  }
0xd5: {  	[dreg:$0x0] =	wrdreg $0xFFFFFFFF;
	(pc) =	sbr.abs _section_cstart, $3  }
0xd6: {  	[dreg:$0x1] =	wrdreg $0xFFFFFFFF  }
0xd7: {  	_ =	task.clear_ibuf [dreg:s22], $0x2FFFF;
	_ =	strace $0x9FFFFFFF  }
0xd8: {  	(tm) =	ssettm $0x7FFFFFFF  }
0xd9: {  	_ =	shalt  }
tec
execute0_lowered:
.L_overlay_start_1:
0x0: {  	(tag) =	ssettag $0x1  }
0x1: {  	s5 =	rddreg [dreg:$0x0];
	s1 =	srdreg.scid  }
0x2: {  	s0 =	stileid.u32;
	s8 =	rddreg [dreg:$0x1]  }
0x3: {  	s2 =	rddreg [dreg:$0x2];
	s3 =	simm.s32 $0x0;
	s15 =	simm.s32 $0x2800  }
0x4: {  	s16 =	simm.s32 $0x1;
	s17 =	simm.s32 $0x2;
	s18 =	simm.s32 $0x0  }
0x5: {  	s6 =	sand.u32 $0x1, s1;
	s1 =	rddreg [dreg:$0x3];
	s9 =	smul.u32 $0x14000, s0  }
0x6: {  	s28 =	sshll.u32 s0, $0x1;
	[smem:$0x7FF] =	sst s3;
	s11 =	smul.u32 $0x50000, s0  }
0x7: {  	s31 =	sshll.u32 s0, $0x6;
	s4 =	sor.u32 s6, s28;
	s14 =	smul.u32 $0x140000, s6  }
0x8: {  	_ =	strace $0x80000056;
	s10 =	ssub.s32 $0x2, s6;
	s4 =	smul.u32 $0x280, s4  }
0x9: {  	s12 =	sshrl.u32 s9, $0x3;
	s13 =	sshrl.u32 s10, $0x1;
	s29 =	sshrl.u32 s11, $0x2  }
0xa: {  	s11 =	simm.s32 $0x1400;
	s12 =	sadd.s32 s12, s5;
	s10 =	ssub.s32 s10, s13  }
.Ltmp0:
0xb: {  	s9 =	sadd.s32 s9, s14;
	s30 =	sadd.s32 s29, s2;
	(pc) =	sbr.rel .LBB2_1-.Ltmp0, $4  }
0xc: {  	s14 =	simm.s32 $0x80;
	s7 =	sadd.s32 s4, s5;
	s4 =	sadd.s32 $0x2A400, s5  }
0xd: {  	s9 =	sshrl.u32 s9, $0x3;
	s13 =	sshrl.u32 s30, $0x3;
	s5 =	sadd.s32 $0x6400, s7  }
0xe: {  	s6 =	sadd.s32 $0xB400, s7;
	s7 =	sadd.s32 $0x52400, s12;
	s8 =	sadd.s32 s8, s9  }
0xf: {  	s9 =	smax.u32 s10, $0x1;
	s10 =	simm.s32 $0x3;
	s12 =	sor.u32 $0x1C03, s31  }
.LBB2_5:
0x10: {  	_ =	swait.ge [sflag:s17], $0x4000  }
0x11: {  	s18 =	sadd.s32 $0x1, s18;
	[sflag:s17] =	ssyncset.done $0x0  }
0x12: {  	p0 =	sne.s32 s18, s9;
	[sflag:s17] =	ssyncadd.s32 $0xFFFFC000  }
.Ltmp1:
0x13: {  	[bflag:$0x0] =	sbarrier.arrive $0xFFFF;
	(pc) =	sbr.rel @!p0 .LBB2_6-.Ltmp1, $4  }
0x14: {  	[hbm:s8], [sflag:s12] =	dma.local [spmem:s13], $0x2800  }
0x15: {  	_ =	swait.ge [sflag:s10], $0x2800  }
0x16: {  	[sflag:s10] =	ssyncset.done $0x0  }
0x17: {  	[sflag:s10] =	ssyncadd.s32 $0xFFFFD800  }
.LBB2_1:
0x18: {  	[tilespmem:s3], [sflag:$0x3] =	stream.linear.gather [hbm4b:s5+s3], $0x1400, $0x38;
	[tilespmem:$0x1E800] =	vst v63  }
0x19: {  	_ =	swait.ge [sflag:s10], $0x1400  }
0x1a: {  	[sflag:s10] =	ssyncset.done $0x0  }
0x1b: {  	[sflag:s10] =	ssyncadd.s32 $0xFFFFEC00  }
0x1c: {  	[tilespmem:s11], [sflag:$0x3] =	stream.linear.gather [hbm4b:s6+s3], $0x1400, $0x38;
	[tilespmem:$0x1E800] =	vst v63  }
0x1d: {  	_ =	swait.ge [sflag:s10], $0x1400  }
0x1e: {  	[sflag:s10] =	ssyncset.done $0x0  }
0x1f: {  	[sflag:s10] =	ssyncadd.s32 $0xFFFFEC00  }
0x20: {  	[spmem:s13], [sflag:s12] =	dma.local [hbm:s7], $0x2800  }
.Ltmp2:
0x21: {  	_ =	swait.ge [sflag:s10], $0x2800;
	(pc) =	sbr.rel .LBB2_2-.Ltmp2, $4  }
0x22: {  	[sflag:s10] =	ssyncset.done $0x0  }
0x23: {  	[sflag:s10] =	ssyncadd.s32 $0xFFFFD800  }
0x24: {  	s19 =	simm.s32 $0x0;
	[bflag:$0x0] =	sbarrier.arrive $0xFFFF  }
0x25: {  	[tilespmem:s15], [sflag:$0x1] =	stream.indirect.gather [hbm4b:s4+s14], $0x80, s3, s14, $0xb8;
	[tilespmem:$0x1E800] =	vst v63  }
.LBB2_4:
0x26: {  	p0 =	slt.u32 s20, $0x28  }
.Ltmp3:
0x27: {  	_ =	swait.ge [sflag:s16], $0x4000;
	s19 =	sshll.u32 s19, $0x7;
	(pc) =	sbr.rel @!p0 .LBB2_5-.Ltmp3, $4  }
0x28: {  	s21 =	sshll.u32 s21, $0xE;
	[sflag:s16] =	ssyncset.done $0x0;
	s19 =	sand.u32 $0x3FFFFF80, s19  }
0x29: {  	s21 =	sor.u32 $0x2800, s21;
	[sflag:s16] =	ssyncadd.s32 $0xFFFFC000;
	s19 =	sadd.s32 $0x1400, s19  }
0x2a: {  	[spmem:s2] =	stream.indirect.scatter.add.f32 [tilespmem:s21], [sflag:$0x2], $0x80, s19, s14, $0xb8;
	[tilespmem:$0x1E800] =	vst v63  }
0x2b: {  	s19 =	smov.u32 s20  }
.LBB2_2:
0x2c: {  	p0 =	seq.s32 s19, $0x0  }
0x2d: {  	p1 =	seq.s32 @!p0 s19, $0x27  }
0x2e: {  	p1 =	por p0, !p1  }
.Ltmp4:
0x2f: {  	_ = 	snop;
	(pc) =	sbr.rel @!p1 .LBB2_4-.Ltmp4, $4  }
0x30: {  	s20 =	simm.s32 @!p0 $0x2  }
0x31: {  	_ =	swait.ge @!p0 [sflag:s20], $0x4000  }
0x32: {  	[sflag:s20] =	ssyncset.done @!p0 $0x0  }
0x33: {  	s21 =	sand.u32 $0x1, s19;
	[sflag:s20] =	ssyncadd.s32 @!p0 $0xFFFFC000;
	s20 =	simm.s32 @!p0 $0x28  }
.Ltmp5:
0x34: {  	s20 =	sadd.s32 @!p0 $0x1, s19;
	(pc) =	sbr.rel .LBB2_4-.Ltmp5, $4  }
0x35: {  	s20 =	simm.s32 @p0 $0x1  }
0x36: {  	s22 =	sshll.u32 s21, $0xE;
	s23 =	sshll.u32 s20, $0x7  }
0x37: {  	s22 =	sxor.u32 $0x6800, s22;
	s23 =	sand.u32 $0x3FFFFF80, s23  }
0x38: {  	[tilespmem:s22], [sflag:$0x1] =	stream.indirect.gather [hbm4b:s4+s14], $0x80, s23, s14, $0xb8;
	[tilespmem:$0x1E800] =	vst v63  }
.LBB2_6:
0x39: {  	_ =	sfence.sel $0x180000  }
0x3a: {  	[bflag:$0x0] =	sbarrier.arrive $0xFFFF  }
0x3b: {  	p0 =	sne.s32 s0, $0x0;
	_ =	strace $0x90000056  }
0x3c: {  	s0 =	sadd.s32 @!p0 $0x100000, s1;
	[bflag:$0x2] =	sbarrier.arrive $0xFFFF  }
0x3d: {  	[sflag:s0] =	ssyncadd.tile.s32 @!p0 $0x1;
	_ =	shalt  }
.Lfunc_end2:
_tile_overlayer_lowered:
.L_overlay_start_2:
0x3e: {  	(tag) =	ssettag $0x2  }
0x3f: {  	s0 =	rddreg [dreg:$0x0];
	s2 =	stileid.u32  }
0x40: {  	s1 =	rddreg [dreg:$0x1];
	p0 =	sne.s32 s2, $0x0  }
0x41: {  	s3 =	rddreg [dreg:$0x2];
	[bflag:$0x3] =	sbarrier.arrive $0xFFFF;
	s2 =	simm.s32 @!p0 $0x1C03  }
0x42: {  	[timem:s3], [sflag:s2] =	dma.local @!p0 [hbm:s0], s1  }
0x43: {  	s0 =	simm.s32 @!p0 $0x3  }
0x44: {  	_ =	swait.ge @!p0 [sflag:s0], s1  }
0x45: {  	s1 =	ssub.s32 @!p0 $0x0, s1;
	[sflag:s0] =	ssyncset.done @!p0 $0x0  }
0x46: {  	[sflag:s0] =	ssyncadd.s32 @!p0 s1  }
0x47: {  	[bflag:$0x3] =	sbarrier.arrive $0xFFFF  }
0x48: {  	_ =	shalt  }

// kernel: kernel.32.cloned.1.call-start
scs
__scs_entry_jumppad:
0x0: {  	(pc) =	sbr.rel $0x88, $3  }
0x1: {  	(tag) =	ssettag $0x0;
	lr =	simm.s32 $0x1  }
0x2: {  	[smem:$0x3F94] =	sst lr;
	_ =	strace $0xD0000000  }
0x3: {  	_ = 	snop  }
0x4: {  	_ = 	snop  }
0x5: {  	_ = 	snop  }
0x6: {  	_ = 	snop  }
0x7: {  	_ = 	snop  }
__scs_overlays_trampoline_lowered:
0x8: {  	[smem:$0x3FA3] =	sst s0  }
0x9: {  	[smem:$0x3FA4] =	sst s1  }
0xa: {  	[smem:$0x3FA5] =	sst s2  }
0xb: {  	[smem:$0x3FA6] =	sst s3  }
0xc: {  	[smem:$0x3FA7] =	sst s4  }
0xd: {  	[smem:$0x3FA8] =	sst s5  }
0xe: {  	[smem:$0x3FA9] =	sst s6  }
0xf: {  	[smem:$0x3FAA] =	sst s7  }
0x10: {  	[smem:$0x3FAB] =	sst s8  }
0x11: {  	[smem:$0x3FAC] =	sst s9;
	s0 =	simm.s32 @!p0 $0x0  }
0x12: {  	s1 =	sld [smem:$0x3F92];
	s0 =	simm.s32 @p0 $0x1  }
0x13: {  	[smem:$0x3FAD] =	sst s0;
	s0 =	simm.s32 @!p1 $0x0  }
0x14: {  	s2 =	sld [smem:$0x3F91];
	s0 =	simm.s32 @p1 $0x1  }
0x15: {  	[smem:$0x3FAE] =	sst s0;
	s0 =	simm.s32 @!p2 $0x0  }
0x16: {  	s3 =	sld [smem:$0x3FDB];
	s0 =	simm.s32 @p2 $0x1  }
0x17: {  	s4 =	simm.s32 $0x1BF5;
	[smem:$0x3FB0] =	sst s0  }
0x18: {  	s0 =	sld [smem:$0x3F93];
	_ =	swait.ge [sflag:s4], $0x0  }
0x19: {  	s7 =	sld [smem:$0x3F94]  }
0x1a: {  	s8 =	sadd.s32 $0xFFFFE003, lr  }
0x1b: {  	s9 =	sadd.s32 $0xFFFFFEF7, lr;
	s5 =	simm.s32 $0xFFFFFFFF;
	p2 =	slt.u32 s8, $0xFFFFF086  }
0x1c: {  	p1 =	slt.u32 s9, $0xF7A;
	s5 =	simm.s32 @!p2 $0x0  }
0x1d: {  	s5 =	simm.s32 @p1 $0x1;
	p0 =	seq.s32 s7, s2  }
0x1e: {  	s7 =	smul.u32 @!p0 $0xF7A, s2;
	p2 =	seq.s32 @!p0 s5, $0x0  }
0x1f: {  	s9 =	smul.u32 $0xF7A, s1;
	s8 =	simm.s32 @!p0 $0x1BF5;
	p2 =	por !p2, p0  }
0x20: {  	[sflag:s8] =	ssyncset.s32 @!p0 $0xFFFFF086;
	s6 =	sadd.s32 @!p0 s3, s7;
	s7 =	simm.s32 @!p0 $0x108  }
0x21: {  	s3 =	sadd.s32 s3, s9;
	s6 =	sadd.s32 @!p0 $0x88, s6;
	s7 =	simm.s32 @p2 $0x1082  }
0x22: {  	[simem:s7], [sflag:s8] =	dma.local @!p0 [hbm:s6], $0xF7A  }
0x23: {  	s9 =	sor.u32 $0xD0000000, s2;
	s6 =	simm.s32 $0x108;
	_ =	swait.ge @!p0 [sflag:s8], $0x0  }
0x24: {  	s3 =	sadd.s32 $0x88, s3;
	s6 =	simm.s32 @!p1 $0x1082;
	[sflag:s4] =	ssyncset.s32 $0xFFFFF086  }
0x25: {  	[simem:s6], [sflag:s4] =	dma.local [hbm:s3], $0xF7A  }
0x26: {  	[smem:$0x3F94] =	sst s1;
	(tag) =	ssettag s2;
	_ =	strace s9  }
0x27: {  	s1 =	sld [smem:$0x3FA4]  }
0x28: {  	s2 =	sld [smem:$0x3FA5]  }
0x29: {  	s4 =	sld [smem:$0x3FA7]  }
0x2a: {  	p0 =	seq.s32 s5, $0x0;
	s5 =	sld [smem:$0x3FA8]  }
0x2b: {  	s6 =	sld [smem:$0x3FA9]  }
0x2c: {  	s7 =	sld [smem:$0x3FAA]  }
0x2d: {  	s3 =	simm.s32 $0x108;
	s8 =	sld [smem:$0x3FAB]  }
0x2e: {  	s3 =	simm.s32 @!p0 $0x1082;
	s9 =	sld [smem:$0x3FAC]  }
0x2f: {  	lr =	sadd.s32 s0, s3;
	s0 =	sld [smem:$0x3FA3]  }
0x30: {  	s3 =	sld [smem:$0x3FA6]  }
0x31: {  	[smem:$0x3FAF] =	sst s10  }
0x32: {  	s10 =	sld [smem:$0x3FAD];
	_ =	sdelay $0x3  }
0x33: {  	p0 =	seq.s32 s10, $0x1;
	s10 =	sld [smem:$0x3FAF];
	_ =	sdelay $0x3  }
0x34: {  	[smem:$0x3FAF] =	sst s10  }
0x35: {  	s10 =	sld [smem:$0x3FAE];
	_ =	sdelay $0x3  }
0x36: {  	p1 =	seq.s32 s10, $0x1;
	s10 =	sld [smem:$0x3FAF];
	_ =	sdelay $0x3  }
0x37: {  	[smem:$0x3FAF] =	sst s10  }
0x38: {  	s10 =	sld [smem:$0x3FB0]  }
0x39: {  	_ = 	snop;
	(pc) =	sbr.ind lr, $3  }
0x3a: {  	_ = 	snop  }
0x3b: {  	_ = 	snop  }
0x3c: {  	p2 =	seq.s32 s10, $0x1;
	s10 =	sld [smem:$0x3FAF]  }
0x3d: {  	_ =	shalt  }
0x3e: {  	_ =	shalt  }
0x3f: {  	_ =	shalt  }
0x40: {  	_ =	shalt  }
0x41: {  	_ =	shalt  }
0x42: {  	_ =	shalt  }
0x43: {  	_ =	shalt  }
0x44: {  	_ =	shalt  }
0x45: {  	_ =	shalt  }
0x46: {  	_ =	shalt  }
0x47: {  	_ =	shalt  }
0x48: {  	_ =	shalt  }
0x49: {  	_ =	shalt  }
0x4a: {  	_ =	shalt  }
0x4b: {  	_ =	shalt  }
0x4c: {  	_ =	shalt  }
0x4d: {  	_ =	shalt  }
0x4e: {  	_ =	shalt  }
0x4f: {  	_ =	shalt  }
0x50: {  	_ =	shalt  }
0x51: {  	_ =	shalt  }
0x52: {  	_ =	shalt  }
0x53: {  	_ =	shalt  }
0x54: {  	_ =	shalt  }
0x55: {  	_ =	shalt  }
0x56: {  	_ =	shalt  }
0x57: {  	_ =	shalt  }
0x58: {  	_ =	shalt  }
0x59: {  	_ =	shalt  }
0x5a: {  	_ =	shalt  }
0x5b: {  	_ =	shalt  }
0x5c: {  	_ =	shalt  }
0x5d: {  	_ =	shalt  }
0x5e: {  	_ =	shalt  }
0x5f: {  	_ =	shalt  }
0x60: {  	_ =	shalt  }
0x61: {  	_ =	shalt  }
0x62: {  	_ =	shalt  }
0x63: {  	_ =	shalt  }
0x64: {  	_ =	shalt  }
0x65: {  	_ =	shalt  }
0x66: {  	_ =	shalt  }
0x67: {  	_ =	shalt  }
0x68: {  	_ =	shalt  }
0x69: {  	_ =	shalt  }
0x6a: {  	_ =	shalt  }
0x6b: {  	_ =	shalt  }
0x6c: {  	_ =	shalt  }
0x6d: {  	_ =	shalt  }
0x6e: {  	_ =	shalt  }
0x6f: {  	_ =	shalt  }
0x70: {  	_ =	shalt  }
0x71: {  	_ =	shalt  }
0x72: {  	_ =	shalt  }
0x73: {  	_ =	shalt  }
0x74: {  	_ =	shalt  }
0x75: {  	_ =	shalt  }
0x76: {  	_ =	shalt  }
0x77: {  	_ =	shalt  }
0x78: {  	_ =	shalt  }
0x79: {  	_ =	shalt  }
0x7a: {  	_ =	shalt  }
0x7b: {  	_ =	shalt  }
0x7c: {  	_ =	shalt  }
0x7d: {  	_ =	shalt  }
0x7e: {  	_ =	shalt  }
0x7f: {  	_ =	shalt  }
0x80: {  	_ =	shalt  }
0x81: {  	_ =	shalt  }
0x82: {  	_ =	shalt  }
0x83: {  	_ =	shalt  }
0x84: {  	_ =	shalt  }
0x85: {  	_ =	shalt  }
0x86: {  	_ =	shalt  }
0x87: {  	_ =	shalt  }
.Lfunc_end0:
.L_simem_size_0:
called_computation.5_lowered:
.L_overlay_start_0:
0x88: {  	s2 =	sld [smem:$0x3FD9]  }
0x89: {  	s3 =	sld [smem:$0x3FFE];
	_ =	sdelay $0x1  }
0x8a: {  	s1 =	srdreg.scid  }
0x8b: {  	s0 =	sand.u32 $0x1, s1  }
0x8c: {  	s15 =	sshll.u32 s0, $0xA;
	s2 =	sadd.s32 s3, s2  }
0x8d: {  	s2 =	sadd.s32 s2, s15  }
0x8e: {  	[smem:$0x3FBB] =	sst s2  }
0x8f: {  	_ = 	snop  }
0x90: {  	s2 =	sld [smem:$0x3FD0];
	_ =	sdelay $0x2  }
0x91: {  	s16 =	simm.s32 $0xB;
	s4 =	simm.s32 $0x10  }
0x92: {  	[smem:s4], [sflag:s16] =	dma.local [hbm:s2], $0x1  }
0x93: {  	_ =	swait.eq [sflag:s16], $0x1  }
0x94: {  	[sflag:s16] =	ssyncset.done $0x0  }
0x95: {  	[sflag:s16] =	ssyncadd.s32 $0xFFFFFFFF  }
0x96: {  	s17 =	sld [smem:$0x10];
	(tm) =	ssettm $0x1  }
0x97: {  	s18 =	sld [smem:$0x3FFB];
	_ =	sdelay $0x3  }
0x98: {  	_ =	strace s18  }
0x99: {  	s2 =	sld [smem:$0x3FFC];
	_ =	sdelay $0x3  }
0x9a: {  	_ =	strace s2  }
0x9b: {  	s2 =	sld [smem:$0x3FFD];
	_ =	sdelay $0x3  }
0x9c: {  	_ =	strace s2  }
0x9d: {  	_ =	strace $0x8FFFFFFF  }
0x9e: {  	s19 =	sld [smem:$0x3FDB];
	_ =	sdelay $0x1  }
0x9f: {  	s20 =	simm.s32 $_scs_section_size  }
0xa0: {  	s5 =	simm.s32 $_size__tile_overlayer_lowered;
	s6 =	simm.s32 $_tile_overlayer_lowered  }
0xa1: {  	s7 =	simm.s32 $0x1BFF;
	s21 =	sshll.u32 s6, $0x1;
	s4 =	sadd.s32 s20, s19  }
0xa2: {  	s22 =	simm.s32 $0x0;
	s5 =	sshll.u32 s5, $0x1;
	s6 =	sadd.s32 s21, s4  }
0xa3: {  	[timem:s22], [sflag:s7] =	dma.local [hbm:s6], s5  }
0xa4: {  	_ =	swait.ge [sflag:s7], s5  }
0xa5: {  	s5 =	ssub.s32 $0x0, s5;
	[sflag:s7] =	ssyncset.done $0x0  }
0xa6: {  	[sflag:s7] =	ssyncadd.s32 s5;
	_ =	sdelay $0x1  }
0xa7: {  	s23 =	simm.s32 $0x1B8B  }
0xa8: {  	_ =	swait.ge [sflag:s23], $0x1  }
0xa9: {  	[sflag:s23] =	ssyncset.done $0x0  }
0xaa: {  	[sflag:s23] =	ssyncadd.s32 $0xFFFFFFFF  }
0xab: {  	s5 =	sld [smem:$0x0]  }
0xac: {  	s6 =	sand.u32 $0xFFFFFFFE, s1  }
0xad: {  	p0 =	sne.s32 s1, s6  }
0xae: {  	s6 =	sshll.u32 @p0 s6, $0xE  }
0xaf: {  	s6 =	sadd.s32 @p0 $0x11B8D, s6;
	s7 =	sshll.u32 @p0 s5, $0x11  }
0xb0: {  	s6 =	sor.u32 @p0 s7, s6  }
0xb1: {  	[sflag:s6] =	ssyncadd.remote.s32 @p0 $0x1;
	_ =	sdelay $0x1  }
0xb2: {  	s6 =	simm.s32 @p0 $0x1B8D  }
0xb3: {  	_ =	swait.eq @p0 [sflag:s6], $0x1  }
0xb4: {  	[sflag:s6] =	ssyncadd.s32 @p0 $0xFFFFFFFF  }
0xb5: {  	s7 =	sshll.u32 @!p0 s1, $0xE  }
0xb6: {  	s7 =	sor.u32 @!p0 $0x4000, s7;
	s6 =	simm.s32 @!p0 $0x1B8D  }
0xb7: {  	s5 =	sshll.u32 @!p0 s5, $0x11;
	s7 =	sadd.s32 @!p0 $0x11B8D, s7;
	_ =	swait.eq @!p0 [sflag:s6], $0x1  }
0xb8: {  	s5 =	sor.u32 @!p0 s5, s7;
	[sflag:s6] =	ssyncadd.s32 @!p0 $0xFFFFFFFF  }
0xb9: {  	s25 =	simm.s32 $0x1B8E;
	s24 =	sld [smem:$0x3FFE];
	[sflag:s5] =	ssyncadd.remote.s32 @!p0 $0x1  }
0xba: {  	s26 =	simm.s32 $execute0_lowered;
	[smem:$0x3FD2] =	sst s25  }
0xbb: {  	s6 =	sshll.u32 s26, $0x1;
	_ =	strace $0x80000052;
	[dreg:$0x1] =	wrdreg $0xFFFFFFFF  }
0xbc: {  	s28 =	simm.s32 $_size_execute0_lowered;
	s4 =	sadd.s32 s4, s6;
	[dreg:$0x0] =	wrdreg $0x0  }
0xbd: {  	s6 =	sshll.u32 s28, $0x1;
	[dreg:$0x2] =	wrdreg s4  }
0xbe: {  	[dreg:$0x3] =	wrdreg s6  }
0xbf: {  	[dreg:$0x4] =	wrdreg $0xC0  }
0xc0: {  	_ =	task [dreg:s22], $0x5FFFF  }
0xc1: {  	[dreg:$0x1] =	wrdreg $0xFFFFFFFF  }
0xc2: {  	[dreg:$0x0] =	wrdreg $0x60  }
0xc3: {  	[dreg:$0x2] =	wrdreg s24  }
0xc4: {  	[dreg:$0x3] =	wrdreg s17  }
0xc5: {  	[dreg:$0x4] =	wrdreg $0x88000  }
0xc6: {  	[dreg:$0x5] =	wrdreg $0xA  }
0xc7: {  	_ =	task.clear_ibuf [dreg:s22], $0x6FFFF;
	_ =	strace $0x90000052  }
0xc8: {  	s29 =	simm.s32 $0xA;
	_ =	strace $0x80000054  }
0xc9: {  	_ =	swait.ge [sflag:s29], $0x1  }
0xca: {  	[sflag:s29] =	ssyncadd.s32 $0xFFFFFFFF  }
0xcb: {  	_ =	strace $0x90000054  }
0xcc: {  	_ =	sfence  }
0xcd: {  	s30 =	sld [smem:$0x0];
	_ =	sdelay $0x2  }
0xce: {  	s31 =	sshll.u32 s1, $0xD;
	s1 =	sshrl.u32 s1, $0x2  }
0xcf: {  	s4 =	sand.u32 $0x4000, s31;
	s1 =	sadd.s32 s1, s30  }
0xd0: {  	s0 =	sor.u32 s4, s0;
	s1 =	sshll.u32 s1, $0x11  }
0xd1: {  	s0 =	sor.u32 s1, s0  }
0xd2: {  	s0 =	sadd.s32 $0x8F2B, s0  }
0xd3: {  	[sflag:s0] =	ssyncadd.remote.s32 $0x1  }
0xd4: {  	_ =	sfence.sel $0xFFFF  }
0xd5: {  	[dreg:$0x0] =	wrdreg $0xFFFFFFFF;
	(pc) =	sbr.abs _section_cstart, $3  }
0xd6: {  	[dreg:$0x1] =	wrdreg $0xFFFFFFFF  }
0xd7: {  	_ =	task.clear_ibuf [dreg:s22], $0x2FFFF;
	_ =	strace $0x9FFFFFFF  }
0xd8: {  	(tm) =	ssettm $0x7FFFFFFF  }
0xd9: {  	_ =	shalt  }
tec
execute0_lowered:
.L_overlay_start_1:
0x0: {  	(tag) =	ssettag $0x1  }
0x1: {  	s5 =	rddreg [dreg:$0x0]  }
0x2: {  	s8 =	rddreg [dreg:$0x1]  }
0x3: {  	s2 =	rddreg [dreg:$0x2];
	s3 =	srdreg.scid  }
0x4: {  	s0 =	rddreg [dreg:$0x3];
	s1 =	stileid.u32;
	s14 =	simm.s32 $0x80  }
0x5: {  	s15 =	simm.s32 $0x800;
	s16 =	simm.s32 $0x1;
	s17 =	simm.s32 $0x2  }
0x6: {  	s18 =	simm.s32 $0x0;
	s9 =	sand.u32 $0x1, s3;
	s3 =	simm.s32 $0x0  }
0x7: {  	s10 =	sshll.u32 s1, $0xB;
	s13 =	sshll.u32 s1, $0xE;
	s31 =	sshll.u32 s1, $0x6  }
0x8: {  	s4 =	sshll.u32 s9, $0xA;
	[smem:$0x7FF] =	sst s3;
	s6 =	ssub.s32 $0x2, s9  }
0x9: {  	s12 =	sadd.s32 s10, s5;
	s13 =	sadd.s32 s13, s2;
	s9 =	sshll.u32 s9, $0xF  }
0xa: {  	s8 =	sadd.s32 s8, s10;
	s4 =	sor.u32 s4, s10;
	_ =	strace $0x80000053  }
.Ltmp0:
0xb: {  	s11 =	sshrl.u32 s6, $0x1;
	s8 =	sadd.s32 s9, s8;
	(pc) =	sbr.rel .LBB2_1-.Ltmp0, $4  }
0xc: {  	s10 =	simm.s32 $0x3;
	s13 =	sshrl.u32 s13, $0x3;
	s4 =	sshrl.u32 s4, $0x3  }
0xd: {  	s11 =	ssub.s32 s6, s11;
	s7 =	sadd.s32 s4, s5;
	s4 =	sadd.s32 $0x10400, s5  }
0xe: {  	s9 =	smax.u32 s11, $0x1;
	s11 =	simm.s32 $0x400;
	s5 =	sadd.s32 $0x4400, s7  }
0xf: {  	s6 =	sadd.s32 $0x5400, s7;
	s7 =	sadd.s32 $0x22400, s12;
	s12 =	sor.u32 $0x1C03, s31  }
.LBB2_5:
0x10: {  	_ =	swait.ge [sflag:s17], $0x4000  }
0x11: {  	s18 =	sadd.s32 $0x1, s18;
	[sflag:s17] =	ssyncset.done $0x0  }
0x12: {  	p0 =	sne.s32 s18, s9;
	[sflag:s17] =	ssyncadd.s32 $0xFFFFC000  }
.Ltmp1:
0x13: {  	[bflag:$0x0] =	sbarrier.arrive $0xFFFF;
	(pc) =	sbr.rel @!p0 .LBB2_6-.Ltmp1, $4  }
0x14: {  	[hbm:s8], [sflag:s12] =	dma.local [spmem:s13], $0x800  }
0x15: {  	_ =	swait.ge [sflag:s10], $0x800  }
0x16: {  	[sflag:s10] =	ssyncset.done $0x0  }
0x17: {  	[sflag:s10] =	ssyncadd.s32 $0xFFFFF800  }
.LBB2_1:
0x18: {  	[tilespmem:s3], [sflag:$0x3] =	stream.linear.gather [hbm4b:s5+s3], $0x400, $0x38;
	[tilespmem:$0xC800] =	vst v63  }
0x19: {  	_ =	swait.ge [sflag:s10], $0x400  }
0x1a: {  	[sflag:s10] =	ssyncset.done $0x0  }
0x1b: {  	[sflag:s10] =	ssyncadd.s32 $0xFFFFFC00  }
0x1c: {  	[tilespmem:s11], [sflag:$0x3] =	stream.linear.gather [hbm4b:s6+s3], $0x400, $0x38;
	[tilespmem:$0xC800] =	vst v63  }
0x1d: {  	_ =	swait.ge [sflag:s10], $0x400  }
0x1e: {  	[sflag:s10] =	ssyncset.done $0x0  }
0x1f: {  	[sflag:s10] =	ssyncadd.s32 $0xFFFFFC00  }
0x20: {  	[spmem:s13], [sflag:s12] =	dma.local [hbm:s7], $0x800  }
.Ltmp2:
0x21: {  	_ =	swait.ge [sflag:s10], $0x800;
	(pc) =	sbr.rel .LBB2_2-.Ltmp2, $4  }
0x22: {  	[sflag:s10] =	ssyncset.done $0x0  }
0x23: {  	[sflag:s10] =	ssyncadd.s32 $0xFFFFF800  }
0x24: {  	s19 =	simm.s32 $0x0;
	[bflag:$0x0] =	sbarrier.arrive $0xFFFF  }
0x25: {  	[tilespmem:s15], [sflag:$0x1] =	stream.indirect.gather [hbm4b:s4+s14], $0x80, s3, s14, $0xb8;
	[tilespmem:$0xC800] =	vst v63  }
.LBB2_4:
0x26: {  	p0 =	slt.u32 s20, $0x8  }
.Ltmp3:
0x27: {  	_ =	swait.ge [sflag:s16], $0x4000;
	s19 =	sshll.u32 s19, $0x7;
	(pc) =	sbr.rel @!p0 .LBB2_5-.Ltmp3, $4  }
0x28: {  	s21 =	sshll.u32 s21, $0xE;
	[sflag:s16] =	ssyncset.done $0x0;
	s19 =	sand.u32 $0x3FFFFF80, s19  }
0x29: {  	s21 =	sor.u32 $0x800, s21;
	[sflag:s16] =	ssyncadd.s32 $0xFFFFC000;
	s19 =	sadd.s32 $0x400, s19  }
0x2a: {  	[spmem:s2] =	stream.indirect.scatter.add.f32 [tilespmem:s21], [sflag:$0x2], $0x80, s19, s14, $0xb8;
	[tilespmem:$0xC800] =	vst v63  }
0x2b: {  	s19 =	smov.u32 s20  }
.LBB2_2:
0x2c: {  	p0 =	seq.s32 s19, $0x0  }
0x2d: {  	p1 =	seq.s32 @!p0 s19, $0x7  }
0x2e: {  	p1 =	por p0, !p1  }
.Ltmp4:
0x2f: {  	_ = 	snop;
	(pc) =	sbr.rel @!p1 .LBB2_4-.Ltmp4, $4  }
0x30: {  	s20 =	simm.s32 @!p0 $0x2  }
0x31: {  	_ =	swait.ge @!p0 [sflag:s20], $0x4000  }
0x32: {  	[sflag:s20] =	ssyncset.done @!p0 $0x0  }
0x33: {  	s21 =	sand.u32 $0x1, s19;
	[sflag:s20] =	ssyncadd.s32 @!p0 $0xFFFFC000;
	s20 =	simm.s32 @!p0 $0x8  }
.Ltmp5:
0x34: {  	s20 =	sadd.s32 @!p0 $0x1, s19;
	(pc) =	sbr.rel .LBB2_4-.Ltmp5, $4  }
0x35: {  	s20 =	simm.s32 @p0 $0x1  }
0x36: {  	s22 =	sshll.u32 s21, $0xE;
	s23 =	sshll.u32 s20, $0x7  }
0x37: {  	s22 =	sxor.u32 $0x4800, s22;
	s23 =	sand.u32 $0x3FFFFF80, s23  }
0x38: {  	[tilespmem:s22], [sflag:$0x1] =	stream.indirect.gather [hbm4b:s4+s14], $0x80, s23, s14, $0xb8;
	[tilespmem:$0xC800] =	vst v63  }
.LBB2_6:
0x39: {  	_ =	sfence.sel $0x180000  }
0x3a: {  	[bflag:$0x0] =	sbarrier.arrive $0xFFFF  }
0x3b: {  	p0 =	sne.s32 s1, $0x0;
	_ =	strace $0x90000053  }
0x3c: {  	s0 =	sadd.s32 @!p0 $0x100000, s0;
	[bflag:$0x2] =	sbarrier.arrive $0xFFFF  }
0x3d: {  	[sflag:s0] =	ssyncadd.tile.s32 @!p0 $0x1;
	_ =	shalt  }
.Lfunc_end2:
_tile_overlayer_lowered:
.L_overlay_start_2:
0x3e: {  	(tag) =	ssettag $0x2  }
0x3f: {  	s0 =	rddreg [dreg:$0x0];
	s2 =	stileid.u32  }
0x40: {  	s1 =	rddreg [dreg:$0x1];
	p0 =	sne.s32 s2, $0x0  }
0x41: {  	s3 =	rddreg [dreg:$0x2];
	[bflag:$0x3] =	sbarrier.arrive $0xFFFF;
	s2 =	simm.s32 @!p0 $0x1C03  }
0x42: {  	[timem:s3], [sflag:s2] =	dma.local @!p0 [hbm:s0], s1  }
0x43: {  	s0 =	simm.s32 @!p0 $0x3  }
0x44: {  	_ =	swait.ge @!p0 [sflag:s0], s1  }
0x45: {  	s1 =	ssub.s32 @!p0 $0x0, s1;
	[sflag:s0] =	ssyncset.done @!p0 $0x0  }
0x46: {  	[sflag:s0] =	ssyncadd.s32 @!p0 s1  }
0x47: {  	[bflag:$0x3] =	sbarrier.arrive $0xFFFF  }
0x48: {  	_ =	shalt  }

</sc_bundles>
